<compile_context>
chip_gen: v7x
topology: tpu7x:2x2x1
jax: 0.10.2.dev20260603
libtpu: 0.0.44.dev20260713+nightly
codegen_flags: <defaults>
</compile_context>

<pallas_src>
import functools

import jax
import jax.numpy as jnp
from jax import lax
from jax.experimental import pallas as pl
from jax.experimental.pallas import tpu as pltpu
from jax.experimental.pallas import tpu_sc as plsc

N = 10000
E = 320000
D = 128
G = 128
DOUT = 10

NC, NS = 2, 16
NW = NC * NS
EPW = E // NW
KCH = (EPW + 127) // 128
EPW_PAD = KCH * 128
EPAD = NW * EPW_PAD
NPAD = 10240
RPT = NPAD // NS
BLK = 512
NBLK = NPAD // BLK

_MESH = plsc.VectorSubcoreMesh(
    core_axis_name="c", subcore_axis_name="s", num_cores=NC, num_subcores=NS)


def _fill_rows(ref, nrows, value):
  width = ref.shape[1]

  @pl.loop(jnp.int32(0), jnp.int32(nrows))
  def _(i):
    for c in range(width // 16):
      ref[i, pl.ds(c * 16, 16)] = jnp.full((16,), value, jnp.float32)


@functools.partial(
    pl.kernel,
    out_type=jax.ShapeDtypeStruct((NC * NPAD, 16), jnp.float32),
    mesh=_MESH,
    scratch_types=[
        pltpu.VMEM((KCH, 128), jnp.int32),
        pltpu.VMEM((128, 16), jnp.float32),
        pltpu.VMEM_SHARED((NPAD, 16), jnp.float32),
    ],
)
def _sc_degree(dst_hbm, out_hbm, dstv, ones_v, acc):
  cid = lax.axis_index("c").astype(jnp.int32)
  sid = lax.axis_index("s").astype(jnp.int32)
  wid = sid * jnp.int32(NC) + cid

  _fill_rows(ones_v, 128, 0.0)
  for q in range(RPT // 128):
    pltpu.sync_copy(ones_v, acc.at[pl.ds(sid * jnp.int32(RPT) + jnp.int32(q * 128), 128)])
  _fill_rows(ones_v, 128, 1.0)
  plsc.subcore_barrier()

  pltpu.sync_copy(dst_hbm.at[wid], dstv)

  @pl.loop(jnp.int32(0), jnp.int32(KCH))
  def _(j):
    pltpu.sync_copy(ones_v, acc.at[dstv.at[j]], add=True)
  plsc.subcore_barrier()
  pltpu.sync_copy(acc.at[pl.ds(sid * jnp.int32(RPT), RPT)],
                  out_hbm.at[pl.ds(cid * jnp.int32(NPAD) + sid * jnp.int32(RPT), RPT)])


@functools.partial(
    pl.kernel,
    out_type=jax.ShapeDtypeStruct((NC * NPAD, D), jnp.float32),
    mesh=_MESH,
    scratch_types=[
        pltpu.VMEM((KCH, 128), jnp.int32),
        pltpu.VMEM((KCH, 128), jnp.int32),
        pltpu.VMEM((128, D), jnp.float32),
        pltpu.VMEM_SHARED((NPAD, D), jnp.float32),
        pltpu.SemaphoreType.DMA,
    ],
)
def _sc_scatter(hs_hbm, src_hbm, dst_hbm, out_hbm, srcv, dstv, rows, acc, sem):
  cid = lax.axis_index("c").astype(jnp.int32)
  sid = lax.axis_index("s").astype(jnp.int32)
  wid = sid * jnp.int32(NC) + cid

  _fill_rows(rows, 128, 0.0)
  for q in range(RPT // 128):
    pltpu.sync_copy(rows, acc.at[pl.ds(sid * jnp.int32(RPT) + jnp.int32(q * 128), 128)])
  plsc.subcore_barrier()

  pltpu.sync_copy(src_hbm.at[wid], srcv)
  pltpu.sync_copy(dst_hbm.at[wid], dstv)

  @pl.loop(jnp.int32(0), jnp.int32(KCH))
  def _(j):
    pltpu.async_copy(hs_hbm.at[srcv.at[j]], rows, sem).wait()
    pltpu.sync_copy(rows, acc.at[dstv.at[j]], add=True)
  plsc.subcore_barrier()
  pltpu.sync_copy(acc.at[pl.ds(sid * jnp.int32(RPT), RPT)],
                  out_hbm.at[pl.ds(cid * jnp.int32(NPAD) + sid * jnp.int32(RPT), RPT)])


def _dot(a, b):
  return jnp.dot(a, b, precision=lax.Precision.HIGHEST,
                 preferred_element_type=jnp.float32)


def _tc_first_body(x_ref, w_ref, d0_ref, d1_ref, hs_ref, dinv_ref):
  deg = 1.0 + d0_ref[:, 0:1] + d1_ref[:, 0:1]
  dinv = lax.rsqrt(deg)
  hs_ref[...] = dinv * _dot(x_ref[...], w_ref[...])
  dinv_ref[...] = jnp.broadcast_to(dinv, (BLK, D))


def _tc_first(x_pad, W1, d0, d1):
  row = pl.BlockSpec((BLK, D), lambda i: (i, jnp.int32(0)))
  deg_spec = pl.BlockSpec((BLK, 16), lambda i: (i, jnp.int32(0)))
  full = pl.BlockSpec((D, D), lambda i: (jnp.int32(0), jnp.int32(0)))
  return pl.pallas_call(
      _tc_first_body,
      grid=(NBLK,),
      in_specs=[row, full, deg_spec, deg_spec],
      out_specs=[row, row],
      out_shape=[jax.ShapeDtypeStruct((NPAD, D), jnp.float32),
                 jax.ShapeDtypeStruct((NPAD, D), jnp.float32)],
  )(x_pad, W1, d0, d1)


def _tc_mid_body(hs_ref, p0_ref, p1_ref, dinv_ref, b_ref, w_ref, out_ref):
  agg = dinv_ref[...] * (p0_ref[...] + p1_ref[...] + hs_ref[...])
  h = jax.nn.relu(agg + b_ref[...])
  out_ref[...] = dinv_ref[...] * _dot(h, w_ref[...])


def _tc_mid(hs, p0, p1, dinv, b_prev, W_next):
  row = pl.BlockSpec((BLK, D), lambda i: (i, jnp.int32(0)))
  full = pl.BlockSpec((D, D), lambda i: (jnp.int32(0), jnp.int32(0)))
  bspec = pl.BlockSpec((1, D), lambda i: (jnp.int32(0), jnp.int32(0)))
  return pl.pallas_call(
      _tc_mid_body,
      grid=(NBLK,),
      in_specs=[row, row, row, row, bspec, full],
      out_specs=row,
      out_shape=jax.ShapeDtypeStruct((NPAD, D), jnp.float32),
  )(hs, p0, p1, dinv, b_prev, W_next)


def _tc_final_body(hs_ref, p0_ref, p1_ref, dinv_ref, b_ref, batch_ref,
                   wl_ref, bl_ref, out_ref, pooled, counts):
  i = pl.program_id(0)
  agg = dinv_ref[...] * (p0_ref[...] + p1_ref[...] + hs_ref[...])
  h = jax.nn.relu(agg + b_ref[...])
  gids = lax.broadcasted_iota(jnp.int32, (BLK, G), 1)
  onehot = (batch_ref[...] == gids).astype(jnp.float32)

  @pl.when(i == 0)
  def _():
    pooled[...] = jnp.zeros((G, D), jnp.float32)
    counts[...] = jnp.zeros((G, D), jnp.float32)

  contract = (((0,), (0,)), ((), ()))
  pooled[...] += lax.dot_general(onehot, h, contract,
                                 precision=lax.Precision.HIGHEST,
                                 preferred_element_type=jnp.float32)
  counts[...] += lax.dot_general(onehot, jnp.ones((BLK, D), jnp.float32),
                                 contract,
                                 precision=lax.Precision.HIGHEST,
                                 preferred_element_type=jnp.float32)

  @pl.when(i == NBLK - 1)
  def _():
    mean = pooled[...] / jnp.maximum(counts[...], 1.0)
    out_ref[...] = _dot(mean, wl_ref[...]) + bl_ref[...]


def _tc_final(hs, p0, p1, dinv, b_prev, batch2d, Wl_pad, bl_pad):
  row = pl.BlockSpec((BLK, D), lambda i: (i, jnp.int32(0)))
  full = pl.BlockSpec((D, D), lambda i: (jnp.int32(0), jnp.int32(0)))
  bspec = pl.BlockSpec((1, D), lambda i: (jnp.int32(0), jnp.int32(0)))
  bat = pl.BlockSpec((BLK, 1), lambda i: (i, jnp.int32(0)))
  outs = pl.BlockSpec((G, D), lambda i: (jnp.int32(0), jnp.int32(0)))
  return pl.pallas_call(
      _tc_final_body,
      grid=(NBLK,),
      in_specs=[row, row, row, row, bspec, bat, full, bspec],
      out_specs=outs,
      out_shape=jax.ShapeDtypeStruct((G, D), jnp.float32),
      scratch_shapes=[pltpu.VMEM((G, D), jnp.float32),
                      pltpu.VMEM((G, D), jnp.float32)],
      compiler_params=pltpu.CompilerParams(
          dimension_semantics=("arbitrary",)),
  )(hs, p0, p1, dinv, b_prev, batch2d, Wl_pad, bl_pad)


def kernel(x, edge_index, batch, W1, b1, W2, b2, W3, b3, Wl, bl):
  src = edge_index[0].astype(jnp.int32)
  dst = edge_index[1].astype(jnp.int32)
  pad_idx = jnp.full((EPAD - E,), N, jnp.int32)
  src_sh = jnp.concatenate([src, pad_idx]).reshape(NW, KCH, 128)
  dst_sh = jnp.concatenate([dst, pad_idx]).reshape(NW, KCH, 128)

  x_pad = jnp.zeros((NPAD, D), jnp.float32).at[:N].set(x)
  batch2d = jnp.concatenate(
      [batch.astype(jnp.int32), jnp.full((NPAD - N,), G, jnp.int32)]
  ).reshape(NPAD, 1)
  b1r, b2r, b3r = b1.reshape(1, D), b2.reshape(1, D), b3.reshape(1, D)
  Wl_pad = jnp.zeros((D, D), jnp.float32).at[:, :DOUT].set(Wl)
  bl_pad = jnp.zeros((1, D), jnp.float32).at[0, :DOUT].set(bl)

  degp = _sc_degree(dst_sh)
  d0, d1 = degp[:NPAD], degp[NPAD:]

  hs1, dinv = _tc_first(x_pad, W1, d0, d1)
  p1 = _sc_scatter(hs1, src_sh, dst_sh)
  hs2 = _tc_mid(hs1, p1[:NPAD], p1[NPAD:], dinv, b1r, W2)
  p2 = _sc_scatter(hs2, src_sh, dst_sh)
  hs3 = _tc_mid(hs2, p2[:NPAD], p2[NPAD:], dinv, b2r, W3)
  p3 = _sc_scatter(hs3, src_sh, dst_sh)
  outp = _tc_final(hs3, p3[:NPAD], p3[NPAD:], dinv, b3r, batch2d,
                   Wl_pad, bl_pad)
  return outp[:G, :DOUT]

# --- scband reference (transcript-rebuilt; emitter-appended) ---
"""Pipeline reference for scband-gcn-37108517437514 (READ-ONLY COPY).

The authoritative reference and input builder live on the scoring server;
editing this copy changes nothing except your own understanding.
"""

import jax
jax.config.update("jax_enable_x64", True)
import jax.numpy as jnp
import numpy as np

N = 10000
E = 320000
D_IN = 128
H = 128
D_OUT = 10
G = 128


def setup_inputs(seed: int = 0) -> dict:
    key = jax.random.key(seed)
    ks = jax.random.split(key, 12)
    x = jax.random.normal(ks[0], (N, D_IN), dtype=jnp.float32)
    edge_index = jax.random.randint(ks[1], (2, E), 0, N, dtype=jnp.int64)
    batch = jnp.sort(jax.random.randint(ks[2], (N,), 0, G, dtype=jnp.int64))
    def glorot(k, fan_in, fan_out):
        lim = float(np.sqrt(6.0 / (fan_in + fan_out)))
        return jax.random.uniform(k, (fan_in, fan_out), minval=-lim, maxval=lim, dtype=jnp.float32)
    W1 = glorot(ks[3], D_IN, H)
    b1 = jnp.zeros((H,), dtype=jnp.float32)
    W2 = glorot(ks[4], H, H)
    b2 = jnp.zeros((H,), dtype=jnp.float32)
    W3 = glorot(ks[5], H, H)
    b3 = jnp.zeros((H,), dtype=jnp.float32)
    Wl = glorot(ks[6], H, D_OUT)
    bl = jnp.zeros((D_OUT,), dtype=jnp.float32)
    return {"x": x, "edge_index": edge_index, "batch": batch,
            "W1": W1, "b1": b1, "W2": W2, "b2": b2, "W3": W3, "b3": b3,
            "Wl": Wl, "bl": bl}


def _gcn_conv(x, src, dst, norm, W, b):
    # PyG GCNConv: x' = D^-1/2 (A + I) D^-1/2 (x W) + b
    h = x @ W
    msg = h[src] * norm[:, None]
    agg = jax.ops.segment_sum(msg, dst, num_segments=N)
    return agg + b


def reference(x, edge_index, batch, W1, b1, W2, b2, W3, b3, Wl, bl):
    loops = jnp.arange(N, dtype=edge_index.dtype)
    src = jnp.concatenate([edge_index[0], loops])
    dst = jnp.concatenate([edge_index[1], loops])
    # symmetric normalization with self-loops
    deg = jax.ops.segment_sum(jnp.ones_like(dst, dtype=x.dtype), dst, num_segments=N)
    dinv = jnp.where(deg > 0, deg ** -0.5, 0.0)
    norm = dinv[src] * dinv[dst]

    h = jax.nn.relu(_gcn_conv(x, src, dst, norm, W1, b1))
    h = jax.nn.relu(_gcn_conv(h, src, dst, norm, W2, b2))
    h = jax.nn.relu(_gcn_conv(h, src, dst, norm, W3, b3))

    # global_mean_pool over graphs in the batch
    sums = jax.ops.segment_sum(h, batch, num_segments=G)
    counts = jax.ops.segment_sum(jnp.ones((N,), dtype=h.dtype), batch, num_segments=G)
    pooled = sums / jnp.clip(counts, 1.0)[:, None]

    # dropout is identity in eval mode (training=False)
    out = pooled @ Wl + bl
    return out

if __name__ == "__main__":
    import jax
    _d = setup_inputs()
    print(jax.jit(kernel)(*tuple(_d.values())))

</pallas_src>

<mosaic_0001>
#map = affine_map<(d0, d1) -> (0, 0)>
#map1 = affine_map<(d0, d1) -> (0, 0, 0)>
module attributes {stable_mosaic.version = 14 : i64} {
  func.func @_sc_scatter(%arg0: i32, %arg1: i32, %arg2: memref<10240x128xf32, #tpu.memory_space<hbm>>, %arg3: memref<32x79x128xi32, #tpu.memory_space<hbm>>, %arg4: memref<32x79x128xi32, #tpu.memory_space<hbm>>, %arg5: memref<20480x128xf32, #tpu.memory_space<hbm>>, %arg6: memref<79x128xi32, #tpu.memory_space<vmem>>, %arg7: memref<79x128xi32, #tpu.memory_space<vmem>>, %arg8: memref<128x128xf32, #tpu.memory_space<vmem>>, %arg9: memref<10240x128xf32, #tpu.memory_space<vmem_shared>>, %arg10: memref<!tpu.dma_semaphore, #tpu.memory_space<semaphore_mem>>) attributes {dimension_semantics = [#tpu.dimension_semantics<core_parallel>, #tpu.dimension_semantics<subcore_parallel>], iteration_bounds = array<i64: 2, 16>, scalar_prefetch = 0 : i64, scratch_operands = 5 : i64, tpu.core_type = #tpu.core_type<sc_vector_subcore>, window_params = [{transform_indices = #map}, {transform_indices = #map1}, {transform_indices = #map1}, {transform_indices = #map}]} {
    %mul3A = arith.constant 2 : i32
    %mul3A_0 = arith.muli %arg1, %mul3A : i32
    %add3A = arith.addi %mul3A_0, %arg0 : i32
    %sub3A = arith.constant 128 : i32
    %sub3A_1 = arith.constant 0 : i32
    %sub3A_2 = arith.subi %sub3A, %sub3A_1 : i32
    %sub3A_3 = arith.constant 1 : i32
    %sub3A_4 = arith.constant 1 : i32
    %sub3A_5 = arith.subi %sub3A_3, %sub3A_4 : i32
    %add3A_6 = arith.addi %sub3A_2, %sub3A_5 : i32
    %div3A = arith.constant 1 : i32
    %div3A_7 = arith.divsi %add3A_6, %div3A : i32
    %while3A = arith.constant 1 : i32
    %while3A_8 = arith.constant 0 : i32
    %while3A_9 = arith.constant 0 : i32
    %while3A_10 = arith.subi %div3A_7, %while3A_9 : i32
    %while3A_11 = arith.addi %while3A_9, %while3A_10 : i32
    %while3A_12 = arith.constant 1 : i32
    %while3A_13 = arith.divsi %while3A_10, %while3A_12 : i32
    %while3A_14 = arith.muli %while3A_13, %while3A_12 : i32
    %while3A_15 = arith.addi %while3A_9, %while3A_14 : i32
    %while3A_16 = arith.constant 1 : i32
    scf.for %while3A_66 = %while3A_9 to %while3A_15 step %while3A_16  : i32 {
      %mul3A_67 = arith.muli %while3A_66, %while3A : i32
      %add3A_68 = arith.addi %while3A_8, %mul3A_67 : i32
      %broadcast_in_dim3A = arith.constant 0.000000e+00 : f32
      %broadcast_in_dim3A_69 = vector.broadcast %broadcast_in_dim3A : f32 to vector<16xf32>
      %swap3A = arith.index_cast %add3A_68 : i32 to index
      %swap3A_70 = arith.constant 0 : index
      %swap3A_71 = tpu.vector_load %arg8[%swap3A, %swap3A_70] {strides = array<i32>} : memref<128x128xf32, #tpu.memory_space<vmem>>, vector<1x16xf32>,
      %swap3A_72 = vector.shape_cast %swap3A_71 : vector<1x16xf32> to vector<16xf32>
      %swap3A_73 = vector.shape_cast %broadcast_in_dim3A_69 : vector<16xf32> to vector<1x16xf32>
      tpu.vector_store %arg8[%swap3A, %swap3A_70], %swap3A_73 {strides = array<i32>} : memref<128x128xf32, #tpu.memory_space<vmem>>, vector<1x16xf32>,
      %broadcast_in_dim3A_74 = arith.constant 0.000000e+00 : f32
      %broadcast_in_dim3A_75 = vector.broadcast %broadcast_in_dim3A_74 : f32 to vector<16xf32>
      %swap3A_76 = arith.index_cast %add3A_68 : i32 to index
      %swap3A_77 = arith.constant 16 : index
      %swap3A_78 = tpu.vector_load %arg8[%swap3A_76, %swap3A_77] {strides = array<i32>} : memref<128x128xf32, #tpu.memory_space<vmem>>, vector<1x16xf32>,
      %swap3A_79 = vector.shape_cast %swap3A_78 : vector<1x16xf32> to vector<16xf32>
      %swap3A_80 = vector.shape_cast %broadcast_in_dim3A_75 : vector<16xf32> to vector<1x16xf32>
      tpu.vector_store %arg8[%swap3A_76, %swap3A_77], %swap3A_80 {strides = array<i32>} : memref<128x128xf32, #tpu.memory_space<vmem>>, vector<1x16xf32>,
      %broadcast_in_dim3A_81 = arith.constant 0.000000e+00 : f32
      %broadcast_in_dim3A_82 = vector.broadcast %broadcast_in_dim3A_81 : f32 to vector<16xf32>
      %swap3A_83 = arith.index_cast %add3A_68 : i32 to index
      %swap3A_84 = arith.constant 32 : index
      %swap3A_85 = tpu.vector_load %arg8[%swap3A_83, %swap3A_84] {strides = array<i32>} : memref<128x128xf32, #tpu.memory_space<vmem>>, vector<1x16xf32>,
      %swap3A_86 = vector.shape_cast %swap3A_85 : vector<1x16xf32> to vector<16xf32>
      %swap3A_87 = vector.shape_cast %broadcast_in_dim3A_82 : vector<16xf32> to vector<1x16xf32>
      tpu.vector_store %arg8[%swap3A_83, %swap3A_84], %swap3A_87 {strides = array<i32>} : memref<128x128xf32, #tpu.memory_space<vmem>>, vector<1x16xf32>,
      %broadcast_in_dim3A_88 = arith.constant 0.000000e+00 : f32
      %broadcast_in_dim3A_89 = vector.broadcast %broadcast_in_dim3A_88 : f32 to vector<16xf32>
      %swap3A_90 = arith.index_cast %add3A_68 : i32 to index
      %swap3A_91 = arith.constant 48 : index
      %swap3A_92 = tpu.vector_load %arg8[%swap3A_90, %swap3A_91] {strides = array<i32>} : memref<128x128xf32, #tpu.memory_space<vmem>>, vector<1x16xf32>,
      %swap3A_93 = vector.shape_cast %swap3A_92 : vector<1x16xf32> to vector<16xf32>
      %swap3A_94 = vector.shape_cast %broadcast_in_dim3A_89 : vector<16xf32> to vector<1x16xf32>
      tpu.vector_store %arg8[%swap3A_90, %swap3A_91], %swap3A_94 {strides = array<i32>} : memref<128x128xf32, #tpu.memory_space<vmem>>, vector<1x16xf32>,
      %broadcast_in_dim3A_95 = arith.constant 0.000000e+00 : f32
      %broadcast_in_dim3A_96 = vector.broadcast %broadcast_in_dim3A_95 : f32 to vector<16xf32>
      %swap3A_97 = arith.index_cast %add3A_68 : i32 to index
      %swap3A_98 = arith.constant 64 : index
      %swap3A_99 = tpu.vector_load %arg8[%swap3A_97, %swap3A_98] {strides = array<i32>} : memref<128x128xf32, #tpu.memory_space<vmem>>, vector<1x16xf32>,
      %swap3A_100 = vector.shape_cast %swap3A_99 : vector<1x16xf32> to vector<16xf32>
      %swap3A_101 = vector.shape_cast %broadcast_in_dim3A_96 : vector<16xf32> to vector<1x16xf32>
      tpu.vector_store %arg8[%swap3A_97, %swap3A_98], %swap3A_101 {strides = array<i32>} : memref<128x128xf32, #tpu.memory_space<vmem>>, vector<1x16xf32>,
      %broadcast_in_dim3A_102 = arith.constant 0.000000e+00 : f32
      %broadcast_in_dim3A_103 = vector.broadcast %broadcast_in_dim3A_102 : f32 to vector<16xf32>
      %swap3A_104 = arith.index_cast %add3A_68 : i32 to index
      %swap3A_105 = arith.constant 80 : index
      %swap3A_106 = tpu.vector_load %arg8[%swap3A_104, %swap3A_105] {strides = array<i32>} : memref<128x128xf32, #tpu.memory_space<vmem>>, vector<1x16xf32>,
      %swap3A_107 = vector.shape_cast %swap3A_106 : vector<1x16xf32> to vector<16xf32>
      %swap3A_108 = vector.shape_cast %broadcast_in_dim3A_103 : vector<16xf32> to vector<1x16xf32>
      tpu.vector_store %arg8[%swap3A_104, %swap3A_105], %swap3A_108 {strides = array<i32>} : memref<128x128xf32, #tpu.memory_space<vmem>>, vector<1x16xf32>,
      %broadcast_in_dim3A_109 = arith.constant 0.000000e+00 : f32
      %broadcast_in_dim3A_110 = vector.broadcast %broadcast_in_dim3A_109 : f32 to vector<16xf32>
      %swap3A_111 = arith.index_cast %add3A_68 : i32 to index
      %swap3A_112 = arith.constant 96 : index
      %swap3A_113 = tpu.vector_load %arg8[%swap3A_111, %swap3A_112] {strides = array<i32>} : memref<128x128xf32, #tpu.memory_space<vmem>>, vector<1x16xf32>,
      %swap3A_114 = vector.shape_cast %swap3A_113 : vector<1x16xf32> to vector<16xf32>
      %swap3A_115 = vector.shape_cast %broadcast_in_dim3A_110 : vector<16xf32> to vector<1x16xf32>
      tpu.vector_store %arg8[%swap3A_111, %swap3A_112], %swap3A_115 {strides = array<i32>} : memref<128x128xf32, #tpu.memory_space<vmem>>, vector<1x16xf32>,
      %broadcast_in_dim3A_116 = arith.constant 0.000000e+00 : f32
      %broadcast_in_dim3A_117 = vector.broadcast %broadcast_in_dim3A_116 : f32 to vector<16xf32>
      %swap3A_118 = arith.index_cast %add3A_68 : i32 to index
      %swap3A_119 = arith.constant 112 : index
      %swap3A_120 = tpu.vector_load %arg8[%swap3A_118, %swap3A_119] {strides = array<i32>} : memref<128x128xf32, #tpu.memory_space<vmem>>, vector<1x16xf32>,
      %swap3A_121 = vector.shape_cast %swap3A_120 : vector<1x16xf32> to vector<16xf32>
      %swap3A_122 = vector.shape_cast %broadcast_in_dim3A_117 : vector<16xf32> to vector<1x16xf32>
      tpu.vector_store %arg8[%swap3A_118, %swap3A_119], %swap3A_122 {strides = array<i32>} : memref<128x128xf32, #tpu.memory_space<vmem>>, vector<1x16xf32>,
    }
    %while3A_17 = arith.constant 1 : i32
    scf.for %while3A_66 = %while3A_15 to %while3A_11 step %while3A_17  : i32 {
      %mul3A_67 = arith.muli %while3A_66, %while3A : i32
      %add3A_68 = arith.addi %while3A_8, %mul3A_67 : i32
      %broadcast_in_dim3A = arith.constant 0.000000e+00 : f32
      %broadcast_in_dim3A_69 = vector.broadcast %broadcast_in_dim3A : f32 to vector<16xf32>
      %swap3A = arith.index_cast %add3A_68 : i32 to index
      %swap3A_70 = arith.constant 0 : index
      %swap3A_71 = tpu.vector_load %arg8[%swap3A, %swap3A_70] {strides = array<i32>} : memref<128x128xf32, #tpu.memory_space<vmem>>, vector<1x16xf32>,
      %swap3A_72 = vector.shape_cast %swap3A_71 : vector<1x16xf32> to vector<16xf32>
      %swap3A_73 = vector.shape_cast %broadcast_in_dim3A_69 : vector<16xf32> to vector<1x16xf32>
      tpu.vector_store %arg8[%swap3A, %swap3A_70], %swap3A_73 {strides = array<i32>} : memref<128x128xf32, #tpu.memory_space<vmem>>, vector<1x16xf32>,
      %broadcast_in_dim3A_74 = arith.constant 0.000000e+00 : f32
      %broadcast_in_dim3A_75 = vector.broadcast %broadcast_in_dim3A_74 : f32 to vector<16xf32>
      %swap3A_76 = arith.index_cast %add3A_68 : i32 to index
      %swap3A_77 = arith.constant 16 : index
      %swap3A_78 = tpu.vector_load %arg8[%swap3A_76, %swap3A_77] {strides = array<i32>} : memref<128x128xf32, #tpu.memory_space<vmem>>, vector<1x16xf32>,
      %swap3A_79 = vector.shape_cast %swap3A_78 : vector<1x16xf32> to vector<16xf32>
      %swap3A_80 = vector.shape_cast %broadcast_in_dim3A_75 : vector<16xf32> to vector<1x16xf32>
      tpu.vector_store %arg8[%swap3A_76, %swap3A_77], %swap3A_80 {strides = array<i32>} : memref<128x128xf32, #tpu.memory_space<vmem>>, vector<1x16xf32>,
      %broadcast_in_dim3A_81 = arith.constant 0.000000e+00 : f32
      %broadcast_in_dim3A_82 = vector.broadcast %broadcast_in_dim3A_81 : f32 to vector<16xf32>
      %swap3A_83 = arith.index_cast %add3A_68 : i32 to index
      %swap3A_84 = arith.constant 32 : index
      %swap3A_85 = tpu.vector_load %arg8[%swap3A_83, %swap3A_84] {strides = array<i32>} : memref<128x128xf32, #tpu.memory_space<vmem>>, vector<1x16xf32>,
      %swap3A_86 = vector.shape_cast %swap3A_85 : vector<1x16xf32> to vector<16xf32>
      %swap3A_87 = vector.shape_cast %broadcast_in_dim3A_82 : vector<16xf32> to vector<1x16xf32>
      tpu.vector_store %arg8[%swap3A_83, %swap3A_84], %swap3A_87 {strides = array<i32>} : memref<128x128xf32, #tpu.memory_space<vmem>>, vector<1x16xf32>,
      %broadcast_in_dim3A_88 = arith.constant 0.000000e+00 : f32
      %broadcast_in_dim3A_89 = vector.broadcast %broadcast_in_dim3A_88 : f32 to vector<16xf32>
      %swap3A_90 = arith.index_cast %add3A_68 : i32 to index
      %swap3A_91 = arith.constant 48 : index
      %swap3A_92 = tpu.vector_load %arg8[%swap3A_90, %swap3A_91] {strides = array<i32>} : memref<128x128xf32, #tpu.memory_space<vmem>>, vector<1x16xf32>,
      %swap3A_93 = vector.shape_cast %swap3A_92 : vector<1x16xf32> to vector<16xf32>
      %swap3A_94 = vector.shape_cast %broadcast_in_dim3A_89 : vector<16xf32> to vector<1x16xf32>
      tpu.vector_store %arg8[%swap3A_90, %swap3A_91], %swap3A_94 {strides = array<i32>} : memref<128x128xf32, #tpu.memory_space<vmem>>, vector<1x16xf32>,
      %broadcast_in_dim3A_95 = arith.constant 0.000000e+00 : f32
      %broadcast_in_dim3A_96 = vector.broadcast %broadcast_in_dim3A_95 : f32 to vector<16xf32>
      %swap3A_97 = arith.index_cast %add3A_68 : i32 to index
      %swap3A_98 = arith.constant 64 : index
      %swap3A_99 = tpu.vector_load %arg8[%swap3A_97, %swap3A_98] {strides = array<i32>} : memref<128x128xf32, #tpu.memory_space<vmem>>, vector<1x16xf32>,
      %swap3A_100 = vector.shape_cast %swap3A_99 : vector<1x16xf32> to vector<16xf32>
      %swap3A_101 = vector.shape_cast %broadcast_in_dim3A_96 : vector<16xf32> to vector<1x16xf32>
      tpu.vector_store %arg8[%swap3A_97, %swap3A_98], %swap3A_101 {strides = array<i32>} : memref<128x128xf32, #tpu.memory_space<vmem>>, vector<1x16xf32>,
      %broadcast_in_dim3A_102 = arith.constant 0.000000e+00 : f32
      %broadcast_in_dim3A_103 = vector.broadcast %broadcast_in_dim3A_102 : f32 to vector<16xf32>
      %swap3A_104 = arith.index_cast %add3A_68 : i32 to index
      %swap3A_105 = arith.constant 80 : index
      %swap3A_106 = tpu.vector_load %arg8[%swap3A_104, %swap3A_105] {strides = array<i32>} : memref<128x128xf32, #tpu.memory_space<vmem>>, vector<1x16xf32>,
      %swap3A_107 = vector.shape_cast %swap3A_106 : vector<1x16xf32> to vector<16xf32>
      %swap3A_108 = vector.shape_cast %broadcast_in_dim3A_103 : vector<16xf32> to vector<1x16xf32>
      tpu.vector_store %arg8[%swap3A_104, %swap3A_105], %swap3A_108 {strides = array<i32>} : memref<128x128xf32, #tpu.memory_space<vmem>>, vector<1x16xf32>,
      %broadcast_in_dim3A_109 = arith.constant 0.000000e+00 : f32
      %broadcast_in_dim3A_110 = vector.broadcast %broadcast_in_dim3A_109 : f32 to vector<16xf32>
      %swap3A_111 = arith.index_cast %add3A_68 : i32 to index
      %swap3A_112 = arith.constant 96 : index
      %swap3A_113 = tpu.vector_load %arg8[%swap3A_111, %swap3A_112] {strides = array<i32>} : memref<128x128xf32, #tpu.memory_space<vmem>>, vector<1x16xf32>,
      %swap3A_114 = vector.shape_cast %swap3A_113 : vector<1x16xf32> to vector<16xf32>
      %swap3A_115 = vector.shape_cast %broadcast_in_dim3A_110 : vector<16xf32> to vector<1x16xf32>
      tpu.vector_store %arg8[%swap3A_111, %swap3A_112], %swap3A_115 {strides = array<i32>} : memref<128x128xf32, #tpu.memory_space<vmem>>, vector<1x16xf32>,
      %broadcast_in_dim3A_116 = arith.constant 0.000000e+00 : f32
      %broadcast_in_dim3A_117 = vector.broadcast %broadcast_in_dim3A_116 : f32 to vector<16xf32>
      %swap3A_118 = arith.index_cast %add3A_68 : i32 to index
      %swap3A_119 = arith.constant 112 : index
      %swap3A_120 = tpu.vector_load %arg8[%swap3A_118, %swap3A_119] {strides = array<i32>} : memref<128x128xf32, #tpu.memory_space<vmem>>, vector<1x16xf32>,
      %swap3A_121 = vector.shape_cast %swap3A_120 : vector<1x16xf32> to vector<16xf32>
      %swap3A_122 = vector.shape_cast %broadcast_in_dim3A_117 : vector<16xf32> to vector<1x16xf32>
      tpu.vector_store %arg8[%swap3A_118, %swap3A_119], %swap3A_122 {strides = array<i32>} : memref<128x128xf32, #tpu.memory_space<vmem>>, vector<1x16xf32>,
    }
    %mul3A_18 = arith.constant 640 : i32
    %mul3A_19 = arith.muli %arg1, %mul3A_18 : i32
    %add3A_20 = arith.constant 0 : i32
    %add3A_21 = arith.addi %mul3A_19, %add3A_20 : i32
    "tpu.region"() ({
      %run_scoped3A = tpu.sem_alloc : memref<!tpu.dma_semaphore, #tpu.memory_space<semaphore_mem>>
      %dma_start3A = arith.constant 0 : i32
      %dma_start3A_66 = tpu.memref_slice %arg9[%add3A_21, %dma_start3A] : memref<10240x128xf32, #tpu.memory_space<vmem_shared>> -> memref<128x128xf32, #tpu.memory_space<vmem_shared>>
      %dma_start3A_67 = arith.constant 0 : i32
      %dma_start3A_68 = tpu.memref_slice %arg9[%add3A_21, %dma_start3A_67] : memref<10240x128xf32, #tpu.memory_space<vmem_shared>> -> memref<128x128xf32, #tpu.memory_space<vmem_shared>>
      tpu.enqueue_dma source(%arg8 : memref<128x128xf32, #tpu.memory_space<vmem>>) target(%dma_start3A_68 : memref<128x128xf32, #tpu.memory_space<vmem_shared>>) target_semaphore(%run_scoped3A : memref<!tpu.dma_semaphore, #tpu.memory_space<semaphore_mem>>)
      %dma_wait3A = arith.constant 0 : i32
      %dma_wait3A_69 = tpu.memref_slice %arg9[%add3A_21, %dma_wait3A] : memref<10240x128xf32, #tpu.memory_space<vmem_shared>> -> memref<128x128xf32, #tpu.memory_space<vmem_shared>>
      %dma_wait3A_70 = arith.constant 0 : i32
      %dma_wait3A_71 = tpu.memref_slice %arg9[%add3A_21, %dma_wait3A_70] : memref<10240x128xf32, #tpu.memory_space<vmem_shared>> -> memref<128x128xf32, #tpu.memory_space<vmem_shared>>
      tpu.wait_dma2 semaphore(%run_scoped3A : memref<!tpu.dma_semaphore, #tpu.memory_space<semaphore_mem>>) src(%arg8 : memref<128x128xf32, #tpu.memory_space<vmem>>) dst(%dma_wait3A_71 : memref<128x128xf32, #tpu.memory_space<vmem_shared>>)
      tpu.yield
    }) : () -> ()
    %mul3A_22 = arith.constant 640 : i32
    %mul3A_23 = arith.muli %arg1, %mul3A_22 : i32
    %add3A_24 = arith.constant 128 : i32
    %add3A_25 = arith.addi %mul3A_23, %add3A_24 : i32
    "tpu.region"() ({
      %run_scoped3A = tpu.sem_alloc : memref<!tpu.dma_semaphore, #tpu.memory_space<semaphore_mem>>
      %dma_start3A = arith.constant 0 : i32
      %dma_start3A_66 = tpu.memref_slice %arg9[%add3A_25, %dma_start3A] : memref<10240x128xf32, #tpu.memory_space<vmem_shared>> -> memref<128x128xf32, #tpu.memory_space<vmem_shared>>
      %dma_start3A_67 = arith.constant 0 : i32
      %dma_start3A_68 = tpu.memref_slice %arg9[%add3A_25, %dma_start3A_67] : memref<10240x128xf32, #tpu.memory_space<vmem_shared>> -> memref<128x128xf32, #tpu.memory_space<vmem_shared>>
      tpu.enqueue_dma source(%arg8 : memref<128x128xf32, #tpu.memory_space<vmem>>) target(%dma_start3A_68 : memref<128x128xf32, #tpu.memory_space<vmem_shared>>) target_semaphore(%run_scoped3A : memref<!tpu.dma_semaphore, #tpu.memory_space<semaphore_mem>>)
      %dma_wait3A = arith.constant 0 : i32
      %dma_wait3A_69 = tpu.memref_slice %arg9[%add3A_25, %dma_wait3A] : memref<10240x128xf32, #tpu.memory_space<vmem_shared>> -> memref<128x128xf32, #tpu.memory_space<vmem_shared>>
      %dma_wait3A_70 = arith.constant 0 : i32
      %dma_wait3A_71 = tpu.memref_slice %arg9[%add3A_25, %dma_wait3A_70] : memref<10240x128xf32, #tpu.memory_space<vmem_shared>> -> memref<128x128xf32, #tpu.memory_space<vmem_shared>>
      tpu.wait_dma2 semaphore(%run_scoped3A : memref<!tpu.dma_semaphore, #tpu.memory_space<semaphore_mem>>) src(%arg8 : memref<128x128xf32, #tpu.memory_space<vmem>>) dst(%dma_wait3A_71 : memref<128x128xf32, #tpu.memory_space<vmem_shared>>)
      tpu.yield
    }) : () -> ()
    %mul3A_26 = arith.constant 640 : i32
    %mul3A_27 = arith.muli %arg1, %mul3A_26 : i32
    %add3A_28 = arith.constant 256 : i32
    %add3A_29 = arith.addi %mul3A_27, %add3A_28 : i32
    "tpu.region"() ({
      %run_scoped3A = tpu.sem_alloc : memref<!tpu.dma_semaphore, #tpu.memory_space<semaphore_mem>>
      %dma_start3A = arith.constant 0 : i32
      %dma_start3A_66 = tpu.memref_slice %arg9[%add3A_29, %dma_start3A] : memref<10240x128xf32, #tpu.memory_space<vmem_shared>> -> memref<128x128xf32, #tpu.memory_space<vmem_shared>>
      %dma_start3A_67 = arith.constant 0 : i32
      %dma_start3A_68 = tpu.memref_slice %arg9[%add3A_29, %dma_start3A_67] : memref<10240x128xf32, #tpu.memory_space<vmem_shared>> -> memref<128x128xf32, #tpu.memory_space<vmem_shared>>
      tpu.enqueue_dma source(%arg8 : memref<128x128xf32, #tpu.memory_space<vmem>>) target(%dma_start3A_68 : memref<128x128xf32, #tpu.memory_space<vmem_shared>>) target_semaphore(%run_scoped3A : memref<!tpu.dma_semaphore, #tpu.memory_space<semaphore_mem>>)
      %dma_wait3A = arith.constant 0 : i32
      %dma_wait3A_69 = tpu.memref_slice %arg9[%add3A_29, %dma_wait3A] : memref<10240x128xf32, #tpu.memory_space<vmem_shared>> -> memref<128x128xf32, #tpu.memory_space<vmem_shared>>
      %dma_wait3A_70 = arith.constant 0 : i32
      %dma_wait3A_71 = tpu.memref_slice %arg9[%add3A_29, %dma_wait3A_70] : memref<10240x128xf32, #tpu.memory_space<vmem_shared>> -> memref<128x128xf32, #tpu.memory_space<vmem_shared>>
      tpu.wait_dma2 semaphore(%run_scoped3A : memref<!tpu.dma_semaphore, #tpu.memory_space<semaphore_mem>>) src(%arg8 : memref<128x128xf32, #tpu.memory_space<vmem>>) dst(%dma_wait3A_71 : memref<128x128xf32, #tpu.memory_space<vmem_shared>>)
      tpu.yield
    }) : () -> ()
    %mul3A_30 = arith.constant 640 : i32
    %mul3A_31 = arith.muli %arg1, %mul3A_30 : i32
    %add3A_32 = arith.constant 384 : i32
    %add3A_33 = arith.addi %mul3A_31, %add3A_32 : i32
    "tpu.region"() ({
      %run_scoped3A = tpu.sem_alloc : memref<!tpu.dma_semaphore, #tpu.memory_space<semaphore_mem>>
      %dma_start3A = arith.constant 0 : i32
      %dma_start3A_66 = tpu.memref_slice %arg9[%add3A_33, %dma_start3A] : memref<10240x128xf32, #tpu.memory_space<vmem_shared>> -> memref<128x128xf32, #tpu.memory_space<vmem_shared>>
      %dma_start3A_67 = arith.constant 0 : i32
      %dma_start3A_68 = tpu.memref_slice %arg9[%add3A_33, %dma_start3A_67] : memref<10240x128xf32, #tpu.memory_space<vmem_shared>> -> memref<128x128xf32, #tpu.memory_space<vmem_shared>>
      tpu.enqueue_dma source(%arg8 : memref<128x128xf32, #tpu.memory_space<vmem>>) target(%dma_start3A_68 : memref<128x128xf32, #tpu.memory_space<vmem_shared>>) target_semaphore(%run_scoped3A : memref<!tpu.dma_semaphore, #tpu.memory_space<semaphore_mem>>)
      %dma_wait3A = arith.constant 0 : i32
      %dma_wait3A_69 = tpu.memref_slice %arg9[%add3A_33, %dma_wait3A] : memref<10240x128xf32, #tpu.memory_space<vmem_shared>> -> memref<128x128xf32, #tpu.memory_space<vmem_shared>>
      %dma_wait3A_70 = arith.constant 0 : i32
      %dma_wait3A_71 = tpu.memref_slice %arg9[%add3A_33, %dma_wait3A_70] : memref<10240x128xf32, #tpu.memory_space<vmem_shared>> -> memref<128x128xf32, #tpu.memory_space<vmem_shared>>
      tpu.wait_dma2 semaphore(%run_scoped3A : memref<!tpu.dma_semaphore, #tpu.memory_space<semaphore_mem>>) src(%arg8 : memref<128x128xf32, #tpu.memory_space<vmem>>) dst(%dma_wait3A_71 : memref<128x128xf32, #tpu.memory_space<vmem_shared>>)
      tpu.yield
    }) : () -> ()
    %mul3A_34 = arith.constant 640 : i32
    %mul3A_35 = arith.muli %arg1, %mul3A_34 : i32
    %add3A_36 = arith.constant 512 : i32
    %add3A_37 = arith.addi %mul3A_35, %add3A_36 : i32
    "tpu.region"() ({
      %run_scoped3A = tpu.sem_alloc : memref<!tpu.dma_semaphore, #tpu.memory_space<semaphore_mem>>
      %dma_start3A = arith.constant 0 : i32
      %dma_start3A_66 = tpu.memref_slice %arg9[%add3A_37, %dma_start3A] : memref<10240x128xf32, #tpu.memory_space<vmem_shared>> -> memref<128x128xf32, #tpu.memory_space<vmem_shared>>
      %dma_start3A_67 = arith.constant 0 : i32
      %dma_start3A_68 = tpu.memref_slice %arg9[%add3A_37, %dma_start3A_67] : memref<10240x128xf32, #tpu.memory_space<vmem_shared>> -> memref<128x128xf32, #tpu.memory_space<vmem_shared>>
      tpu.enqueue_dma source(%arg8 : memref<128x128xf32, #tpu.memory_space<vmem>>) target(%dma_start3A_68 : memref<128x128xf32, #tpu.memory_space<vmem_shared>>) target_semaphore(%run_scoped3A : memref<!tpu.dma_semaphore, #tpu.memory_space<semaphore_mem>>)
      %dma_wait3A = arith.constant 0 : i32
      %dma_wait3A_69 = tpu.memref_slice %arg9[%add3A_37, %dma_wait3A] : memref<10240x128xf32, #tpu.memory_space<vmem_shared>> -> memref<128x128xf32, #tpu.memory_space<vmem_shared>>
      %dma_wait3A_70 = arith.constant 0 : i32
      %dma_wait3A_71 = tpu.memref_slice %arg9[%add3A_37, %dma_wait3A_70] : memref<10240x128xf32, #tpu.memory_space<vmem_shared>> -> memref<128x128xf32, #tpu.memory_space<vmem_shared>>
      tpu.wait_dma2 semaphore(%run_scoped3A : memref<!tpu.dma_semaphore, #tpu.memory_space<semaphore_mem>>) src(%arg8 : memref<128x128xf32, #tpu.memory_space<vmem>>) dst(%dma_wait3A_71 : memref<128x128xf32, #tpu.memory_space<vmem_shared>>)
      tpu.yield
    }) : () -> ()
    %barrier3A = arith.constant 0 : index
    tpu.barrier barrier_id(%barrier3A)
    "tpu.region"() ({
      %run_scoped3A = tpu.sem_alloc : memref<!tpu.dma_semaphore, #tpu.memory_space<semaphore_mem>>
      %dma_start3A = arith.constant 0 : i32
      %dma_start3A_66 = arith.constant 0 : i32
      %dma_start3A_67 = tpu.memref_slice %arg3[%add3A, %dma_start3A, %dma_start3A_66] : memref<32x79x128xi32, #tpu.memory_space<hbm>> -> memref<1x79x128xi32, #tpu.memory_space<hbm>>
      %dma_start3A_68 = tpu.memref_squeeze %dma_start3A_67 : memref<1x79x128xi32, #tpu.memory_space<hbm>> -> memref<79x128xi32, #tpu.memory_space<hbm>>
      %dma_start3A_69 = arith.constant 0 : i32
      %dma_start3A_70 = arith.constant 0 : i32
      %dma_start3A_71 = tpu.memref_slice %arg3[%add3A, %dma_start3A_69, %dma_start3A_70] : memref<32x79x128xi32, #tpu.memory_space<hbm>> -> memref<1x79x128xi32, #tpu.memory_space<hbm>>
      %dma_start3A_72 = tpu.memref_squeeze %dma_start3A_71 : memref<1x79x128xi32, #tpu.memory_space<hbm>> -> memref<79x128xi32, #tpu.memory_space<hbm>>
      tpu.enqueue_dma source(%dma_start3A_72 : memref<79x128xi32, #tpu.memory_space<hbm>>) target(%arg6 : memref<79x128xi32, #tpu.memory_space<vmem>>) target_semaphore(%run_scoped3A : memref<!tpu.dma_semaphore, #tpu.memory_space<semaphore_mem>>)
      %dma_wait3A = arith.constant 0 : i32
      %dma_wait3A_73 = arith.constant 0 : i32
      %dma_wait3A_74 = tpu.memref_slice %arg3[%add3A, %dma_wait3A, %dma_wait3A_73] : memref<32x79x128xi32, #tpu.memory_space<hbm>> -> memref<1x79x128xi32, #tpu.memory_space<hbm>>
      %dma_wait3A_75 = tpu.memref_squeeze %dma_wait3A_74 : memref<1x79x128xi32, #tpu.memory_space<hbm>> -> memref<79x128xi32, #tpu.memory_space<hbm>>
      %dma_wait3A_76 = arith.constant 0 : i32
      %dma_wait3A_77 = arith.constant 0 : i32
      %dma_wait3A_78 = tpu.memref_slice %arg3[%add3A, %dma_wait3A_76, %dma_wait3A_77] : memref<32x79x128xi32, #tpu.memory_space<hbm>> -> memref<1x79x128xi32, #tpu.memory_space<hbm>>
      %dma_wait3A_79 = tpu.memref_squeeze %dma_wait3A_78 : memref<1x79x128xi32, #tpu.memory_space<hbm>> -> memref<79x128xi32, #tpu.memory_space<hbm>>
      tpu.wait_dma2 semaphore(%run_scoped3A : memref<!tpu.dma_semaphore, #tpu.memory_space<semaphore_mem>>) src(%dma_wait3A_79 : memref<79x128xi32, #tpu.memory_space<hbm>>) dst(%arg6 : memref<79x128xi32, #tpu.memory_space<vmem>>)
      tpu.yield
    }) : () -> ()
    "tpu.region"() ({
      %run_scoped3A = tpu.sem_alloc : memref<!tpu.dma_semaphore, #tpu.memory_space<semaphore_mem>>
      %dma_start3A = arith.constant 0 : i32
      %dma_start3A_66 = arith.constant 0 : i32
      %dma_start3A_67 = tpu.memref_slice %arg4[%add3A, %dma_start3A, %dma_start3A_66] : memref<32x79x128xi32, #tpu.memory_space<hbm>> -> memref<1x79x128xi32, #tpu.memory_space<hbm>>
      %dma_start3A_68 = tpu.memref_squeeze %dma_start3A_67 : memref<1x79x128xi32, #tpu.memory_space<hbm>> -> memref<79x128xi32, #tpu.memory_space<hbm>>
      %dma_start3A_69 = arith.constant 0 : i32
      %dma_start3A_70 = arith.constant 0 : i32
      %dma_start3A_71 = tpu.memref_slice %arg4[%add3A, %dma_start3A_69, %dma_start3A_70] : memref<32x79x128xi32, #tpu.memory_space<hbm>> -> memref<1x79x128xi32, #tpu.memory_space<hbm>>
      %dma_start3A_72 = tpu.memref_squeeze %dma_start3A_71 : memref<1x79x128xi32, #tpu.memory_space<hbm>> -> memref<79x128xi32, #tpu.memory_space<hbm>>
      tpu.enqueue_dma source(%dma_start3A_72 : memref<79x128xi32, #tpu.memory_space<hbm>>) target(%arg7 : memref<79x128xi32, #tpu.memory_space<vmem>>) target_semaphore(%run_scoped3A : memref<!tpu.dma_semaphore, #tpu.memory_space<semaphore_mem>>)
      %dma_wait3A = arith.constant 0 : i32
      %dma_wait3A_73 = arith.constant 0 : i32
      %dma_wait3A_74 = tpu.memref_slice %arg4[%add3A, %dma_wait3A, %dma_wait3A_73] : memref<32x79x128xi32, #tpu.memory_space<hbm>> -> memref<1x79x128xi32, #tpu.memory_space<hbm>>
      %dma_wait3A_75 = tpu.memref_squeeze %dma_wait3A_74 : memref<1x79x128xi32, #tpu.memory_space<hbm>> -> memref<79x128xi32, #tpu.memory_space<hbm>>
      %dma_wait3A_76 = arith.constant 0 : i32
      %dma_wait3A_77 = arith.constant 0 : i32
      %dma_wait3A_78 = tpu.memref_slice %arg4[%add3A, %dma_wait3A_76, %dma_wait3A_77] : memref<32x79x128xi32, #tpu.memory_space<hbm>> -> memref<1x79x128xi32, #tpu.memory_space<hbm>>
      %dma_wait3A_79 = tpu.memref_squeeze %dma_wait3A_78 : memref<1x79x128xi32, #tpu.memory_space<hbm>> -> memref<79x128xi32, #tpu.memory_space<hbm>>
      tpu.wait_dma2 semaphore(%run_scoped3A : memref<!tpu.dma_semaphore, #tpu.memory_space<semaphore_mem>>) src(%dma_wait3A_79 : memref<79x128xi32, #tpu.memory_space<hbm>>) dst(%arg7 : memref<79x128xi32, #tpu.memory_space<vmem>>)
      tpu.yield
    }) : () -> ()
    %sub3A_38 = arith.constant 79 : i32
    %sub3A_39 = arith.constant 0 : i32
    %sub3A_40 = arith.subi %sub3A_38, %sub3A_39 : i32
    %sub3A_41 = arith.constant 1 : i32
    %sub3A_42 = arith.constant 1 : i32
    %sub3A_43 = arith.subi %sub3A_41, %sub3A_42 : i32
    %add3A_44 = arith.addi %sub3A_40, %sub3A_43 : i32
    %div3A_45 = arith.constant 1 : i32
    %div3A_46 = arith.divsi %add3A_44, %div3A_45 : i32
    %while3A_47 = arith.constant 1 : i32
    %while3A_48 = arith.constant 0 : i32
    %while3A_49 = arith.constant 0 : i32
    %while3A_50 = arith.subi %div3A_46, %while3A_49 : i32
    %while3A_51 = arith.addi %while3A_49, %while3A_50 : i32
    %while3A_52 = arith.constant 1 : i32
    %while3A_53 = arith.divsi %while3A_50, %while3A_52 : i32
    %while3A_54 = arith.muli %while3A_53, %while3A_52 : i32
    %while3A_55 = arith.addi %while3A_49, %while3A_54 : i32
    %while3A_56 = arith.constant 1 : i32
    scf.for %while3A_66 = %while3A_49 to %while3A_55 step %while3A_56  : i32 {
      %mul3A_67 = arith.muli %while3A_66, %while3A_47 : i32
      %add3A_68 = arith.addi %while3A_48, %mul3A_67 : i32
      %dma_start3A = arith.constant 0 : i32
      %dma_start3A_69 = tpu.memref_slice %arg6[%add3A_68, %dma_start3A] : memref<79x128xi32, #tpu.memory_space<vmem>> -> memref<1x128xi32, #tpu.memory_space<vmem>>
      %dma_start3A_70 = tpu.memref_squeeze %dma_start3A_69 : memref<1x128xi32, #tpu.memory_space<vmem>> -> memref<128xi32, #tpu.memory_space<vmem>>
      %dma_start3A_71 = arith.constant 0 : i32
      %dma_start3A_72 = arith.constant 0 : i32
      %dma_start3A_73 = tpu.memref_slice %arg2[%dma_start3A_71, %dma_start3A_72] : memref<10240x128xf32, #tpu.memory_space<hbm>> -> memref<10240x128xf32, #tpu.memory_space<hbm>>
      tpu.enqueue_indirect_dma source(%dma_start3A_73 : memref<10240x128xf32, #tpu.memory_space<hbm>>) target(%arg8 : memref<128x128xf32, #tpu.memory_space<vmem>>) offsets(%dma_start3A_70 : memref<128xi32, #tpu.memory_space<vmem>>) semaphore(%arg10 : memref<!tpu.dma_semaphore, #tpu.memory_space<semaphore_mem>>)
      %dma_wait3A = arith.constant 0 : i32
      %dma_wait3A_74 = tpu.memref_slice %arg6[%add3A_68, %dma_wait3A] : memref<79x128xi32, #tpu.memory_space<vmem>> -> memref<1x128xi32, #tpu.memory_space<vmem>>
      %dma_wait3A_75 = tpu.memref_squeeze %dma_wait3A_74 : memref<1x128xi32, #tpu.memory_space<vmem>> -> memref<128xi32, #tpu.memory_space<vmem>>
      %dma_wait3A_76 = arith.constant 0 : i32
      %dma_wait3A_77 = arith.constant 0 : i32
      %dma_wait3A_78 = tpu.memref_slice %arg2[%dma_wait3A_76, %dma_wait3A_77] : memref<10240x128xf32, #tpu.memory_space<hbm>> -> memref<10240x128xf32, #tpu.memory_space<hbm>>
      tpu.wait_indirect_dma semaphore(%arg10 : memref<!tpu.dma_semaphore, #tpu.memory_space<semaphore_mem>>) src(%dma_wait3A_78 : memref<10240x128xf32, #tpu.memory_space<hbm>>) dst(%arg8 : memref<128x128xf32, #tpu.memory_space<vmem>>)
      "tpu.region"() ({
        %run_scoped3A = tpu.sem_alloc : memref<!tpu.dma_semaphore, #tpu.memory_space<semaphore_mem>>
        %dma_start3A_79 = arith.constant 0 : i32
        %dma_start3A_80 = tpu.memref_slice %arg7[%add3A_68, %dma_start3A_79] : memref<79x128xi32, #tpu.memory_space<vmem>> -> memref<1x128xi32, #tpu.memory_space<vmem>>
        %dma_start3A_81 = tpu.memref_squeeze %dma_start3A_80 : memref<1x128xi32, #tpu.memory_space<vmem>> -> memref<128xi32, #tpu.memory_space<vmem>>
        %dma_start3A_82 = arith.constant 0 : i32
        %dma_start3A_83 = arith.constant 0 : i32
        %dma_start3A_84 = tpu.memref_slice %arg9[%dma_start3A_82, %dma_start3A_83] : memref<10240x128xf32, #tpu.memory_space<vmem_shared>> -> memref<10240x128xf32, #tpu.memory_space<vmem_shared>>
        tpu.enqueue_indirect_dma source(%arg8 : memref<128x128xf32, #tpu.memory_space<vmem>>) target(%dma_start3A_84 : memref<10240x128xf32, #tpu.memory_space<vmem_shared>>) offsets(%dma_start3A_81 : memref<128xi32, #tpu.memory_space<vmem>>) semaphore(%run_scoped3A : memref<!tpu.dma_semaphore, #tpu.memory_space<semaphore_mem>>) {add = true}
        %dma_wait3A_85 = arith.constant 0 : i32
        %dma_wait3A_86 = tpu.memref_slice %arg7[%add3A_68, %dma_wait3A_85] : memref<79x128xi32, #tpu.memory_space<vmem>> -> memref<1x128xi32, #tpu.memory_space<vmem>>
        %dma_wait3A_87 = tpu.memref_squeeze %dma_wait3A_86 : memref<1x128xi32, #tpu.memory_space<vmem>> -> memref<128xi32, #tpu.memory_space<vmem>>
        %dma_wait3A_88 = arith.constant 0 : i32
        %dma_wait3A_89 = arith.constant 0 : i32
        %dma_wait3A_90 = tpu.memref_slice %arg9[%dma_wait3A_88, %dma_wait3A_89] : memref<10240x128xf32, #tpu.memory_space<vmem_shared>> -> memref<10240x128xf32, #tpu.memory_space<vmem_shared>>
        tpu.wait_indirect_dma semaphore(%run_scoped3A : memref<!tpu.dma_semaphore, #tpu.memory_space<semaphore_mem>>) src(%arg8 : memref<128x128xf32, #tpu.memory_space<vmem>>) dst(%dma_wait3A_90 : memref<10240x128xf32, #tpu.memory_space<vmem_shared>>)
        tpu.yield
      }) : () -> ()
    }
    %while3A_57 = arith.constant 1 : i32
    scf.for %while3A_66 = %while3A_55 to %while3A_51 step %while3A_57  : i32 {
      %mul3A_67 = arith.muli %while3A_66, %while3A_47 : i32
      %add3A_68 = arith.addi %while3A_48, %mul3A_67 : i32
      %dma_start3A = arith.constant 0 : i32
      %dma_start3A_69 = tpu.memref_slice %arg6[%add3A_68, %dma_start3A] : memref<79x128xi32, #tpu.memory_space<vmem>> -> memref<1x128xi32, #tpu.memory_space<vmem>>
      %dma_start3A_70 = tpu.memref_squeeze %dma_start3A_69 : memref<1x128xi32, #tpu.memory_space<vmem>> -> memref<128xi32, #tpu.memory_space<vmem>>
      %dma_start3A_71 = arith.constant 0 : i32
      %dma_start3A_72 = arith.constant 0 : i32
      %dma_start3A_73 = tpu.memref_slice %arg2[%dma_start3A_71, %dma_start3A_72] : memref<10240x128xf32, #tpu.memory_space<hbm>> -> memref<10240x128xf32, #tpu.memory_space<hbm>>
      tpu.enqueue_indirect_dma source(%dma_start3A_73 : memref<10240x128xf32, #tpu.memory_space<hbm>>) target(%arg8 : memref<128x128xf32, #tpu.memory_space<vmem>>) offsets(%dma_start3A_70 : memref<128xi32, #tpu.memory_space<vmem>>) semaphore(%arg10 : memref<!tpu.dma_semaphore, #tpu.memory_space<semaphore_mem>>)
      %dma_wait3A = arith.constant 0 : i32
      %dma_wait3A_74 = tpu.memref_slice %arg6[%add3A_68, %dma_wait3A] : memref<79x128xi32, #tpu.memory_space<vmem>> -> memref<1x128xi32, #tpu.memory_space<vmem>>
      %dma_wait3A_75 = tpu.memref_squeeze %dma_wait3A_74 : memref<1x128xi32, #tpu.memory_space<vmem>> -> memref<128xi32, #tpu.memory_space<vmem>>
      %dma_wait3A_76 = arith.constant 0 : i32
      %dma_wait3A_77 = arith.constant 0 : i32
      %dma_wait3A_78 = tpu.memref_slice %arg2[%dma_wait3A_76, %dma_wait3A_77] : memref<10240x128xf32, #tpu.memory_space<hbm>> -> memref<10240x128xf32, #tpu.memory_space<hbm>>
      tpu.wait_indirect_dma semaphore(%arg10 : memref<!tpu.dma_semaphore, #tpu.memory_space<semaphore_mem>>) src(%dma_wait3A_78 : memref<10240x128xf32, #tpu.memory_space<hbm>>) dst(%arg8 : memref<128x128xf32, #tpu.memory_space<vmem>>)
      "tpu.region"() ({
        %run_scoped3A = tpu.sem_alloc : memref<!tpu.dma_semaphore, #tpu.memory_space<semaphore_mem>>
        %dma_start3A_79 = arith.constant 0 : i32
        %dma_start3A_80 = tpu.memref_slice %arg7[%add3A_68, %dma_start3A_79] : memref<79x128xi32, #tpu.memory_space<vmem>> -> memref<1x128xi32, #tpu.memory_space<vmem>>
        %dma_start3A_81 = tpu.memref_squeeze %dma_start3A_80 : memref<1x128xi32, #tpu.memory_space<vmem>> -> memref<128xi32, #tpu.memory_space<vmem>>
        %dma_start3A_82 = arith.constant 0 : i32
        %dma_start3A_83 = arith.constant 0 : i32
        %dma_start3A_84 = tpu.memref_slice %arg9[%dma_start3A_82, %dma_start3A_83] : memref<10240x128xf32, #tpu.memory_space<vmem_shared>> -> memref<10240x128xf32, #tpu.memory_space<vmem_shared>>
        tpu.enqueue_indirect_dma source(%arg8 : memref<128x128xf32, #tpu.memory_space<vmem>>) target(%dma_start3A_84 : memref<10240x128xf32, #tpu.memory_space<vmem_shared>>) offsets(%dma_start3A_81 : memref<128xi32, #tpu.memory_space<vmem>>) semaphore(%run_scoped3A : memref<!tpu.dma_semaphore, #tpu.memory_space<semaphore_mem>>) {add = true}
        %dma_wait3A_85 = arith.constant 0 : i32
        %dma_wait3A_86 = tpu.memref_slice %arg7[%add3A_68, %dma_wait3A_85] : memref<79x128xi32, #tpu.memory_space<vmem>> -> memref<1x128xi32, #tpu.memory_space<vmem>>
        %dma_wait3A_87 = tpu.memref_squeeze %dma_wait3A_86 : memref<1x128xi32, #tpu.memory_space<vmem>> -> memref<128xi32, #tpu.memory_space<vmem>>
        %dma_wait3A_88 = arith.constant 0 : i32
        %dma_wait3A_89 = arith.constant 0 : i32
        %dma_wait3A_90 = tpu.memref_slice %arg9[%dma_wait3A_88, %dma_wait3A_89] : memref<10240x128xf32, #tpu.memory_space<vmem_shared>> -> memref<10240x128xf32, #tpu.memory_space<vmem_shared>>
        tpu.wait_indirect_dma semaphore(%run_scoped3A : memref<!tpu.dma_semaphore, #tpu.memory_space<semaphore_mem>>) src(%arg8 : memref<128x128xf32, #tpu.memory_space<vmem>>) dst(%dma_wait3A_90 : memref<10240x128xf32, #tpu.memory_space<vmem_shared>>)
        tpu.yield
      }) : () -> ()
    }
    %barrier3A_58 = arith.constant 0 : index
    tpu.barrier barrier_id(%barrier3A_58)
    %mul3A_59 = arith.constant 640 : i32
    %mul3A_60 = arith.muli %arg1, %mul3A_59 : i32
    %mul3A_61 = arith.constant 10240 : i32
    %mul3A_62 = arith.muli %arg0, %mul3A_61 : i32
    %mul3A_63 = arith.constant 640 : i32
    %mul3A_64 = arith.muli %arg1, %mul3A_63 : i32
    %add3A_65 = arith.addi %mul3A_62, %mul3A_64 : i32
    "tpu.region"() ({
      %run_scoped3A = tpu.sem_alloc : memref<!tpu.dma_semaphore, #tpu.memory_space<semaphore_mem>>
      %dma_start3A = arith.constant 0 : i32
      %dma_start3A_66 = tpu.memref_slice %arg5[%add3A_65, %dma_start3A] : memref<20480x128xf32, #tpu.memory_space<hbm>> -> memref<640x128xf32, #tpu.memory_space<hbm>>
      %dma_start3A_67 = arith.constant 0 : i32
      %dma_start3A_68 = tpu.memref_slice %arg9[%mul3A_60, %dma_start3A_67] : memref<10240x128xf32, #tpu.memory_space<vmem_shared>> -> memref<640x128xf32, #tpu.memory_space<vmem_shared>>
      tpu.enqueue_dma source(%dma_start3A_68 : memref<640x128xf32, #tpu.memory_space<vmem_shared>>) target(%dma_start3A_66 : memref<640x128xf32, #tpu.memory_space<hbm>>) target_semaphore(%run_scoped3A : memref<!tpu.dma_semaphore, #tpu.memory_space<semaphore_mem>>)
      %dma_wait3A = arith.constant 0 : i32
      %dma_wait3A_69 = tpu.memref_slice %arg5[%add3A_65, %dma_wait3A] : memref<20480x128xf32, #tpu.memory_space<hbm>> -> memref<640x128xf32, #tpu.memory_space<hbm>>
      %dma_wait3A_70 = arith.constant 0 : i32
      %dma_wait3A_71 = tpu.memref_slice %arg9[%mul3A_60, %dma_wait3A_70] : memref<10240x128xf32, #tpu.memory_space<vmem_shared>> -> memref<640x128xf32, #tpu.memory_space<vmem_shared>>
      tpu.wait_dma2 semaphore(%run_scoped3A : memref<!tpu.dma_semaphore, #tpu.memory_space<semaphore_mem>>) src(%dma_wait3A_71 : memref<640x128xf32, #tpu.memory_space<vmem_shared>>) dst(%dma_wait3A_69 : memref<640x128xf32, #tpu.memory_space<hbm>>)
      tpu.yield
    }) : () -> ()
    return
  }
}

#map = affine_map<(d0, d1) -> (0, 0, 0)>
#map1 = affine_map<(d0, d1) -> (0, 0)>
module attributes {stable_mosaic.version = 14 : i64} {
  func.func @_sc_degree(%arg0: i32, %arg1: i32, %arg2: memref<32x79x128xi32, #tpu.memory_space<hbm>>, %arg3: memref<20480x16xf32, #tpu.memory_space<hbm>>, %arg4: memref<79x128xi32, #tpu.memory_space<vmem>>, %arg5: memref<128x16xf32, #tpu.memory_space<vmem>>, %arg6: memref<10240x16xf32, #tpu.memory_space<vmem_shared>>) attributes {dimension_semantics = [#tpu.dimension_semantics<core_parallel>, #tpu.dimension_semantics<subcore_parallel>], iteration_bounds = array<i64: 2, 16>, scalar_prefetch = 0 : i64, scratch_operands = 3 : i64, tpu.core_type = #tpu.core_type<sc_vector_subcore>, window_params = [{transform_indices = #map}, {transform_indices = #map1}]} {
    %mul3A = arith.constant 2 : i32
    %mul3A_0 = arith.muli %arg1, %mul3A : i32
    %add3A = arith.addi %mul3A_0, %arg0 : i32
    %sub3A = arith.constant 128 : i32
    %sub3A_1 = arith.constant 0 : i32
    %sub3A_2 = arith.subi %sub3A, %sub3A_1 : i32
    %sub3A_3 = arith.constant 1 : i32
    %sub3A_4 = arith.constant 1 : i32
    %sub3A_5 = arith.subi %sub3A_3, %sub3A_4 : i32
    %add3A_6 = arith.addi %sub3A_2, %sub3A_5 : i32
    %div3A = arith.constant 1 : i32
    %div3A_7 = arith.divsi %add3A_6, %div3A : i32
    %while3A = arith.constant 1 : i32
    %while3A_8 = arith.constant 0 : i32
    %while3A_9 = arith.constant 0 : i32
    %while3A_10 = arith.subi %div3A_7, %while3A_9 : i32
    %while3A_11 = arith.addi %while3A_9, %while3A_10 : i32
    %while3A_12 = arith.constant 1 : i32
    %while3A_13 = arith.divsi %while3A_10, %while3A_12 : i32
    %while3A_14 = arith.muli %while3A_13, %while3A_12 : i32
    %while3A_15 = arith.addi %while3A_9, %while3A_14 : i32
    %while3A_16 = arith.constant 1 : i32
    scf.for %while3A_86 = %while3A_9 to %while3A_15 step %while3A_16  : i32 {
      %mul3A_87 = arith.muli %while3A_86, %while3A : i32
      %add3A_88 = arith.addi %while3A_8, %mul3A_87 : i32
      %broadcast_in_dim3A = arith.constant 0.000000e+00 : f32
      %broadcast_in_dim3A_89 = vector.broadcast %broadcast_in_dim3A : f32 to vector<16xf32>
      %swap3A = arith.index_cast %add3A_88 : i32 to index
      %swap3A_90 = arith.constant 0 : index
      %swap3A_91 = tpu.vector_load %arg5[%swap3A, %swap3A_90] {strides = array<i32>} : memref<128x16xf32, #tpu.memory_space<vmem>>, vector<1x16xf32>,
      %swap3A_92 = vector.shape_cast %swap3A_91 : vector<1x16xf32> to vector<16xf32>
      %swap3A_93 = vector.shape_cast %broadcast_in_dim3A_89 : vector<16xf32> to vector<1x16xf32>
      tpu.vector_store %arg5[%swap3A, %swap3A_90], %swap3A_93 {strides = array<i32>} : memref<128x16xf32, #tpu.memory_space<vmem>>, vector<1x16xf32>,
    }
    %while3A_17 = arith.constant 1 : i32
    scf.for %while3A_86 = %while3A_15 to %while3A_11 step %while3A_17  : i32 {
      %mul3A_87 = arith.muli %while3A_86, %while3A : i32
      %add3A_88 = arith.addi %while3A_8, %mul3A_87 : i32
      %broadcast_in_dim3A = arith.constant 0.000000e+00 : f32
      %broadcast_in_dim3A_89 = vector.broadcast %broadcast_in_dim3A : f32 to vector<16xf32>
      %swap3A = arith.index_cast %add3A_88 : i32 to index
      %swap3A_90 = arith.constant 0 : index
      %swap3A_91 = tpu.vector_load %arg5[%swap3A, %swap3A_90] {strides = array<i32>} : memref<128x16xf32, #tpu.memory_space<vmem>>, vector<1x16xf32>,
      %swap3A_92 = vector.shape_cast %swap3A_91 : vector<1x16xf32> to vector<16xf32>
      %swap3A_93 = vector.shape_cast %broadcast_in_dim3A_89 : vector<16xf32> to vector<1x16xf32>
      tpu.vector_store %arg5[%swap3A, %swap3A_90], %swap3A_93 {strides = array<i32>} : memref<128x16xf32, #tpu.memory_space<vmem>>, vector<1x16xf32>,
    }
    %mul3A_18 = arith.constant 640 : i32
    %mul3A_19 = arith.muli %arg1, %mul3A_18 : i32
    %add3A_20 = arith.constant 0 : i32
    %add3A_21 = arith.addi %mul3A_19, %add3A_20 : i32
    "tpu.region"() ({
      %run_scoped3A = tpu.sem_alloc : memref<!tpu.dma_semaphore, #tpu.memory_space<semaphore_mem>>
      %dma_start3A = arith.constant 0 : i32
      %dma_start3A_86 = tpu.memref_slice %arg6[%add3A_21, %dma_start3A] : memref<10240x16xf32, #tpu.memory_space<vmem_shared>> -> memref<128x16xf32, #tpu.memory_space<vmem_shared>>
      %dma_start3A_87 = arith.constant 0 : i32
      %dma_start3A_88 = tpu.memref_slice %arg6[%add3A_21, %dma_start3A_87] : memref<10240x16xf32, #tpu.memory_space<vmem_shared>> -> memref<128x16xf32, #tpu.memory_space<vmem_shared>>
      tpu.enqueue_dma source(%arg5 : memref<128x16xf32, #tpu.memory_space<vmem>>) target(%dma_start3A_88 : memref<128x16xf32, #tpu.memory_space<vmem_shared>>) target_semaphore(%run_scoped3A : memref<!tpu.dma_semaphore, #tpu.memory_space<semaphore_mem>>)
      %dma_wait3A = arith.constant 0 : i32
      %dma_wait3A_89 = tpu.memref_slice %arg6[%add3A_21, %dma_wait3A] : memref<10240x16xf32, #tpu.memory_space<vmem_shared>> -> memref<128x16xf32, #tpu.memory_space<vmem_shared>>
      %dma_wait3A_90 = arith.constant 0 : i32
      %dma_wait3A_91 = tpu.memref_slice %arg6[%add3A_21, %dma_wait3A_90] : memref<10240x16xf32, #tpu.memory_space<vmem_shared>> -> memref<128x16xf32, #tpu.memory_space<vmem_shared>>
      tpu.wait_dma2 semaphore(%run_scoped3A : memref<!tpu.dma_semaphore, #tpu.memory_space<semaphore_mem>>) src(%arg5 : memref<128x16xf32, #tpu.memory_space<vmem>>) dst(%dma_wait3A_91 : memref<128x16xf32, #tpu.memory_space<vmem_shared>>)
      tpu.yield
    }) : () -> ()
    %mul3A_22 = arith.constant 640 : i32
    %mul3A_23 = arith.muli %arg1, %mul3A_22 : i32
    %add3A_24 = arith.constant 128 : i32
    %add3A_25 = arith.addi %mul3A_23, %add3A_24 : i32
    "tpu.region"() ({
      %run_scoped3A = tpu.sem_alloc : memref<!tpu.dma_semaphore, #tpu.memory_space<semaphore_mem>>
      %dma_start3A = arith.constant 0 : i32
      %dma_start3A_86 = tpu.memref_slice %arg6[%add3A_25, %dma_start3A] : memref<10240x16xf32, #tpu.memory_space<vmem_shared>> -> memref<128x16xf32, #tpu.memory_space<vmem_shared>>
      %dma_start3A_87 = arith.constant 0 : i32
      %dma_start3A_88 = tpu.memref_slice %arg6[%add3A_25, %dma_start3A_87] : memref<10240x16xf32, #tpu.memory_space<vmem_shared>> -> memref<128x16xf32, #tpu.memory_space<vmem_shared>>
      tpu.enqueue_dma source(%arg5 : memref<128x16xf32, #tpu.memory_space<vmem>>) target(%dma_start3A_88 : memref<128x16xf32, #tpu.memory_space<vmem_shared>>) target_semaphore(%run_scoped3A : memref<!tpu.dma_semaphore, #tpu.memory_space<semaphore_mem>>)
      %dma_wait3A = arith.constant 0 : i32
      %dma_wait3A_89 = tpu.memref_slice %arg6[%add3A_25, %dma_wait3A] : memref<10240x16xf32, #tpu.memory_space<vmem_shared>> -> memref<128x16xf32, #tpu.memory_space<vmem_shared>>
      %dma_wait3A_90 = arith.constant 0 : i32
      %dma_wait3A_91 = tpu.memref_slice %arg6[%add3A_25, %dma_wait3A_90] : memref<10240x16xf32, #tpu.memory_space<vmem_shared>> -> memref<128x16xf32, #tpu.memory_space<vmem_shared>>
      tpu.wait_dma2 semaphore(%run_scoped3A : memref<!tpu.dma_semaphore, #tpu.memory_space<semaphore_mem>>) src(%arg5 : memref<128x16xf32, #tpu.memory_space<vmem>>) dst(%dma_wait3A_91 : memref<128x16xf32, #tpu.memory_space<vmem_shared>>)
      tpu.yield
    }) : () -> ()
    %mul3A_26 = arith.constant 640 : i32
    %mul3A_27 = arith.muli %arg1, %mul3A_26 : i32
    %add3A_28 = arith.constant 256 : i32
    %add3A_29 = arith.addi %mul3A_27, %add3A_28 : i32
    "tpu.region"() ({
      %run_scoped3A = tpu.sem_alloc : memref<!tpu.dma_semaphore, #tpu.memory_space<semaphore_mem>>
      %dma_start3A = arith.constant 0 : i32
      %dma_start3A_86 = tpu.memref_slice %arg6[%add3A_29, %dma_start3A] : memref<10240x16xf32, #tpu.memory_space<vmem_shared>> -> memref<128x16xf32, #tpu.memory_space<vmem_shared>>
      %dma_start3A_87 = arith.constant 0 : i32
      %dma_start3A_88 = tpu.memref_slice %arg6[%add3A_29, %dma_start3A_87] : memref<10240x16xf32, #tpu.memory_space<vmem_shared>> -> memref<128x16xf32, #tpu.memory_space<vmem_shared>>
      tpu.enqueue_dma source(%arg5 : memref<128x16xf32, #tpu.memory_space<vmem>>) target(%dma_start3A_88 : memref<128x16xf32, #tpu.memory_space<vmem_shared>>) target_semaphore(%run_scoped3A : memref<!tpu.dma_semaphore, #tpu.memory_space<semaphore_mem>>)
      %dma_wait3A = arith.constant 0 : i32
      %dma_wait3A_89 = tpu.memref_slice %arg6[%add3A_29, %dma_wait3A] : memref<10240x16xf32, #tpu.memory_space<vmem_shared>> -> memref<128x16xf32, #tpu.memory_space<vmem_shared>>
      %dma_wait3A_90 = arith.constant 0 : i32
      %dma_wait3A_91 = tpu.memref_slice %arg6[%add3A_29, %dma_wait3A_90] : memref<10240x16xf32, #tpu.memory_space<vmem_shared>> -> memref<128x16xf32, #tpu.memory_space<vmem_shared>>
      tpu.wait_dma2 semaphore(%run_scoped3A : memref<!tpu.dma_semaphore, #tpu.memory_space<semaphore_mem>>) src(%arg5 : memref<128x16xf32, #tpu.memory_space<vmem>>) dst(%dma_wait3A_91 : memref<128x16xf32, #tpu.memory_space<vmem_shared>>)
      tpu.yield
    }) : () -> ()
    %mul3A_30 = arith.constant 640 : i32
    %mul3A_31 = arith.muli %arg1, %mul3A_30 : i32
    %add3A_32 = arith.constant 384 : i32
    %add3A_33 = arith.addi %mul3A_31, %add3A_32 : i32
    "tpu.region"() ({
      %run_scoped3A = tpu.sem_alloc : memref<!tpu.dma_semaphore, #tpu.memory_space<semaphore_mem>>
      %dma_start3A = arith.constant 0 : i32
      %dma_start3A_86 = tpu.memref_slice %arg6[%add3A_33, %dma_start3A] : memref<10240x16xf32, #tpu.memory_space<vmem_shared>> -> memref<128x16xf32, #tpu.memory_space<vmem_shared>>
      %dma_start3A_87 = arith.constant 0 : i32
      %dma_start3A_88 = tpu.memref_slice %arg6[%add3A_33, %dma_start3A_87] : memref<10240x16xf32, #tpu.memory_space<vmem_shared>> -> memref<128x16xf32, #tpu.memory_space<vmem_shared>>
      tpu.enqueue_dma source(%arg5 : memref<128x16xf32, #tpu.memory_space<vmem>>) target(%dma_start3A_88 : memref<128x16xf32, #tpu.memory_space<vmem_shared>>) target_semaphore(%run_scoped3A : memref<!tpu.dma_semaphore, #tpu.memory_space<semaphore_mem>>)
      %dma_wait3A = arith.constant 0 : i32
      %dma_wait3A_89 = tpu.memref_slice %arg6[%add3A_33, %dma_wait3A] : memref<10240x16xf32, #tpu.memory_space<vmem_shared>> -> memref<128x16xf32, #tpu.memory_space<vmem_shared>>
      %dma_wait3A_90 = arith.constant 0 : i32
      %dma_wait3A_91 = tpu.memref_slice %arg6[%add3A_33, %dma_wait3A_90] : memref<10240x16xf32, #tpu.memory_space<vmem_shared>> -> memref<128x16xf32, #tpu.memory_space<vmem_shared>>
      tpu.wait_dma2 semaphore(%run_scoped3A : memref<!tpu.dma_semaphore, #tpu.memory_space<semaphore_mem>>) src(%arg5 : memref<128x16xf32, #tpu.memory_space<vmem>>) dst(%dma_wait3A_91 : memref<128x16xf32, #tpu.memory_space<vmem_shared>>)
      tpu.yield
    }) : () -> ()
    %mul3A_34 = arith.constant 640 : i32
    %mul3A_35 = arith.muli %arg1, %mul3A_34 : i32
    %add3A_36 = arith.constant 512 : i32
    %add3A_37 = arith.addi %mul3A_35, %add3A_36 : i32
    "tpu.region"() ({
      %run_scoped3A = tpu.sem_alloc : memref<!tpu.dma_semaphore, #tpu.memory_space<semaphore_mem>>
      %dma_start3A = arith.constant 0 : i32
      %dma_start3A_86 = tpu.memref_slice %arg6[%add3A_37, %dma_start3A] : memref<10240x16xf32, #tpu.memory_space<vmem_shared>> -> memref<128x16xf32, #tpu.memory_space<vmem_shared>>
      %dma_start3A_87 = arith.constant 0 : i32
      %dma_start3A_88 = tpu.memref_slice %arg6[%add3A_37, %dma_start3A_87] : memref<10240x16xf32, #tpu.memory_space<vmem_shared>> -> memref<128x16xf32, #tpu.memory_space<vmem_shared>>
      tpu.enqueue_dma source(%arg5 : memref<128x16xf32, #tpu.memory_space<vmem>>) target(%dma_start3A_88 : memref<128x16xf32, #tpu.memory_space<vmem_shared>>) target_semaphore(%run_scoped3A : memref<!tpu.dma_semaphore, #tpu.memory_space<semaphore_mem>>)
      %dma_wait3A = arith.constant 0 : i32
      %dma_wait3A_89 = tpu.memref_slice %arg6[%add3A_37, %dma_wait3A] : memref<10240x16xf32, #tpu.memory_space<vmem_shared>> -> memref<128x16xf32, #tpu.memory_space<vmem_shared>>
      %dma_wait3A_90 = arith.constant 0 : i32
      %dma_wait3A_91 = tpu.memref_slice %arg6[%add3A_37, %dma_wait3A_90] : memref<10240x16xf32, #tpu.memory_space<vmem_shared>> -> memref<128x16xf32, #tpu.memory_space<vmem_shared>>
      tpu.wait_dma2 semaphore(%run_scoped3A : memref<!tpu.dma_semaphore, #tpu.memory_space<semaphore_mem>>) src(%arg5 : memref<128x16xf32, #tpu.memory_space<vmem>>) dst(%dma_wait3A_91 : memref<128x16xf32, #tpu.memory_space<vmem_shared>>)
      tpu.yield
    }) : () -> ()
    %sub3A_38 = arith.constant 128 : i32
    %sub3A_39 = arith.constant 0 : i32
    %sub3A_40 = arith.subi %sub3A_38, %sub3A_39 : i32
    %sub3A_41 = arith.constant 1 : i32
    %sub3A_42 = arith.constant 1 : i32
    %sub3A_43 = arith.subi %sub3A_41, %sub3A_42 : i32
    %add3A_44 = arith.addi %sub3A_40, %sub3A_43 : i32
    %div3A_45 = arith.constant 1 : i32
    %div3A_46 = arith.divsi %add3A_44, %div3A_45 : i32
    %while3A_47 = arith.constant 1 : i32
    %while3A_48 = arith.constant 0 : i32
    %while3A_49 = arith.constant 0 : i32
    %while3A_50 = arith.subi %div3A_46, %while3A_49 : i32
    %while3A_51 = arith.addi %while3A_49, %while3A_50 : i32
    %while3A_52 = arith.constant 1 : i32
    %while3A_53 = arith.divsi %while3A_50, %while3A_52 : i32
    %while3A_54 = arith.muli %while3A_53, %while3A_52 : i32
    %while3A_55 = arith.addi %while3A_49, %while3A_54 : i32
    %while3A_56 = arith.constant 1 : i32
    scf.for %while3A_86 = %while3A_49 to %while3A_55 step %while3A_56  : i32 {
      %mul3A_87 = arith.muli %while3A_86, %while3A_47 : i32
      %add3A_88 = arith.addi %while3A_48, %mul3A_87 : i32
      %broadcast_in_dim3A = arith.constant 1.000000e+00 : f32
      %broadcast_in_dim3A_89 = vector.broadcast %broadcast_in_dim3A : f32 to vector<16xf32>
      %swap3A = arith.index_cast %add3A_88 : i32 to index
      %swap3A_90 = arith.constant 0 : index
      %swap3A_91 = tpu.vector_load %arg5[%swap3A, %swap3A_90] {strides = array<i32>} : memref<128x16xf32, #tpu.memory_space<vmem>>, vector<1x16xf32>,
      %swap3A_92 = vector.shape_cast %swap3A_91 : vector<1x16xf32> to vector<16xf32>
      %swap3A_93 = vector.shape_cast %broadcast_in_dim3A_89 : vector<16xf32> to vector<1x16xf32>
      tpu.vector_store %arg5[%swap3A, %swap3A_90], %swap3A_93 {strides = array<i32>} : memref<128x16xf32, #tpu.memory_space<vmem>>, vector<1x16xf32>,
    }
    %while3A_57 = arith.constant 1 : i32
    scf.for %while3A_86 = %while3A_55 to %while3A_51 step %while3A_57  : i32 {
      %mul3A_87 = arith.muli %while3A_86, %while3A_47 : i32
      %add3A_88 = arith.addi %while3A_48, %mul3A_87 : i32
      %broadcast_in_dim3A = arith.constant 1.000000e+00 : f32
      %broadcast_in_dim3A_89 = vector.broadcast %broadcast_in_dim3A : f32 to vector<16xf32>
      %swap3A = arith.index_cast %add3A_88 : i32 to index
      %swap3A_90 = arith.constant 0 : index
      %swap3A_91 = tpu.vector_load %arg5[%swap3A, %swap3A_90] {strides = array<i32>} : memref<128x16xf32, #tpu.memory_space<vmem>>, vector<1x16xf32>,
      %swap3A_92 = vector.shape_cast %swap3A_91 : vector<1x16xf32> to vector<16xf32>
      %swap3A_93 = vector.shape_cast %broadcast_in_dim3A_89 : vector<16xf32> to vector<1x16xf32>
      tpu.vector_store %arg5[%swap3A, %swap3A_90], %swap3A_93 {strides = array<i32>} : memref<128x16xf32, #tpu.memory_space<vmem>>, vector<1x16xf32>,
    }
    %barrier3A = arith.constant 0 : index
    tpu.barrier barrier_id(%barrier3A)
    "tpu.region"() ({
      %run_scoped3A = tpu.sem_alloc : memref<!tpu.dma_semaphore, #tpu.memory_space<semaphore_mem>>
      %dma_start3A = arith.constant 0 : i32
      %dma_start3A_86 = arith.constant 0 : i32
      %dma_start3A_87 = tpu.memref_slice %arg2[%add3A, %dma_start3A, %dma_start3A_86] : memref<32x79x128xi32, #tpu.memory_space<hbm>> -> memref<1x79x128xi32, #tpu.memory_space<hbm>>
      %dma_start3A_88 = tpu.memref_squeeze %dma_start3A_87 : memref<1x79x128xi32, #tpu.memory_space<hbm>> -> memref<79x128xi32, #tpu.memory_space<hbm>>
      %dma_start3A_89 = arith.constant 0 : i32
      %dma_start3A_90 = arith.constant 0 : i32
      %dma_start3A_91 = tpu.memref_slice %arg2[%add3A, %dma_start3A_89, %dma_start3A_90] : memref<32x79x128xi32, #tpu.memory_space<hbm>> -> memref<1x79x128xi32, #tpu.memory_space<hbm>>
      %dma_start3A_92 = tpu.memref_squeeze %dma_start3A_91 : memref<1x79x128xi32, #tpu.memory_space<hbm>> -> memref<79x128xi32, #tpu.memory_space<hbm>>
      tpu.enqueue_dma source(%dma_start3A_92 : memref<79x128xi32, #tpu.memory_space<hbm>>) target(%arg4 : memref<79x128xi32, #tpu.memory_space<vmem>>) target_semaphore(%run_scoped3A : memref<!tpu.dma_semaphore, #tpu.memory_space<semaphore_mem>>)
      %dma_wait3A = arith.constant 0 : i32
      %dma_wait3A_93 = arith.constant 0 : i32
      %dma_wait3A_94 = tpu.memref_slice %arg2[%add3A, %dma_wait3A, %dma_wait3A_93] : memref<32x79x128xi32, #tpu.memory_space<hbm>> -> memref<1x79x128xi32, #tpu.memory_space<hbm>>
      %dma_wait3A_95 = tpu.memref_squeeze %dma_wait3A_94 : memref<1x79x128xi32, #tpu.memory_space<hbm>> -> memref<79x128xi32, #tpu.memory_space<hbm>>
      %dma_wait3A_96 = arith.constant 0 : i32
      %dma_wait3A_97 = arith.constant 0 : i32
      %dma_wait3A_98 = tpu.memref_slice %arg2[%add3A, %dma_wait3A_96, %dma_wait3A_97] : memref<32x79x128xi32, #tpu.memory_space<hbm>> -> memref<1x79x128xi32, #tpu.memory_space<hbm>>
      %dma_wait3A_99 = tpu.memref_squeeze %dma_wait3A_98 : memref<1x79x128xi32, #tpu.memory_space<hbm>> -> memref<79x128xi32, #tpu.memory_space<hbm>>
      tpu.wait_dma2 semaphore(%run_scoped3A : memref<!tpu.dma_semaphore, #tpu.memory_space<semaphore_mem>>) src(%dma_wait3A_99 : memref<79x128xi32, #tpu.memory_space<hbm>>) dst(%arg4 : memref<79x128xi32, #tpu.memory_space<vmem>>)
      tpu.yield
    }) : () -> ()
    %sub3A_58 = arith.constant 79 : i32
    %sub3A_59 = arith.constant 0 : i32
    %sub3A_60 = arith.subi %sub3A_58, %sub3A_59 : i32
    %sub3A_61 = arith.constant 1 : i32
    %sub3A_62 = arith.constant 1 : i32
    %sub3A_63 = arith.subi %sub3A_61, %sub3A_62 : i32
    %add3A_64 = arith.addi %sub3A_60, %sub3A_63 : i32
    %div3A_65 = arith.constant 1 : i32
    %div3A_66 = arith.divsi %add3A_64, %div3A_65 : i32
    %while3A_67 = arith.constant 1 : i32
    %while3A_68 = arith.constant 0 : i32
    %while3A_69 = arith.constant 0 : i32
    %while3A_70 = arith.subi %div3A_66, %while3A_69 : i32
    %while3A_71 = arith.addi %while3A_69, %while3A_70 : i32
    %while3A_72 = arith.constant 1 : i32
    %while3A_73 = arith.divsi %while3A_70, %while3A_72 : i32
    %while3A_74 = arith.muli %while3A_73, %while3A_72 : i32
    %while3A_75 = arith.addi %while3A_69, %while3A_74 : i32
    %while3A_76 = arith.constant 1 : i32
    scf.for %while3A_86 = %while3A_69 to %while3A_75 step %while3A_76  : i32 {
      %mul3A_87 = arith.muli %while3A_86, %while3A_67 : i32
      %add3A_88 = arith.addi %while3A_68, %mul3A_87 : i32
      "tpu.region"() ({
        %run_scoped3A = tpu.sem_alloc : memref<!tpu.dma_semaphore, #tpu.memory_space<semaphore_mem>>
        %dma_start3A = arith.constant 0 : i32
        %dma_start3A_89 = tpu.memref_slice %arg4[%add3A_88, %dma_start3A] : memref<79x128xi32, #tpu.memory_space<vmem>> -> memref<1x128xi32, #tpu.memory_space<vmem>>
        %dma_start3A_90 = tpu.memref_squeeze %dma_start3A_89 : memref<1x128xi32, #tpu.memory_space<vmem>> -> memref<128xi32, #tpu.memory_space<vmem>>
        %dma_start3A_91 = arith.constant 0 : i32
        %dma_start3A_92 = arith.constant 0 : i32
        %dma_start3A_93 = tpu.memref_slice %arg6[%dma_start3A_91, %dma_start3A_92] : memref<10240x16xf32, #tpu.memory_space<vmem_shared>> -> memref<10240x16xf32, #tpu.memory_space<vmem_shared>>
        tpu.enqueue_indirect_dma source(%arg5 : memref<128x16xf32, #tpu.memory_space<vmem>>) target(%dma_start3A_93 : memref<10240x16xf32, #tpu.memory_space<vmem_shared>>) offsets(%dma_start3A_90 : memref<128xi32, #tpu.memory_space<vmem>>) semaphore(%run_scoped3A : memref<!tpu.dma_semaphore, #tpu.memory_space<semaphore_mem>>) {add = true}
        %dma_wait3A = arith.constant 0 : i32
        %dma_wait3A_94 = tpu.memref_slice %arg4[%add3A_88, %dma_wait3A] : memref<79x128xi32, #tpu.memory_space<vmem>> -> memref<1x128xi32, #tpu.memory_space<vmem>>
        %dma_wait3A_95 = tpu.memref_squeeze %dma_wait3A_94 : memref<1x128xi32, #tpu.memory_space<vmem>> -> memref<128xi32, #tpu.memory_space<vmem>>
        %dma_wait3A_96 = arith.constant 0 : i32
        %dma_wait3A_97 = arith.constant 0 : i32
        %dma_wait3A_98 = tpu.memref_slice %arg6[%dma_wait3A_96, %dma_wait3A_97] : memref<10240x16xf32, #tpu.memory_space<vmem_shared>> -> memref<10240x16xf32, #tpu.memory_space<vmem_shared>>
        tpu.wait_indirect_dma semaphore(%run_scoped3A : memref<!tpu.dma_semaphore, #tpu.memory_space<semaphore_mem>>) src(%arg5 : memref<128x16xf32, #tpu.memory_space<vmem>>) dst(%dma_wait3A_98 : memref<10240x16xf32, #tpu.memory_space<vmem_shared>>)
        tpu.yield
      }) : () -> ()
    }
    %while3A_77 = arith.constant 1 : i32
    scf.for %while3A_86 = %while3A_75 to %while3A_71 step %while3A_77  : i32 {
      %mul3A_87 = arith.muli %while3A_86, %while3A_67 : i32
      %add3A_88 = arith.addi %while3A_68, %mul3A_87 : i32
      "tpu.region"() ({
        %run_scoped3A = tpu.sem_alloc : memref<!tpu.dma_semaphore, #tpu.memory_space<semaphore_mem>>
        %dma_start3A = arith.constant 0 : i32
        %dma_start3A_89 = tpu.memref_slice %arg4[%add3A_88, %dma_start3A] : memref<79x128xi32, #tpu.memory_space<vmem>> -> memref<1x128xi32, #tpu.memory_space<vmem>>
        %dma_start3A_90 = tpu.memref_squeeze %dma_start3A_89 : memref<1x128xi32, #tpu.memory_space<vmem>> -> memref<128xi32, #tpu.memory_space<vmem>>
        %dma_start3A_91 = arith.constant 0 : i32
        %dma_start3A_92 = arith.constant 0 : i32
        %dma_start3A_93 = tpu.memref_slice %arg6[%dma_start3A_91, %dma_start3A_92] : memref<10240x16xf32, #tpu.memory_space<vmem_shared>> -> memref<10240x16xf32, #tpu.memory_space<vmem_shared>>
        tpu.enqueue_indirect_dma source(%arg5 : memref<128x16xf32, #tpu.memory_space<vmem>>) target(%dma_start3A_93 : memref<10240x16xf32, #tpu.memory_space<vmem_shared>>) offsets(%dma_start3A_90 : memref<128xi32, #tpu.memory_space<vmem>>) semaphore(%run_scoped3A : memref<!tpu.dma_semaphore, #tpu.memory_space<semaphore_mem>>) {add = true}
        %dma_wait3A = arith.constant 0 : i32
        %dma_wait3A_94 = tpu.memref_slice %arg4[%add3A_88, %dma_wait3A] : memref<79x128xi32, #tpu.memory_space<vmem>> -> memref<1x128xi32, #tpu.memory_space<vmem>>
        %dma_wait3A_95 = tpu.memref_squeeze %dma_wait3A_94 : memref<1x128xi32, #tpu.memory_space<vmem>> -> memref<128xi32, #tpu.memory_space<vmem>>
        %dma_wait3A_96 = arith.constant 0 : i32
        %dma_wait3A_97 = arith.constant 0 : i32
        %dma_wait3A_98 = tpu.memref_slice %arg6[%dma_wait3A_96, %dma_wait3A_97] : memref<10240x16xf32, #tpu.memory_space<vmem_shared>> -> memref<10240x16xf32, #tpu.memory_space<vmem_shared>>
        tpu.wait_indirect_dma semaphore(%run_scoped3A : memref<!tpu.dma_semaphore, #tpu.memory_space<semaphore_mem>>) src(%arg5 : memref<128x16xf32, #tpu.memory_space<vmem>>) dst(%dma_wait3A_98 : memref<10240x16xf32, #tpu.memory_space<vmem_shared>>)
        tpu.yield
      }) : () -> ()
    }
    %barrier3A_78 = arith.constant 0 : index
    tpu.barrier barrier_id(%barrier3A_78)
    %mul3A_79 = arith.constant 640 : i32
    %mul3A_80 = arith.muli %arg1, %mul3A_79 : i32
    %mul3A_81 = arith.constant 10240 : i32
    %mul3A_82 = arith.muli %arg0, %mul3A_81 : i32
    %mul3A_83 = arith.constant 640 : i32
    %mul3A_84 = arith.muli %arg1, %mul3A_83 : i32
    %add3A_85 = arith.addi %mul3A_82, %mul3A_84 : i32
    "tpu.region"() ({
      %run_scoped3A = tpu.sem_alloc : memref<!tpu.dma_semaphore, #tpu.memory_space<semaphore_mem>>
      %dma_start3A = arith.constant 0 : i32
      %dma_start3A_86 = tpu.memref_slice %arg3[%add3A_85, %dma_start3A] : memref<20480x16xf32, #tpu.memory_space<hbm>> -> memref<640x16xf32, #tpu.memory_space<hbm>>
      %dma_start3A_87 = arith.constant 0 : i32
      %dma_start3A_88 = tpu.memref_slice %arg6[%mul3A_80, %dma_start3A_87] : memref<10240x16xf32, #tpu.memory_space<vmem_shared>> -> memref<640x16xf32, #tpu.memory_space<vmem_shared>>
      tpu.enqueue_dma source(%dma_start3A_88 : memref<640x16xf32, #tpu.memory_space<vmem_shared>>) target(%dma_start3A_86 : memref<640x16xf32, #tpu.memory_space<hbm>>) target_semaphore(%run_scoped3A : memref<!tpu.dma_semaphore, #tpu.memory_space<semaphore_mem>>)
      %dma_wait3A = arith.constant 0 : i32
      %dma_wait3A_89 = tpu.memref_slice %arg3[%add3A_85, %dma_wait3A] : memref<20480x16xf32, #tpu.memory_space<hbm>> -> memref<640x16xf32, #tpu.memory_space<hbm>>
      %dma_wait3A_90 = arith.constant 0 : i32
      %dma_wait3A_91 = tpu.memref_slice %arg6[%mul3A_80, %dma_wait3A_90] : memref<10240x16xf32, #tpu.memory_space<vmem_shared>> -> memref<640x16xf32, #tpu.memory_space<vmem_shared>>
      tpu.wait_dma2 semaphore(%run_scoped3A : memref<!tpu.dma_semaphore, #tpu.memory_space<semaphore_mem>>) src(%dma_wait3A_91 : memref<640x16xf32, #tpu.memory_space<vmem_shared>>) dst(%dma_wait3A_89 : memref<640x16xf32, #tpu.memory_space<hbm>>)
      tpu.yield
    }) : () -> ()
    return
  }
}

#map = affine_map<(d0, d1) -> (0, 0)>
#map1 = affine_map<(d0, d1) -> (0, 0, 0)>
module attributes {stable_mosaic.version = 14 : i64} {
  func.func @_sc_scatter(%arg0: i32, %arg1: i32, %arg2: memref<10240x128xf32, #tpu.memory_space<hbm>>, %arg3: memref<32x79x128xi32, #tpu.memory_space<hbm>>, %arg4: memref<32x79x128xi32, #tpu.memory_space<hbm>>, %arg5: memref<20480x128xf32, #tpu.memory_space<hbm>>, %arg6: memref<79x128xi32, #tpu.memory_space<vmem>>, %arg7: memref<79x128xi32, #tpu.memory_space<vmem>>, %arg8: memref<128x128xf32, #tpu.memory_space<vmem>>, %arg9: memref<10240x128xf32, #tpu.memory_space<vmem_shared>>, %arg10: memref<!tpu.dma_semaphore, #tpu.memory_space<semaphore_mem>>) attributes {dimension_semantics = [#tpu.dimension_semantics<core_parallel>, #tpu.dimension_semantics<subcore_parallel>], iteration_bounds = array<i64: 2, 16>, scalar_prefetch = 0 : i64, scratch_operands = 5 : i64, tpu.core_type = #tpu.core_type<sc_vector_subcore>, window_params = [{transform_indices = #map}, {transform_indices = #map1}, {transform_indices = #map1}, {transform_indices = #map}]} {
    %mul3A = arith.constant 2 : i32
    %mul3A_0 = arith.muli %arg1, %mul3A : i32
    %add3A = arith.addi %mul3A_0, %arg0 : i32
    %sub3A = arith.constant 128 : i32
    %sub3A_1 = arith.constant 0 : i32
    %sub3A_2 = arith.subi %sub3A, %sub3A_1 : i32
    %sub3A_3 = arith.constant 1 : i32
    %sub3A_4 = arith.constant 1 : i32
    %sub3A_5 = arith.subi %sub3A_3, %sub3A_4 : i32
    %add3A_6 = arith.addi %sub3A_2, %sub3A_5 : i32
    %div3A = arith.constant 1 : i32
    %div3A_7 = arith.divsi %add3A_6, %div3A : i32
    %while3A = arith.constant 1 : i32
    %while3A_8 = arith.constant 0 : i32
    %while3A_9 = arith.constant 0 : i32
    %while3A_10 = arith.subi %div3A_7, %while3A_9 : i32
    %while3A_11 = arith.addi %while3A_9, %while3A_10 : i32
    %while3A_12 = arith.constant 1 : i32
    %while3A_13 = arith.divsi %while3A_10, %while3A_12 : i32
    %while3A_14 = arith.muli %while3A_13, %while3A_12 : i32
    %while3A_15 = arith.addi %while3A_9, %while3A_14 : i32
    %while3A_16 = arith.constant 1 : i32
    scf.for %while3A_66 = %while3A_9 to %while3A_15 step %while3A_16  : i32 {
      %mul3A_67 = arith.muli %while3A_66, %while3A : i32
      %add3A_68 = arith.addi %while3A_8, %mul3A_67 : i32
      %broadcast_in_dim3A = arith.constant 0.000000e+00 : f32
      %broadcast_in_dim3A_69 = vector.broadcast %broadcast_in_dim3A : f32 to vector<16xf32>
      %swap3A = arith.index_cast %add3A_68 : i32 to index
      %swap3A_70 = arith.constant 0 : index
      %swap3A_71 = tpu.vector_load %arg8[%swap3A, %swap3A_70] {strides = array<i32>} : memref<128x128xf32, #tpu.memory_space<vmem>>, vector<1x16xf32>,
      %swap3A_72 = vector.shape_cast %swap3A_71 : vector<1x16xf32> to vector<16xf32>
      %swap3A_73 = vector.shape_cast %broadcast_in_dim3A_69 : vector<16xf32> to vector<1x16xf32>
      tpu.vector_store %arg8[%swap3A, %swap3A_70], %swap3A_73 {strides = array<i32>} : memref<128x128xf32, #tpu.memory_space<vmem>>, vector<1x16xf32>,
      %broadcast_in_dim3A_74 = arith.constant 0.000000e+00 : f32
      %broadcast_in_dim3A_75 = vector.broadcast %broadcast_in_dim3A_74 : f32 to vector<16xf32>
      %swap3A_76 = arith.index_cast %add3A_68 : i32 to index
      %swap3A_77 = arith.constant 16 : index
      %swap3A_78 = tpu.vector_load %arg8[%swap3A_76, %swap3A_77] {strides = array<i32>} : memref<128x128xf32, #tpu.memory_space<vmem>>, vector<1x16xf32>,
      %swap3A_79 = vector.shape_cast %swap3A_78 : vector<1x16xf32> to vector<16xf32>
      %swap3A_80 = vector.shape_cast %broadcast_in_dim3A_75 : vector<16xf32> to vector<1x16xf32>
      tpu.vector_store %arg8[%swap3A_76, %swap3A_77], %swap3A_80 {strides = array<i32>} : memref<128x128xf32, #tpu.memory_space<vmem>>, vector<1x16xf32>,
      %broadcast_in_dim3A_81 = arith.constant 0.000000e+00 : f32
      %broadcast_in_dim3A_82 = vector.broadcast %broadcast_in_dim3A_81 : f32 to vector<16xf32>
      %swap3A_83 = arith.index_cast %add3A_68 : i32 to index
      %swap3A_84 = arith.constant 32 : index
      %swap3A_85 = tpu.vector_load %arg8[%swap3A_83, %swap3A_84] {strides = array<i32>} : memref<128x128xf32, #tpu.memory_space<vmem>>, vector<1x16xf32>,
      %swap3A_86 = vector.shape_cast %swap3A_85 : vector<1x16xf32> to vector<16xf32>
      %swap3A_87 = vector.shape_cast %broadcast_in_dim3A_82 : vector<16xf32> to vector<1x16xf32>
      tpu.vector_store %arg8[%swap3A_83, %swap3A_84], %swap3A_87 {strides = array<i32>} : memref<128x128xf32, #tpu.memory_space<vmem>>, vector<1x16xf32>,
      %broadcast_in_dim3A_88 = arith.constant 0.000000e+00 : f32
      %broadcast_in_dim3A_89 = vector.broadcast %broadcast_in_dim3A_88 : f32 to vector<16xf32>
      %swap3A_90 = arith.index_cast %add3A_68 : i32 to index
      %swap3A_91 = arith.constant 48 : index
      %swap3A_92 = tpu.vector_load %arg8[%swap3A_90, %swap3A_91] {strides = array<i32>} : memref<128x128xf32, #tpu.memory_space<vmem>>, vector<1x16xf32>,
      %swap3A_93 = vector.shape_cast %swap3A_92 : vector<1x16xf32> to vector<16xf32>
      %swap3A_94 = vector.shape_cast %broadcast_in_dim3A_89 : vector<16xf32> to vector<1x16xf32>
      tpu.vector_store %arg8[%swap3A_90, %swap3A_91], %swap3A_94 {strides = array<i32>} : memref<128x128xf32, #tpu.memory_space<vmem>>, vector<1x16xf32>,
      %broadcast_in_dim3A_95 = arith.constant 0.000000e+00 : f32
      %broadcast_in_dim3A_96 = vector.broadcast %broadcast_in_dim3A_95 : f32 to vector<16xf32>
      %swap3A_97 = arith.index_cast %add3A_68 : i32 to index
      %swap3A_98 = arith.constant 64 : index
      %swap3A_99 = tpu.vector_load %arg8[%swap3A_97, %swap3A_98] {strides = array<i32>} : memref<128x128xf32, #tpu.memory_space<vmem>>, vector<1x16xf32>,
      %swap3A_100 = vector.shape_cast %swap3A_99 : vector<1x16xf32> to vector<16xf32>
      %swap3A_101 = vector.shape_cast %broadcast_in_dim3A_96 : vector<16xf32> to vector<1x16xf32>
      tpu.vector_store %arg8[%swap3A_97, %swap3A_98], %swap3A_101 {strides = array<i32>} : memref<128x128xf32, #tpu.memory_space<vmem>>, vector<1x16xf32>,
      %broadcast_in_dim3A_102 = arith.constant 0.000000e+00 : f32
      %broadcast_in_dim3A_103 = vector.broadcast %broadcast_in_dim3A_102 : f32 to vector<16xf32>
      %swap3A_104 = arith.index_cast %add3A_68 : i32 to index
      %swap3A_105 = arith.constant 80 : index
      %swap3A_106 = tpu.vector_load %arg8[%swap3A_104, %swap3A_105] {strides = array<i32>} : memref<128x128xf32, #tpu.memory_space<vmem>>, vector<1x16xf32>,
      %swap3A_107 = vector.shape_cast %swap3A_106 : vector<1x16xf32> to vector<16xf32>
      %swap3A_108 = vector.shape_cast %broadcast_in_dim3A_103 : vector<16xf32> to vector<1x16xf32>
      tpu.vector_store %arg8[%swap3A_104, %swap3A_105], %swap3A_108 {strides = array<i32>} : memref<128x128xf32, #tpu.memory_space<vmem>>, vector<1x16xf32>,
      %broadcast_in_dim3A_109 = arith.constant 0.000000e+00 : f32
      %broadcast_in_dim3A_110 = vector.broadcast %broadcast_in_dim3A_109 : f32 to vector<16xf32>
      %swap3A_111 = arith.index_cast %add3A_68 : i32 to index
      %swap3A_112 = arith.constant 96 : index
      %swap3A_113 = tpu.vector_load %arg8[%swap3A_111, %swap3A_112] {strides = array<i32>} : memref<128x128xf32, #tpu.memory_space<vmem>>, vector<1x16xf32>,
      %swap3A_114 = vector.shape_cast %swap3A_113 : vector<1x16xf32> to vector<16xf32>
      %swap3A_115 = vector.shape_cast %broadcast_in_dim3A_110 : vector<16xf32> to vector<1x16xf32>
      tpu.vector_store %arg8[%swap3A_111, %swap3A_112], %swap3A_115 {strides = array<i32>} : memref<128x128xf32, #tpu.memory_space<vmem>>, vector<1x16xf32>,
      %broadcast_in_dim3A_116 = arith.constant 0.000000e+00 : f32
      %broadcast_in_dim3A_117 = vector.broadcast %broadcast_in_dim3A_116 : f32 to vector<16xf32>
      %swap3A_118 = arith.index_cast %add3A_68 : i32 to index
      %swap3A_119 = arith.constant 112 : index
      %swap3A_120 = tpu.vector_load %arg8[%swap3A_118, %swap3A_119] {strides = array<i32>} : memref<128x128xf32, #tpu.memory_space<vmem>>, vector<1x16xf32>,
      %swap3A_121 = vector.shape_cast %swap3A_120 : vector<1x16xf32> to vector<16xf32>
      %swap3A_122 = vector.shape_cast %broadcast_in_dim3A_117 : vector<16xf32> to vector<1x16xf32>
      tpu.vector_store %arg8[%swap3A_118, %swap3A_119], %swap3A_122 {strides = array<i32>} : memref<128x128xf32, #tpu.memory_space<vmem>>, vector<1x16xf32>,
    }
    %while3A_17 = arith.constant 1 : i32
    scf.for %while3A_66 = %while3A_15 to %while3A_11 step %while3A_17  : i32 {
      %mul3A_67 = arith.muli %while3A_66, %while3A : i32
      %add3A_68 = arith.addi %while3A_8, %mul3A_67 : i32
      %broadcast_in_dim3A = arith.constant 0.000000e+00 : f32
      %broadcast_in_dim3A_69 = vector.broadcast %broadcast_in_dim3A : f32 to vector<16xf32>
      %swap3A = arith.index_cast %add3A_68 : i32 to index
      %swap3A_70 = arith.constant 0 : index
      %swap3A_71 = tpu.vector_load %arg8[%swap3A, %swap3A_70] {strides = array<i32>} : memref<128x128xf32, #tpu.memory_space<vmem>>, vector<1x16xf32>,
      %swap3A_72 = vector.shape_cast %swap3A_71 : vector<1x16xf32> to vector<16xf32>
      %swap3A_73 = vector.shape_cast %broadcast_in_dim3A_69 : vector<16xf32> to vector<1x16xf32>
      tpu.vector_store %arg8[%swap3A, %swap3A_70], %swap3A_73 {strides = array<i32>} : memref<128x128xf32, #tpu.memory_space<vmem>>, vector<1x16xf32>,
      %broadcast_in_dim3A_74 = arith.constant 0.000000e+00 : f32
      %broadcast_in_dim3A_75 = vector.broadcast %broadcast_in_dim3A_74 : f32 to vector<16xf32>
      %swap3A_76 = arith.index_cast %add3A_68 : i32 to index
      %swap3A_77 = arith.constant 16 : index
      %swap3A_78 = tpu.vector_load %arg8[%swap3A_76, %swap3A_77] {strides = array<i32>} : memref<128x128xf32, #tpu.memory_space<vmem>>, vector<1x16xf32>,
      %swap3A_79 = vector.shape_cast %swap3A_78 : vector<1x16xf32> to vector<16xf32>
      %swap3A_80 = vector.shape_cast %broadcast_in_dim3A_75 : vector<16xf32> to vector<1x16xf32>
      tpu.vector_store %arg8[%swap3A_76, %swap3A_77], %swap3A_80 {strides = array<i32>} : memref<128x128xf32, #tpu.memory_space<vmem>>, vector<1x16xf32>,
      %broadcast_in_dim3A_81 = arith.constant 0.000000e+00 : f32
      %broadcast_in_dim3A_82 = vector.broadcast %broadcast_in_dim3A_81 : f32 to vector<16xf32>
      %swap3A_83 = arith.index_cast %add3A_68 : i32 to index
      %swap3A_84 = arith.constant 32 : index
      %swap3A_85 = tpu.vector_load %arg8[%swap3A_83, %swap3A_84] {strides = array<i32>} : memref<128x128xf32, #tpu.memory_space<vmem>>, vector<1x16xf32>,
      %swap3A_86 = vector.shape_cast %swap3A_85 : vector<1x16xf32> to vector<16xf32>
      %swap3A_87 = vector.shape_cast %broadcast_in_dim3A_82 : vector<16xf32> to vector<1x16xf32>
      tpu.vector_store %arg8[%swap3A_83, %swap3A_84], %swap3A_87 {strides = array<i32>} : memref<128x128xf32, #tpu.memory_space<vmem>>, vector<1x16xf32>,
      %broadcast_in_dim3A_88 = arith.constant 0.000000e+00 : f32
      %broadcast_in_dim3A_89 = vector.broadcast %broadcast_in_dim3A_88 : f32 to vector<16xf32>
      %swap3A_90 = arith.index_cast %add3A_68 : i32 to index
      %swap3A_91 = arith.constant 48 : index
      %swap3A_92 = tpu.vector_load %arg8[%swap3A_90, %swap3A_91] {strides = array<i32>} : memref<128x128xf32, #tpu.memory_space<vmem>>, vector<1x16xf32>,
      %swap3A_93 = vector.shape_cast %swap3A_92 : vector<1x16xf32> to vector<16xf32>
      %swap3A_94 = vector.shape_cast %broadcast_in_dim3A_89 : vector<16xf32> to vector<1x16xf32>
      tpu.vector_store %arg8[%swap3A_90, %swap3A_91], %swap3A_94 {strides = array<i32>} : memref<128x128xf32, #tpu.memory_space<vmem>>, vector<1x16xf32>,
      %broadcast_in_dim3A_95 = arith.constant 0.000000e+00 : f32
      %broadcast_in_dim3A_96 = vector.broadcast %broadcast_in_dim3A_95 : f32 to vector<16xf32>
      %swap3A_97 = arith.index_cast %add3A_68 : i32 to index
      %swap3A_98 = arith.constant 64 : index
      %swap3A_99 = tpu.vector_load %arg8[%swap3A_97, %swap3A_98] {strides = array<i32>} : memref<128x128xf32, #tpu.memory_space<vmem>>, vector<1x16xf32>,
      %swap3A_100 = vector.shape_cast %swap3A_99 : vector<1x16xf32> to vector<16xf32>
      %swap3A_101 = vector.shape_cast %broadcast_in_dim3A_96 : vector<16xf32> to vector<1x16xf32>
      tpu.vector_store %arg8[%swap3A_97, %swap3A_98], %swap3A_101 {strides = array<i32>} : memref<128x128xf32, #tpu.memory_space<vmem>>, vector<1x16xf32>,
      %broadcast_in_dim3A_102 = arith.constant 0.000000e+00 : f32
      %broadcast_in_dim3A_103 = vector.broadcast %broadcast_in_dim3A_102 : f32 to vector<16xf32>
      %swap3A_104 = arith.index_cast %add3A_68 : i32 to index
      %swap3A_105 = arith.constant 80 : index
      %swap3A_106 = tpu.vector_load %arg8[%swap3A_104, %swap3A_105] {strides = array<i32>} : memref<128x128xf32, #tpu.memory_space<vmem>>, vector<1x16xf32>,
      %swap3A_107 = vector.shape_cast %swap3A_106 : vector<1x16xf32> to vector<16xf32>
      %swap3A_108 = vector.shape_cast %broadcast_in_dim3A_103 : vector<16xf32> to vector<1x16xf32>
      tpu.vector_store %arg8[%swap3A_104, %swap3A_105], %swap3A_108 {strides = array<i32>} : memref<128x128xf32, #tpu.memory_space<vmem>>, vector<1x16xf32>,
      %broadcast_in_dim3A_109 = arith.constant 0.000000e+00 : f32
      %broadcast_in_dim3A_110 = vector.broadcast %broadcast_in_dim3A_109 : f32 to vector<16xf32>
      %swap3A_111 = arith.index_cast %add3A_68 : i32 to index
      %swap3A_112 = arith.constant 96 : index
      %swap3A_113 = tpu.vector_load %arg8[%swap3A_111, %swap3A_112] {strides = array<i32>} : memref<128x128xf32, #tpu.memory_space<vmem>>, vector<1x16xf32>,
      %swap3A_114 = vector.shape_cast %swap3A_113 : vector<1x16xf32> to vector<16xf32>
      %swap3A_115 = vector.shape_cast %broadcast_in_dim3A_110 : vector<16xf32> to vector<1x16xf32>
      tpu.vector_store %arg8[%swap3A_111, %swap3A_112], %swap3A_115 {strides = array<i32>} : memref<128x128xf32, #tpu.memory_space<vmem>>, vector<1x16xf32>,
      %broadcast_in_dim3A_116 = arith.constant 0.000000e+00 : f32
      %broadcast_in_dim3A_117 = vector.broadcast %broadcast_in_dim3A_116 : f32 to vector<16xf32>
      %swap3A_118 = arith.index_cast %add3A_68 : i32 to index
      %swap3A_119 = arith.constant 112 : index
      %swap3A_120 = tpu.vector_load %arg8[%swap3A_118, %swap3A_119] {strides = array<i32>} : memref<128x128xf32, #tpu.memory_space<vmem>>, vector<1x16xf32>,
      %swap3A_121 = vector.shape_cast %swap3A_120 : vector<1x16xf32> to vector<16xf32>
      %swap3A_122 = vector.shape_cast %broadcast_in_dim3A_117 : vector<16xf32> to vector<1x16xf32>
      tpu.vector_store %arg8[%swap3A_118, %swap3A_119], %swap3A_122 {strides = array<i32>} : memref<128x128xf32, #tpu.memory_space<vmem>>, vector<1x16xf32>,
    }
    %mul3A_18 = arith.constant 640 : i32
    %mul3A_19 = arith.muli %arg1, %mul3A_18 : i32
    %add3A_20 = arith.constant 0 : i32
    %add3A_21 = arith.addi %mul3A_19, %add3A_20 : i32
    "tpu.region"() ({
      %run_scoped3A = tpu.sem_alloc : memref<!tpu.dma_semaphore, #tpu.memory_space<semaphore_mem>>
      %dma_start3A = arith.constant 0 : i32
      %dma_start3A_66 = tpu.memref_slice %arg9[%add3A_21, %dma_start3A] : memref<10240x128xf32, #tpu.memory_space<vmem_shared>> -> memref<128x128xf32, #tpu.memory_space<vmem_shared>>
      %dma_start3A_67 = arith.constant 0 : i32
      %dma_start3A_68 = tpu.memref_slice %arg9[%add3A_21, %dma_start3A_67] : memref<10240x128xf32, #tpu.memory_space<vmem_shared>> -> memref<128x128xf32, #tpu.memory_space<vmem_shared>>
      tpu.enqueue_dma source(%arg8 : memref<128x128xf32, #tpu.memory_space<vmem>>) target(%dma_start3A_68 : memref<128x128xf32, #tpu.memory_space<vmem_shared>>) target_semaphore(%run_scoped3A : memref<!tpu.dma_semaphore, #tpu.memory_space<semaphore_mem>>)
      %dma_wait3A = arith.constant 0 : i32
      %dma_wait3A_69 = tpu.memref_slice %arg9[%add3A_21, %dma_wait3A] : memref<10240x128xf32, #tpu.memory_space<vmem_shared>> -> memref<128x128xf32, #tpu.memory_space<vmem_shared>>
      %dma_wait3A_70 = arith.constant 0 : i32
      %dma_wait3A_71 = tpu.memref_slice %arg9[%add3A_21, %dma_wait3A_70] : memref<10240x128xf32, #tpu.memory_space<vmem_shared>> -> memref<128x128xf32, #tpu.memory_space<vmem_shared>>
      tpu.wait_dma2 semaphore(%run_scoped3A : memref<!tpu.dma_semaphore, #tpu.memory_space<semaphore_mem>>) src(%arg8 : memref<128x128xf32, #tpu.memory_space<vmem>>) dst(%dma_wait3A_71 : memref<128x128xf32, #tpu.memory_space<vmem_shared>>)
      tpu.yield
    }) : () -> ()
    %mul3A_22 = arith.constant 640 : i32
    %mul3A_23 = arith.muli %arg1, %mul3A_22 : i32
    %add3A_24 = arith.constant 128 : i32
    %add3A_25 = arith.addi %mul3A_23, %add3A_24 : i32
    "tpu.region"() ({
      %run_scoped3A = tpu.sem_alloc : memref<!tpu.dma_semaphore, #tpu.memory_space<semaphore_mem>>
      %dma_start3A = arith.constant 0 : i32
      %dma_start3A_66 = tpu.memref_slice %arg9[%add3A_25, %dma_start3A] : memref<10240x128xf32, #tpu.memory_space<vmem_shared>> -> memref<128x128xf32, #tpu.memory_space<vmem_shared>>
      %dma_start3A_67 = arith.constant 0 : i32
      %dma_start3A_68 = tpu.memref_slice %arg9[%add3A_25, %dma_start3A_67] : memref<10240x128xf32, #tpu.memory_space<vmem_shared>> -> memref<128x128xf32, #tpu.memory_space<vmem_shared>>
      tpu.enqueue_dma source(%arg8 : memref<128x128xf32, #tpu.memory_space<vmem>>) target(%dma_start3A_68 : memref<128x128xf32, #tpu.memory_space<vmem_shared>>) target_semaphore(%run_scoped3A : memref<!tpu.dma_semaphore, #tpu.memory_space<semaphore_mem>>)
      %dma_wait3A = arith.constant 0 : i32
      %dma_wait3A_69 = tpu.memref_slice %arg9[%add3A_25, %dma_wait3A] : memref<10240x128xf32, #tpu.memory_space<vmem_shared>> -> memref<128x128xf32, #tpu.memory_space<vmem_shared>>
      %dma_wait3A_70 = arith.constant 0 : i32
      %dma_wait3A_71 = tpu.memref_slice %arg9[%add3A_25, %dma_wait3A_70] : memref<10240x128xf32, #tpu.memory_space<vmem_shared>> -> memref<128x128xf32, #tpu.memory_space<vmem_shared>>
      tpu.wait_dma2 semaphore(%run_scoped3A : memref<!tpu.dma_semaphore, #tpu.memory_space<semaphore_mem>>) src(%arg8 : memref<128x128xf32, #tpu.memory_space<vmem>>) dst(%dma_wait3A_71 : memref<128x128xf32, #tpu.memory_space<vmem_shared>>)
      tpu.yield
    }) : () -> ()
    %mul3A_26 = arith.constant 640 : i32
    %mul3A_27 = arith.muli %arg1, %mul3A_26 : i32
    %add3A_28 = arith.constant 256 : i32
    %add3A_29 = arith.addi %mul3A_27, %add3A_28 : i32
    "tpu.region"() ({
      %run_scoped3A = tpu.sem_alloc : memref<!tpu.dma_semaphore, #tpu.memory_space<semaphore_mem>>
      %dma_start3A = arith.constant 0 : i32
      %dma_start3A_66 = tpu.memref_slice %arg9[%add3A_29, %dma_start3A] : memref<10240x128xf32, #tpu.memory_space<vmem_shared>> -> memref<128x128xf32, #tpu.memory_space<vmem_shared>>
      %dma_start3A_67 = arith.constant 0 : i32
      %dma_start3A_68 = tpu.memref_slice %arg9[%add3A_29, %dma_start3A_67] : memref<10240x128xf32, #tpu.memory_space<vmem_shared>> -> memref<128x128xf32, #tpu.memory_space<vmem_shared>>
      tpu.enqueue_dma source(%arg8 : memref<128x128xf32, #tpu.memory_space<vmem>>) target(%dma_start3A_68 : memref<128x128xf32, #tpu.memory_space<vmem_shared>>) target_semaphore(%run_scoped3A : memref<!tpu.dma_semaphore, #tpu.memory_space<semaphore_mem>>)
      %dma_wait3A = arith.constant 0 : i32
      %dma_wait3A_69 = tpu.memref_slice %arg9[%add3A_29, %dma_wait3A] : memref<10240x128xf32, #tpu.memory_space<vmem_shared>> -> memref<128x128xf32, #tpu.memory_space<vmem_shared>>
      %dma_wait3A_70 = arith.constant 0 : i32
      %dma_wait3A_71 = tpu.memref_slice %arg9[%add3A_29, %dma_wait3A_70] : memref<10240x128xf32, #tpu.memory_space<vmem_shared>> -> memref<128x128xf32, #tpu.memory_space<vmem_shared>>
      tpu.wait_dma2 semaphore(%run_scoped3A : memref<!tpu.dma_semaphore, #tpu.memory_space<semaphore_mem>>) src(%arg8 : memref<128x128xf32, #tpu.memory_space<vmem>>) dst(%dma_wait3A_71 : memref<128x128xf32, #tpu.memory_space<vmem_shared>>)
      tpu.yield
    }) : () -> ()
    %mul3A_30 = arith.constant 640 : i32
    %mul3A_31 = arith.muli %arg1, %mul3A_30 : i32
    %add3A_32 = arith.constant 384 : i32
    %add3A_33 = arith.addi %mul3A_31, %add3A_32 : i32
    "tpu.region"() ({
      %run_scoped3A = tpu.sem_alloc : memref<!tpu.dma_semaphore, #tpu.memory_space<semaphore_mem>>
      %dma_start3A = arith.constant 0 : i32
      %dma_start3A_66 = tpu.memref_slice %arg9[%add3A_33, %dma_start3A] : memref<10240x128xf32, #tpu.memory_space<vmem_shared>> -> memref<128x128xf32, #tpu.memory_space<vmem_shared>>
      %dma_start3A_67 = arith.constant 0 : i32
      %dma_start3A_68 = tpu.memref_slice %arg9[%add3A_33, %dma_start3A_67] : memref<10240x128xf32, #tpu.memory_space<vmem_shared>> -> memref<128x128xf32, #tpu.memory_space<vmem_shared>>
      tpu.enqueue_dma source(%arg8 : memref<128x128xf32, #tpu.memory_space<vmem>>) target(%dma_start3A_68 : memref<128x128xf32, #tpu.memory_space<vmem_shared>>) target_semaphore(%run_scoped3A : memref<!tpu.dma_semaphore, #tpu.memory_space<semaphore_mem>>)
      %dma_wait3A = arith.constant 0 : i32
      %dma_wait3A_69 = tpu.memref_slice %arg9[%add3A_33, %dma_wait3A] : memref<10240x128xf32, #tpu.memory_space<vmem_shared>> -> memref<128x128xf32, #tpu.memory_space<vmem_shared>>
      %dma_wait3A_70 = arith.constant 0 : i32
      %dma_wait3A_71 = tpu.memref_slice %arg9[%add3A_33, %dma_wait3A_70] : memref<10240x128xf32, #tpu.memory_space<vmem_shared>> -> memref<128x128xf32, #tpu.memory_space<vmem_shared>>
      tpu.wait_dma2 semaphore(%run_scoped3A : memref<!tpu.dma_semaphore, #tpu.memory_space<semaphore_mem>>) src(%arg8 : memref<128x128xf32, #tpu.memory_space<vmem>>) dst(%dma_wait3A_71 : memref<128x128xf32, #tpu.memory_space<vmem_shared>>)
      tpu.yield
    }) : () -> ()
    %mul3A_34 = arith.constant 640 : i32
    %mul3A_35 = arith.muli %arg1, %mul3A_34 : i32
    %add3A_36 = arith.constant 512 : i32
    %add3A_37 = arith.addi %mul3A_35, %add3A_36 : i32
    "tpu.region"() ({
      %run_scoped3A = tpu.sem_alloc : memref<!tpu.dma_semaphore, #tpu.memory_space<semaphore_mem>>
      %dma_start3A = arith.constant 0 : i32
      %dma_start3A_66 = tpu.memref_slice %arg9[%add3A_37, %dma_start3A] : memref<10240x128xf32, #tpu.memory_space<vmem_shared>> -> memref<128x128xf32, #tpu.memory_space<vmem_shared>>
      %dma_start3A_67 = arith.constant 0 : i32
      %dma_start3A_68 = tpu.memref_slice %arg9[%add3A_37, %dma_start3A_67] : memref<10240x128xf32, #tpu.memory_space<vmem_shared>> -> memref<128x128xf32, #tpu.memory_space<vmem_shared>>
      tpu.enqueue_dma source(%arg8 : memref<128x128xf32, #tpu.memory_space<vmem>>) target(%dma_start3A_68 : memref<128x128xf32, #tpu.memory_space<vmem_shared>>) target_semaphore(%run_scoped3A : memref<!tpu.dma_semaphore, #tpu.memory_space<semaphore_mem>>)
      %dma_wait3A = arith.constant 0 : i32
      %dma_wait3A_69 = tpu.memref_slice %arg9[%add3A_37, %dma_wait3A] : memref<10240x128xf32, #tpu.memory_space<vmem_shared>> -> memref<128x128xf32, #tpu.memory_space<vmem_shared>>
      %dma_wait3A_70 = arith.constant 0 : i32
      %dma_wait3A_71 = tpu.memref_slice %arg9[%add3A_37, %dma_wait3A_70] : memref<10240x128xf32, #tpu.memory_space<vmem_shared>> -> memref<128x128xf32, #tpu.memory_space<vmem_shared>>
      tpu.wait_dma2 semaphore(%run_scoped3A : memref<!tpu.dma_semaphore, #tpu.memory_space<semaphore_mem>>) src(%arg8 : memref<128x128xf32, #tpu.memory_space<vmem>>) dst(%dma_wait3A_71 : memref<128x128xf32, #tpu.memory_space<vmem_shared>>)
      tpu.yield
    }) : () -> ()
    %barrier3A = arith.constant 0 : index
    tpu.barrier barrier_id(%barrier3A)
    "tpu.region"() ({
      %run_scoped3A = tpu.sem_alloc : memref<!tpu.dma_semaphore, #tpu.memory_space<semaphore_mem>>
      %dma_start3A = arith.constant 0 : i32
      %dma_start3A_66 = arith.constant 0 : i32
      %dma_start3A_67 = tpu.memref_slice %arg3[%add3A, %dma_start3A, %dma_start3A_66] : memref<32x79x128xi32, #tpu.memory_space<hbm>> -> memref<1x79x128xi32, #tpu.memory_space<hbm>>
      %dma_start3A_68 = tpu.memref_squeeze %dma_start3A_67 : memref<1x79x128xi32, #tpu.memory_space<hbm>> -> memref<79x128xi32, #tpu.memory_space<hbm>>
      %dma_start3A_69 = arith.constant 0 : i32
      %dma_start3A_70 = arith.constant 0 : i32
      %dma_start3A_71 = tpu.memref_slice %arg3[%add3A, %dma_start3A_69, %dma_start3A_70] : memref<32x79x128xi32, #tpu.memory_space<hbm>> -> memref<1x79x128xi32, #tpu.memory_space<hbm>>
      %dma_start3A_72 = tpu.memref_squeeze %dma_start3A_71 : memref<1x79x128xi32, #tpu.memory_space<hbm>> -> memref<79x128xi32, #tpu.memory_space<hbm>>
      tpu.enqueue_dma source(%dma_start3A_72 : memref<79x128xi32, #tpu.memory_space<hbm>>) target(%arg6 : memref<79x128xi32, #tpu.memory_space<vmem>>) target_semaphore(%run_scoped3A : memref<!tpu.dma_semaphore, #tpu.memory_space<semaphore_mem>>)
      %dma_wait3A = arith.constant 0 : i32
      %dma_wait3A_73 = arith.constant 0 : i32
      %dma_wait3A_74 = tpu.memref_slice %arg3[%add3A, %dma_wait3A, %dma_wait3A_73] : memref<32x79x128xi32, #tpu.memory_space<hbm>> -> memref<1x79x128xi32, #tpu.memory_space<hbm>>
      %dma_wait3A_75 = tpu.memref_squeeze %dma_wait3A_74 : memref<1x79x128xi32, #tpu.memory_space<hbm>> -> memref<79x128xi32, #tpu.memory_space<hbm>>
      %dma_wait3A_76 = arith.constant 0 : i32
      %dma_wait3A_77 = arith.constant 0 : i32
      %dma_wait3A_78 = tpu.memref_slice %arg3[%add3A, %dma_wait3A_76, %dma_wait3A_77] : memref<32x79x128xi32, #tpu.memory_space<hbm>> -> memref<1x79x128xi32, #tpu.memory_space<hbm>>
      %dma_wait3A_79 = tpu.memref_squeeze %dma_wait3A_78 : memref<1x79x128xi32, #tpu.memory_space<hbm>> -> memref<79x128xi32, #tpu.memory_space<hbm>>
      tpu.wait_dma2 semaphore(%run_scoped3A : memref<!tpu.dma_semaphore, #tpu.memory_space<semaphore_mem>>) src(%dma_wait3A_79 : memref<79x128xi32, #tpu.memory_space<hbm>>) dst(%arg6 : memref<79x128xi32, #tpu.memory_space<vmem>>)
      tpu.yield
    }) : () -> ()
    "tpu.region"() ({
      %run_scoped3A = tpu.sem_alloc : memref<!tpu.dma_semaphore, #tpu.memory_space<semaphore_mem>>
      %dma_start3A = arith.constant 0 : i32
      %dma_start3A_66 = arith.constant 0 : i32
      %dma_start3A_67 = tpu.memref_slice %arg4[%add3A, %dma_start3A, %dma_start3A_66] : memref<32x79x128xi32, #tpu.memory_space<hbm>> -> memref<1x79x128xi32, #tpu.memory_space<hbm>>
      %dma_start3A_68 = tpu.memref_squeeze %dma_start3A_67 : memref<1x79x128xi32, #tpu.memory_space<hbm>> -> memref<79x128xi32, #tpu.memory_space<hbm>>
      %dma_start3A_69 = arith.constant 0 : i32
      %dma_start3A_70 = arith.constant 0 : i32
      %dma_start3A_71 = tpu.memref_slice %arg4[%add3A, %dma_start3A_69, %dma_start3A_70] : memref<32x79x128xi32, #tpu.memory_space<hbm>> -> memref<1x79x128xi32, #tpu.memory_space<hbm>>
      %dma_start3A_72 = tpu.memref_squeeze %dma_start3A_71 : memref<1x79x128xi32, #tpu.memory_space<hbm>> -> memref<79x128xi32, #tpu.memory_space<hbm>>
      tpu.enqueue_dma source(%dma_start3A_72 : memref<79x128xi32, #tpu.memory_space<hbm>>) target(%arg7 : memref<79x128xi32, #tpu.memory_space<vmem>>) target_semaphore(%run_scoped3A : memref<!tpu.dma_semaphore, #tpu.memory_space<semaphore_mem>>)
      %dma_wait3A = arith.constant 0 : i32
      %dma_wait3A_73 = arith.constant 0 : i32
      %dma_wait3A_74 = tpu.memref_slice %arg4[%add3A, %dma_wait3A, %dma_wait3A_73] : memref<32x79x128xi32, #tpu.memory_space<hbm>> -> memref<1x79x128xi32, #tpu.memory_space<hbm>>
      %dma_wait3A_75 = tpu.memref_squeeze %dma_wait3A_74 : memref<1x79x128xi32, #tpu.memory_space<hbm>> -> memref<79x128xi32, #tpu.memory_space<hbm>>
      %dma_wait3A_76 = arith.constant 0 : i32
      %dma_wait3A_77 = arith.constant 0 : i32
      %dma_wait3A_78 = tpu.memref_slice %arg4[%add3A, %dma_wait3A_76, %dma_wait3A_77] : memref<32x79x128xi32, #tpu.memory_space<hbm>> -> memref<1x79x128xi32, #tpu.memory_space<hbm>>
      %dma_wait3A_79 = tpu.memref_squeeze %dma_wait3A_78 : memref<1x79x128xi32, #tpu.memory_space<hbm>> -> memref<79x128xi32, #tpu.memory_space<hbm>>
      tpu.wait_dma2 semaphore(%run_scoped3A : memref<!tpu.dma_semaphore, #tpu.memory_space<semaphore_mem>>) src(%dma_wait3A_79 : memref<79x128xi32, #tpu.memory_space<hbm>>) dst(%arg7 : memref<79x128xi32, #tpu.memory_space<vmem>>)
      tpu.yield
    }) : () -> ()
    %sub3A_38 = arith.constant 79 : i32
    %sub3A_39 = arith.constant 0 : i32
    %sub3A_40 = arith.subi %sub3A_38, %sub3A_39 : i32
    %sub3A_41 = arith.constant 1 : i32
    %sub3A_42 = arith.constant 1 : i32
    %sub3A_43 = arith.subi %sub3A_41, %sub3A_42 : i32
    %add3A_44 = arith.addi %sub3A_40, %sub3A_43 : i32
    %div3A_45 = arith.constant 1 : i32
    %div3A_46 = arith.divsi %add3A_44, %div3A_45 : i32
    %while3A_47 = arith.constant 1 : i32
    %while3A_48 = arith.constant 0 : i32
    %while3A_49 = arith.constant 0 : i32
    %while3A_50 = arith.subi %div3A_46, %while3A_49 : i32
    %while3A_51 = arith.addi %while3A_49, %while3A_50 : i32
    %while3A_52 = arith.constant 1 : i32
    %while3A_53 = arith.divsi %while3A_50, %while3A_52 : i32
    %while3A_54 = arith.muli %while3A_53, %while3A_52 : i32
    %while3A_55 = arith.addi %while3A_49, %while3A_54 : i32
    %while3A_56 = arith.constant 1 : i32
    scf.for %while3A_66 = %while3A_49 to %while3A_55 step %while3A_56  : i32 {
      %mul3A_67 = arith.muli %while3A_66, %while3A_47 : i32
      %add3A_68 = arith.addi %while3A_48, %mul3A_67 : i32
      %dma_start3A = arith.constant 0 : i32
      %dma_start3A_69 = tpu.memref_slice %arg6[%add3A_68, %dma_start3A] : memref<79x128xi32, #tpu.memory_space<vmem>> -> memref<1x128xi32, #tpu.memory_space<vmem>>
      %dma_start3A_70 = tpu.memref_squeeze %dma_start3A_69 : memref<1x128xi32, #tpu.memory_space<vmem>> -> memref<128xi32, #tpu.memory_space<vmem>>
      %dma_start3A_71 = arith.constant 0 : i32
      %dma_start3A_72 = arith.constant 0 : i32
      %dma_start3A_73 = tpu.memref_slice %arg2[%dma_start3A_71, %dma_start3A_72] : memref<10240x128xf32, #tpu.memory_space<hbm>> -> memref<10240x128xf32, #tpu.memory_space<hbm>>
      tpu.enqueue_indirect_dma source(%dma_start3A_73 : memref<10240x128xf32, #tpu.memory_space<hbm>>) target(%arg8 : memref<128x128xf32, #tpu.memory_space<vmem>>) offsets(%dma_start3A_70 : memref<128xi32, #tpu.memory_space<vmem>>) semaphore(%arg10 : memref<!tpu.dma_semaphore, #tpu.memory_space<semaphore_mem>>)
      %dma_wait3A = arith.constant 0 : i32
      %dma_wait3A_74 = tpu.memref_slice %arg6[%add3A_68, %dma_wait3A] : memref<79x128xi32, #tpu.memory_space<vmem>> -> memref<1x128xi32, #tpu.memory_space<vmem>>
      %dma_wait3A_75 = tpu.memref_squeeze %dma_wait3A_74 : memref<1x128xi32, #tpu.memory_space<vmem>> -> memref<128xi32, #tpu.memory_space<vmem>>
      %dma_wait3A_76 = arith.constant 0 : i32
      %dma_wait3A_77 = arith.constant 0 : i32
      %dma_wait3A_78 = tpu.memref_slice %arg2[%dma_wait3A_76, %dma_wait3A_77] : memref<10240x128xf32, #tpu.memory_space<hbm>> -> memref<10240x128xf32, #tpu.memory_space<hbm>>
      tpu.wait_indirect_dma semaphore(%arg10 : memref<!tpu.dma_semaphore, #tpu.memory_space<semaphore_mem>>) src(%dma_wait3A_78 : memref<10240x128xf32, #tpu.memory_space<hbm>>) dst(%arg8 : memref<128x128xf32, #tpu.memory_space<vmem>>)
      "tpu.region"() ({
        %run_scoped3A = tpu.sem_alloc : memref<!tpu.dma_semaphore, #tpu.memory_space<semaphore_mem>>
        %dma_start3A_79 = arith.constant 0 : i32
        %dma_start3A_80 = tpu.memref_slice %arg7[%add3A_68, %dma_start3A_79] : memref<79x128xi32, #tpu.memory_space<vmem>> -> memref<1x128xi32, #tpu.memory_space<vmem>>
        %dma_start3A_81 = tpu.memref_squeeze %dma_start3A_80 : memref<1x128xi32, #tpu.memory_space<vmem>> -> memref<128xi32, #tpu.memory_space<vmem>>
        %dma_start3A_82 = arith.constant 0 : i32
        %dma_start3A_83 = arith.constant 0 : i32
        %dma_start3A_84 = tpu.memref_slice %arg9[%dma_start3A_82, %dma_start3A_83] : memref<10240x128xf32, #tpu.memory_space<vmem_shared>> -> memref<10240x128xf32, #tpu.memory_space<vmem_shared>>
        tpu.enqueue_indirect_dma source(%arg8 : memref<128x128xf32, #tpu.memory_space<vmem>>) target(%dma_start3A_84 : memref<10240x128xf32, #tpu.memory_space<vmem_shared>>) offsets(%dma_start3A_81 : memref<128xi32, #tpu.memory_space<vmem>>) semaphore(%run_scoped3A : memref<!tpu.dma_semaphore, #tpu.memory_space<semaphore_mem>>) {add = true}
        %dma_wait3A_85 = arith.constant 0 : i32
        %dma_wait3A_86 = tpu.memref_slice %arg7[%add3A_68, %dma_wait3A_85] : memref<79x128xi32, #tpu.memory_space<vmem>> -> memref<1x128xi32, #tpu.memory_space<vmem>>
        %dma_wait3A_87 = tpu.memref_squeeze %dma_wait3A_86 : memref<1x128xi32, #tpu.memory_space<vmem>> -> memref<128xi32, #tpu.memory_space<vmem>>
        %dma_wait3A_88 = arith.constant 0 : i32
        %dma_wait3A_89 = arith.constant 0 : i32
        %dma_wait3A_90 = tpu.memref_slice %arg9[%dma_wait3A_88, %dma_wait3A_89] : memref<10240x128xf32, #tpu.memory_space<vmem_shared>> -> memref<10240x128xf32, #tpu.memory_space<vmem_shared>>
        tpu.wait_indirect_dma semaphore(%run_scoped3A : memref<!tpu.dma_semaphore, #tpu.memory_space<semaphore_mem>>) src(%arg8 : memref<128x128xf32, #tpu.memory_space<vmem>>) dst(%dma_wait3A_90 : memref<10240x128xf32, #tpu.memory_space<vmem_shared>>)
        tpu.yield
      }) : () -> ()
    }
    %while3A_57 = arith.constant 1 : i32
    scf.for %while3A_66 = %while3A_55 to %while3A_51 step %while3A_57  : i32 {
      %mul3A_67 = arith.muli %while3A_66, %while3A_47 : i32
      %add3A_68 = arith.addi %while3A_48, %mul3A_67 : i32
      %dma_start3A = arith.constant 0 : i32
      %dma_start3A_69 = tpu.memref_slice %arg6[%add3A_68, %dma_start3A] : memref<79x128xi32, #tpu.memory_space<vmem>> -> memref<1x128xi32, #tpu.memory_space<vmem>>
      %dma_start3A_70 = tpu.memref_squeeze %dma_start3A_69 : memref<1x128xi32, #tpu.memory_space<vmem>> -> memref<128xi32, #tpu.memory_space<vmem>>
      %dma_start3A_71 = arith.constant 0 : i32
      %dma_start3A_72 = arith.constant 0 : i32
      %dma_start3A_73 = tpu.memref_slice %arg2[%dma_start3A_71, %dma_start3A_72] : memref<10240x128xf32, #tpu.memory_space<hbm>> -> memref<10240x128xf32, #tpu.memory_space<hbm>>
      tpu.enqueue_indirect_dma source(%dma_start3A_73 : memref<10240x128xf32, #tpu.memory_space<hbm>>) target(%arg8 : memref<128x128xf32, #tpu.memory_space<vmem>>) offsets(%dma_start3A_70 : memref<128xi32, #tpu.memory_space<vmem>>) semaphore(%arg10 : memref<!tpu.dma_semaphore, #tpu.memory_space<semaphore_mem>>)
      %dma_wait3A = arith.constant 0 : i32
      %dma_wait3A_74 = tpu.memref_slice %arg6[%add3A_68, %dma_wait3A] : memref<79x128xi32, #tpu.memory_space<vmem>> -> memref<1x128xi32, #tpu.memory_space<vmem>>
      %dma_wait3A_75 = tpu.memref_squeeze %dma_wait3A_74 : memref<1x128xi32, #tpu.memory_space<vmem>> -> memref<128xi32, #tpu.memory_space<vmem>>
      %dma_wait3A_76 = arith.constant 0 : i32
      %dma_wait3A_77 = arith.constant 0 : i32
      %dma_wait3A_78 = tpu.memref_slice %arg2[%dma_wait3A_76, %dma_wait3A_77] : memref<10240x128xf32, #tpu.memory_space<hbm>> -> memref<10240x128xf32, #tpu.memory_space<hbm>>
      tpu.wait_indirect_dma semaphore(%arg10 : memref<!tpu.dma_semaphore, #tpu.memory_space<semaphore_mem>>) src(%dma_wait3A_78 : memref<10240x128xf32, #tpu.memory_space<hbm>>) dst(%arg8 : memref<128x128xf32, #tpu.memory_space<vmem>>)
      "tpu.region"() ({
        %run_scoped3A = tpu.sem_alloc : memref<!tpu.dma_semaphore, #tpu.memory_space<semaphore_mem>>
        %dma_start3A_79 = arith.constant 0 : i32
        %dma_start3A_80 = tpu.memref_slice %arg7[%add3A_68, %dma_start3A_79] : memref<79x128xi32, #tpu.memory_space<vmem>> -> memref<1x128xi32, #tpu.memory_space<vmem>>
        %dma_start3A_81 = tpu.memref_squeeze %dma_start3A_80 : memref<1x128xi32, #tpu.memory_space<vmem>> -> memref<128xi32, #tpu.memory_space<vmem>>
        %dma_start3A_82 = arith.constant 0 : i32
        %dma_start3A_83 = arith.constant 0 : i32
        %dma_start3A_84 = tpu.memref_slice %arg9[%dma_start3A_82, %dma_start3A_83] : memref<10240x128xf32, #tpu.memory_space<vmem_shared>> -> memref<10240x128xf32, #tpu.memory_space<vmem_shared>>
        tpu.enqueue_indirect_dma source(%arg8 : memref<128x128xf32, #tpu.memory_space<vmem>>) target(%dma_start3A_84 : memref<10240x128xf32, #tpu.memory_space<vmem_shared>>) offsets(%dma_start3A_81 : memref<128xi32, #tpu.memory_space<vmem>>) semaphore(%run_scoped3A : memref<!tpu.dma_semaphore, #tpu.memory_space<semaphore_mem>>) {add = true}
        %dma_wait3A_85 = arith.constant 0 : i32
        %dma_wait3A_86 = tpu.memref_slice %arg7[%add3A_68, %dma_wait3A_85] : memref<79x128xi32, #tpu.memory_space<vmem>> -> memref<1x128xi32, #tpu.memory_space<vmem>>
        %dma_wait3A_87 = tpu.memref_squeeze %dma_wait3A_86 : memref<1x128xi32, #tpu.memory_space<vmem>> -> memref<128xi32, #tpu.memory_space<vmem>>
        %dma_wait3A_88 = arith.constant 0 : i32
        %dma_wait3A_89 = arith.constant 0 : i32
        %dma_wait3A_90 = tpu.memref_slice %arg9[%dma_wait3A_88, %dma_wait3A_89] : memref<10240x128xf32, #tpu.memory_space<vmem_shared>> -> memref<10240x128xf32, #tpu.memory_space<vmem_shared>>
        tpu.wait_indirect_dma semaphore(%run_scoped3A : memref<!tpu.dma_semaphore, #tpu.memory_space<semaphore_mem>>) src(%arg8 : memref<128x128xf32, #tpu.memory_space<vmem>>) dst(%dma_wait3A_90 : memref<10240x128xf32, #tpu.memory_space<vmem_shared>>)
        tpu.yield
      }) : () -> ()
    }
    %barrier3A_58 = arith.constant 0 : index
    tpu.barrier barrier_id(%barrier3A_58)
    %mul3A_59 = arith.constant 640 : i32
    %mul3A_60 = arith.muli %arg1, %mul3A_59 : i32
    %mul3A_61 = arith.constant 10240 : i32
    %mul3A_62 = arith.muli %arg0, %mul3A_61 : i32
    %mul3A_63 = arith.constant 640 : i32
    %mul3A_64 = arith.muli %arg1, %mul3A_63 : i32
    %add3A_65 = arith.addi %mul3A_62, %mul3A_64 : i32
    "tpu.region"() ({
      %run_scoped3A = tpu.sem_alloc : memref<!tpu.dma_semaphore, #tpu.memory_space<semaphore_mem>>
      %dma_start3A = arith.constant 0 : i32
      %dma_start3A_66 = tpu.memref_slice %arg5[%add3A_65, %dma_start3A] : memref<20480x128xf32, #tpu.memory_space<hbm>> -> memref<640x128xf32, #tpu.memory_space<hbm>>
      %dma_start3A_67 = arith.constant 0 : i32
      %dma_start3A_68 = tpu.memref_slice %arg9[%mul3A_60, %dma_start3A_67] : memref<10240x128xf32, #tpu.memory_space<vmem_shared>> -> memref<640x128xf32, #tpu.memory_space<vmem_shared>>
      tpu.enqueue_dma source(%dma_start3A_68 : memref<640x128xf32, #tpu.memory_space<vmem_shared>>) target(%dma_start3A_66 : memref<640x128xf32, #tpu.memory_space<hbm>>) target_semaphore(%run_scoped3A : memref<!tpu.dma_semaphore, #tpu.memory_space<semaphore_mem>>)
      %dma_wait3A = arith.constant 0 : i32
      %dma_wait3A_69 = tpu.memref_slice %arg5[%add3A_65, %dma_wait3A] : memref<20480x128xf32, #tpu.memory_space<hbm>> -> memref<640x128xf32, #tpu.memory_space<hbm>>
      %dma_wait3A_70 = arith.constant 0 : i32
      %dma_wait3A_71 = tpu.memref_slice %arg9[%mul3A_60, %dma_wait3A_70] : memref<10240x128xf32, #tpu.memory_space<vmem_shared>> -> memref<640x128xf32, #tpu.memory_space<vmem_shared>>
      tpu.wait_dma2 semaphore(%run_scoped3A : memref<!tpu.dma_semaphore, #tpu.memory_space<semaphore_mem>>) src(%dma_wait3A_71 : memref<640x128xf32, #tpu.memory_space<vmem_shared>>) dst(%dma_wait3A_69 : memref<640x128xf32, #tpu.memory_space<hbm>>)
      tpu.yield
    }) : () -> ()
    return
  }
}

#map = affine_map<(d0, d1) -> (0, 0)>
#map1 = affine_map<(d0, d1) -> (0, 0, 0)>
module attributes {stable_mosaic.version = 14 : i64} {
  func.func @_sc_scatter(%arg0: i32, %arg1: i32, %arg2: memref<10240x128xf32, #tpu.memory_space<hbm>>, %arg3: memref<32x79x128xi32, #tpu.memory_space<hbm>>, %arg4: memref<32x79x128xi32, #tpu.memory_space<hbm>>, %arg5: memref<20480x128xf32, #tpu.memory_space<hbm>>, %arg6: memref<79x128xi32, #tpu.memory_space<vmem>>, %arg7: memref<79x128xi32, #tpu.memory_space<vmem>>, %arg8: memref<128x128xf32, #tpu.memory_space<vmem>>, %arg9: memref<10240x128xf32, #tpu.memory_space<vmem_shared>>, %arg10: memref<!tpu.dma_semaphore, #tpu.memory_space<semaphore_mem>>) attributes {dimension_semantics = [#tpu.dimension_semantics<core_parallel>, #tpu.dimension_semantics<subcore_parallel>], iteration_bounds = array<i64: 2, 16>, scalar_prefetch = 0 : i64, scratch_operands = 5 : i64, tpu.core_type = #tpu.core_type<sc_vector_subcore>, window_params = [{transform_indices = #map}, {transform_indices = #map1}, {transform_indices = #map1}, {transform_indices = #map}]} {
    %mul3A = arith.constant 2 : i32
    %mul3A_0 = arith.muli %arg1, %mul3A : i32
    %add3A = arith.addi %mul3A_0, %arg0 : i32
    %sub3A = arith.constant 128 : i32
    %sub3A_1 = arith.constant 0 : i32
    %sub3A_2 = arith.subi %sub3A, %sub3A_1 : i32
    %sub3A_3 = arith.constant 1 : i32
    %sub3A_4 = arith.constant 1 : i32
    %sub3A_5 = arith.subi %sub3A_3, %sub3A_4 : i32
    %add3A_6 = arith.addi %sub3A_2, %sub3A_5 : i32
    %div3A = arith.constant 1 : i32
    %div3A_7 = arith.divsi %add3A_6, %div3A : i32
    %while3A = arith.constant 1 : i32
    %while3A_8 = arith.constant 0 : i32
    %while3A_9 = arith.constant 0 : i32
    %while3A_10 = arith.subi %div3A_7, %while3A_9 : i32
    %while3A_11 = arith.addi %while3A_9, %while3A_10 : i32
    %while3A_12 = arith.constant 1 : i32
    %while3A_13 = arith.divsi %while3A_10, %while3A_12 : i32
    %while3A_14 = arith.muli %while3A_13, %while3A_12 : i32
    %while3A_15 = arith.addi %while3A_9, %while3A_14 : i32
    %while3A_16 = arith.constant 1 : i32
    scf.for %while3A_66 = %while3A_9 to %while3A_15 step %while3A_16  : i32 {
      %mul3A_67 = arith.muli %while3A_66, %while3A : i32
      %add3A_68 = arith.addi %while3A_8, %mul3A_67 : i32
      %broadcast_in_dim3A = arith.constant 0.000000e+00 : f32
      %broadcast_in_dim3A_69 = vector.broadcast %broadcast_in_dim3A : f32 to vector<16xf32>
      %swap3A = arith.index_cast %add3A_68 : i32 to index
      %swap3A_70 = arith.constant 0 : index
      %swap3A_71 = tpu.vector_load %arg8[%swap3A, %swap3A_70] {strides = array<i32>} : memref<128x128xf32, #tpu.memory_space<vmem>>, vector<1x16xf32>,
      %swap3A_72 = vector.shape_cast %swap3A_71 : vector<1x16xf32> to vector<16xf32>
      %swap3A_73 = vector.shape_cast %broadcast_in_dim3A_69 : vector<16xf32> to vector<1x16xf32>
      tpu.vector_store %arg8[%swap3A, %swap3A_70], %swap3A_73 {strides = array<i32>} : memref<128x128xf32, #tpu.memory_space<vmem>>, vector<1x16xf32>,
      %broadcast_in_dim3A_74 = arith.constant 0.000000e+00 : f32
      %broadcast_in_dim3A_75 = vector.broadcast %broadcast_in_dim3A_74 : f32 to vector<16xf32>
      %swap3A_76 = arith.index_cast %add3A_68 : i32 to index
      %swap3A_77 = arith.constant 16 : index
      %swap3A_78 = tpu.vector_load %arg8[%swap3A_76, %swap3A_77] {strides = array<i32>} : memref<128x128xf32, #tpu.memory_space<vmem>>, vector<1x16xf32>,
      %swap3A_79 = vector.shape_cast %swap3A_78 : vector<1x16xf32> to vector<16xf32>
      %swap3A_80 = vector.shape_cast %broadcast_in_dim3A_75 : vector<16xf32> to vector<1x16xf32>
      tpu.vector_store %arg8[%swap3A_76, %swap3A_77], %swap3A_80 {strides = array<i32>} : memref<128x128xf32, #tpu.memory_space<vmem>>, vector<1x16xf32>,
      %broadcast_in_dim3A_81 = arith.constant 0.000000e+00 : f32
      %broadcast_in_dim3A_82 = vector.broadcast %broadcast_in_dim3A_81 : f32 to vector<16xf32>
      %swap3A_83 = arith.index_cast %add3A_68 : i32 to index
      %swap3A_84 = arith.constant 32 : index
      %swap3A_85 = tpu.vector_load %arg8[%swap3A_83, %swap3A_84] {strides = array<i32>} : memref<128x128xf32, #tpu.memory_space<vmem>>, vector<1x16xf32>,
      %swap3A_86 = vector.shape_cast %swap3A_85 : vector<1x16xf32> to vector<16xf32>
      %swap3A_87 = vector.shape_cast %broadcast_in_dim3A_82 : vector<16xf32> to vector<1x16xf32>
      tpu.vector_store %arg8[%swap3A_83, %swap3A_84], %swap3A_87 {strides = array<i32>} : memref<128x128xf32, #tpu.memory_space<vmem>>, vector<1x16xf32>,
      %broadcast_in_dim3A_88 = arith.constant 0.000000e+00 : f32
      %broadcast_in_dim3A_89 = vector.broadcast %broadcast_in_dim3A_88 : f32 to vector<16xf32>
      %swap3A_90 = arith.index_cast %add3A_68 : i32 to index
      %swap3A_91 = arith.constant 48 : index
      %swap3A_92 = tpu.vector_load %arg8[%swap3A_90, %swap3A_91] {strides = array<i32>} : memref<128x128xf32, #tpu.memory_space<vmem>>, vector<1x16xf32>,
      %swap3A_93 = vector.shape_cast %swap3A_92 : vector<1x16xf32> to vector<16xf32>
      %swap3A_94 = vector.shape_cast %broadcast_in_dim3A_89 : vector<16xf32> to vector<1x16xf32>
      tpu.vector_store %arg8[%swap3A_90, %swap3A_91], %swap3A_94 {strides = array<i32>} : memref<128x128xf32, #tpu.memory_space<vmem>>, vector<1x16xf32>,
      %broadcast_in_dim3A_95 = arith.constant 0.000000e+00 : f32
      %broadcast_in_dim3A_96 = vector.broadcast %broadcast_in_dim3A_95 : f32 to vector<16xf32>
      %swap3A_97 = arith.index_cast %add3A_68 : i32 to index
      %swap3A_98 = arith.constant 64 : index
      %swap3A_99 = tpu.vector_load %arg8[%swap3A_97, %swap3A_98] {strides = array<i32>} : memref<128x128xf32, #tpu.memory_space<vmem>>, vector<1x16xf32>,
      %swap3A_100 = vector.shape_cast %swap3A_99 : vector<1x16xf32> to vector<16xf32>
      %swap3A_101 = vector.shape_cast %broadcast_in_dim3A_96 : vector<16xf32> to vector<1x16xf32>
      tpu.vector_store %arg8[%swap3A_97, %swap3A_98], %swap3A_101 {strides = array<i32>} : memref<128x128xf32, #tpu.memory_space<vmem>>, vector<1x16xf32>,
      %broadcast_in_dim3A_102 = arith.constant 0.000000e+00 : f32
      %broadcast_in_dim3A_103 = vector.broadcast %broadcast_in_dim3A_102 : f32 to vector<16xf32>
      %swap3A_104 = arith.index_cast %add3A_68 : i32 to index
      %swap3A_105 = arith.constant 80 : index
      %swap3A_106 = tpu.vector_load %arg8[%swap3A_104, %swap3A_105] {strides = array<i32>} : memref<128x128xf32, #tpu.memory_space<vmem>>, vector<1x16xf32>,
      %swap3A_107 = vector.shape_cast %swap3A_106 : vector<1x16xf32> to vector<16xf32>
      %swap3A_108 = vector.shape_cast %broadcast_in_dim3A_103 : vector<16xf32> to vector<1x16xf32>
      tpu.vector_store %arg8[%swap3A_104, %swap3A_105], %swap3A_108 {strides = array<i32>} : memref<128x128xf32, #tpu.memory_space<vmem>>, vector<1x16xf32>,
      %broadcast_in_dim3A_109 = arith.constant 0.000000e+00 : f32
      %broadcast_in_dim3A_110 = vector.broadcast %broadcast_in_dim3A_109 : f32 to vector<16xf32>
      %swap3A_111 = arith.index_cast %add3A_68 : i32 to index
      %swap3A_112 = arith.constant 96 : index
      %swap3A_113 = tpu.vector_load %arg8[%swap3A_111, %swap3A_112] {strides = array<i32>} : memref<128x128xf32, #tpu.memory_space<vmem>>, vector<1x16xf32>,
      %swap3A_114 = vector.shape_cast %swap3A_113 : vector<1x16xf32> to vector<16xf32>
      %swap3A_115 = vector.shape_cast %broadcast_in_dim3A_110 : vector<16xf32> to vector<1x16xf32>
      tpu.vector_store %arg8[%swap3A_111, %swap3A_112], %swap3A_115 {strides = array<i32>} : memref<128x128xf32, #tpu.memory_space<vmem>>, vector<1x16xf32>,
      %broadcast_in_dim3A_116 = arith.constant 0.000000e+00 : f32
      %broadcast_in_dim3A_117 = vector.broadcast %broadcast_in_dim3A_116 : f32 to vector<16xf32>
      %swap3A_118 = arith.index_cast %add3A_68 : i32 to index
      %swap3A_119 = arith.constant 112 : index
      %swap3A_120 = tpu.vector_load %arg8[%swap3A_118, %swap3A_119] {strides = array<i32>} : memref<128x128xf32, #tpu.memory_space<vmem>>, vector<1x16xf32>,
      %swap3A_121 = vector.shape_cast %swap3A_120 : vector<1x16xf32> to vector<16xf32>
      %swap3A_122 = vector.shape_cast %broadcast_in_dim3A_117 : vector<16xf32> to vector<1x16xf32>
      tpu.vector_store %arg8[%swap3A_118, %swap3A_119], %swap3A_122 {strides = array<i32>} : memref<128x128xf32, #tpu.memory_space<vmem>>, vector<1x16xf32>,
    }
    %while3A_17 = arith.constant 1 : i32
    scf.for %while3A_66 = %while3A_15 to %while3A_11 step %while3A_17  : i32 {
      %mul3A_67 = arith.muli %while3A_66, %while3A : i32
      %add3A_68 = arith.addi %while3A_8, %mul3A_67 : i32
      %broadcast_in_dim3A = arith.constant 0.000000e+00 : f32
      %broadcast_in_dim3A_69 = vector.broadcast %broadcast_in_dim3A : f32 to vector<16xf32>
      %swap3A = arith.index_cast %add3A_68 : i32 to index
      %swap3A_70 = arith.constant 0 : index
      %swap3A_71 = tpu.vector_load %arg8[%swap3A, %swap3A_70] {strides = array<i32>} : memref<128x128xf32, #tpu.memory_space<vmem>>, vector<1x16xf32>,
      %swap3A_72 = vector.shape_cast %swap3A_71 : vector<1x16xf32> to vector<16xf32>
      %swap3A_73 = vector.shape_cast %broadcast_in_dim3A_69 : vector<16xf32> to vector<1x16xf32>
      tpu.vector_store %arg8[%swap3A, %swap3A_70], %swap3A_73 {strides = array<i32>} : memref<128x128xf32, #tpu.memory_space<vmem>>, vector<1x16xf32>,
      %broadcast_in_dim3A_74 = arith.constant 0.000000e+00 : f32
      %broadcast_in_dim3A_75 = vector.broadcast %broadcast_in_dim3A_74 : f32 to vector<16xf32>
      %swap3A_76 = arith.index_cast %add3A_68 : i32 to index
      %swap3A_77 = arith.constant 16 : index
      %swap3A_78 = tpu.vector_load %arg8[%swap3A_76, %swap3A_77] {strides = array<i32>} : memref<128x128xf32, #tpu.memory_space<vmem>>, vector<1x16xf32>,
      %swap3A_79 = vector.shape_cast %swap3A_78 : vector<1x16xf32> to vector<16xf32>
      %swap3A_80 = vector.shape_cast %broadcast_in_dim3A_75 : vector<16xf32> to vector<1x16xf32>
      tpu.vector_store %arg8[%swap3A_76, %swap3A_77], %swap3A_80 {strides = array<i32>} : memref<128x128xf32, #tpu.memory_space<vmem>>, vector<1x16xf32>,
      %broadcast_in_dim3A_81 = arith.constant 0.000000e+00 : f32
      %broadcast_in_dim3A_82 = vector.broadcast %broadcast_in_dim3A_81 : f32 to vector<16xf32>
      %swap3A_83 = arith.index_cast %add3A_68 : i32 to index
      %swap3A_84 = arith.constant 32 : index
      %swap3A_85 = tpu.vector_load %arg8[%swap3A_83, %swap3A_84] {strides = array<i32>} : memref<128x128xf32, #tpu.memory_space<vmem>>, vector<1x16xf32>,
      %swap3A_86 = vector.shape_cast %swap3A_85 : vector<1x16xf32> to vector<16xf32>
      %swap3A_87 = vector.shape_cast %broadcast_in_dim3A_82 : vector<16xf32> to vector<1x16xf32>
      tpu.vector_store %arg8[%swap3A_83, %swap3A_84], %swap3A_87 {strides = array<i32>} : memref<128x128xf32, #tpu.memory_space<vmem>>, vector<1x16xf32>,
      %broadcast_in_dim3A_88 = arith.constant 0.000000e+00 : f32
      %broadcast_in_dim3A_89 = vector.broadcast %broadcast_in_dim3A_88 : f32 to vector<16xf32>
      %swap3A_90 = arith.index_cast %add3A_68 : i32 to index
      %swap3A_91 = arith.constant 48 : index
      %swap3A_92 = tpu.vector_load %arg8[%swap3A_90, %swap3A_91] {strides = array<i32>} : memref<128x128xf32, #tpu.memory_space<vmem>>, vector<1x16xf32>,
      %swap3A_93 = vector.shape_cast %swap3A_92 : vector<1x16xf32> to vector<16xf32>
      %swap3A_94 = vector.shape_cast %broadcast_in_dim3A_89 : vector<16xf32> to vector<1x16xf32>
      tpu.vector_store %arg8[%swap3A_90, %swap3A_91], %swap3A_94 {strides = array<i32>} : memref<128x128xf32, #tpu.memory_space<vmem>>, vector<1x16xf32>,
      %broadcast_in_dim3A_95 = arith.constant 0.000000e+00 : f32
      %broadcast_in_dim3A_96 = vector.broadcast %broadcast_in_dim3A_95 : f32 to vector<16xf32>
      %swap3A_97 = arith.index_cast %add3A_68 : i32 to index
      %swap3A_98 = arith.constant 64 : index
      %swap3A_99 = tpu.vector_load %arg8[%swap3A_97, %swap3A_98] {strides = array<i32>} : memref<128x128xf32, #tpu.memory_space<vmem>>, vector<1x16xf32>,
      %swap3A_100 = vector.shape_cast %swap3A_99 : vector<1x16xf32> to vector<16xf32>
      %swap3A_101 = vector.shape_cast %broadcast_in_dim3A_96 : vector<16xf32> to vector<1x16xf32>
      tpu.vector_store %arg8[%swap3A_97, %swap3A_98], %swap3A_101 {strides = array<i32>} : memref<128x128xf32, #tpu.memory_space<vmem>>, vector<1x16xf32>,
      %broadcast_in_dim3A_102 = arith.constant 0.000000e+00 : f32
      %broadcast_in_dim3A_103 = vector.broadcast %broadcast_in_dim3A_102 : f32 to vector<16xf32>
      %swap3A_104 = arith.index_cast %add3A_68 : i32 to index
      %swap3A_105 = arith.constant 80 : index
      %swap3A_106 = tpu.vector_load %arg8[%swap3A_104, %swap3A_105] {strides = array<i32>} : memref<128x128xf32, #tpu.memory_space<vmem>>, vector<1x16xf32>,
      %swap3A_107 = vector.shape_cast %swap3A_106 : vector<1x16xf32> to vector<16xf32>
      %swap3A_108 = vector.shape_cast %broadcast_in_dim3A_103 : vector<16xf32> to vector<1x16xf32>
      tpu.vector_store %arg8[%swap3A_104, %swap3A_105], %swap3A_108 {strides = array<i32>} : memref<128x128xf32, #tpu.memory_space<vmem>>, vector<1x16xf32>,
      %broadcast_in_dim3A_109 = arith.constant 0.000000e+00 : f32
      %broadcast_in_dim3A_110 = vector.broadcast %broadcast_in_dim3A_109 : f32 to vector<16xf32>
      %swap3A_111 = arith.index_cast %add3A_68 : i32 to index
      %swap3A_112 = arith.constant 96 : index
      %swap3A_113 = tpu.vector_load %arg8[%swap3A_111, %swap3A_112] {strides = array<i32>} : memref<128x128xf32, #tpu.memory_space<vmem>>, vector<1x16xf32>,
      %swap3A_114 = vector.shape_cast %swap3A_113 : vector<1x16xf32> to vector<16xf32>
      %swap3A_115 = vector.shape_cast %broadcast_in_dim3A_110 : vector<16xf32> to vector<1x16xf32>
      tpu.vector_store %arg8[%swap3A_111, %swap3A_112], %swap3A_115 {strides = array<i32>} : memref<128x128xf32, #tpu.memory_space<vmem>>, vector<1x16xf32>,
      %broadcast_in_dim3A_116 = arith.constant 0.000000e+00 : f32
      %broadcast_in_dim3A_117 = vector.broadcast %broadcast_in_dim3A_116 : f32 to vector<16xf32>
      %swap3A_118 = arith.index_cast %add3A_68 : i32 to index
      %swap3A_119 = arith.constant 112 : index
      %swap3A_120 = tpu.vector_load %arg8[%swap3A_118, %swap3A_119] {strides = array<i32>} : memref<128x128xf32, #tpu.memory_space<vmem>>, vector<1x16xf32>,
      %swap3A_121 = vector.shape_cast %swap3A_120 : vector<1x16xf32> to vector<16xf32>
      %swap3A_122 = vector.shape_cast %broadcast_in_dim3A_117 : vector<16xf32> to vector<1x16xf32>
      tpu.vector_store %arg8[%swap3A_118, %swap3A_119], %swap3A_122 {strides = array<i32>} : memref<128x128xf32, #tpu.memory_space<vmem>>, vector<1x16xf32>,
    }
    %mul3A_18 = arith.constant 640 : i32
    %mul3A_19 = arith.muli %arg1, %mul3A_18 : i32
    %add3A_20 = arith.constant 0 : i32
    %add3A_21 = arith.addi %mul3A_19, %add3A_20 : i32
    "tpu.region"() ({
      %run_scoped3A = tpu.sem_alloc : memref<!tpu.dma_semaphore, #tpu.memory_space<semaphore_mem>>
      %dma_start3A = arith.constant 0 : i32
      %dma_start3A_66 = tpu.memref_slice %arg9[%add3A_21, %dma_start3A] : memref<10240x128xf32, #tpu.memory_space<vmem_shared>> -> memref<128x128xf32, #tpu.memory_space<vmem_shared>>
      %dma_start3A_67 = arith.constant 0 : i32
      %dma_start3A_68 = tpu.memref_slice %arg9[%add3A_21, %dma_start3A_67] : memref<10240x128xf32, #tpu.memory_space<vmem_shared>> -> memref<128x128xf32, #tpu.memory_space<vmem_shared>>
      tpu.enqueue_dma source(%arg8 : memref<128x128xf32, #tpu.memory_space<vmem>>) target(%dma_start3A_68 : memref<128x128xf32, #tpu.memory_space<vmem_shared>>) target_semaphore(%run_scoped3A : memref<!tpu.dma_semaphore, #tpu.memory_space<semaphore_mem>>)
      %dma_wait3A = arith.constant 0 : i32
      %dma_wait3A_69 = tpu.memref_slice %arg9[%add3A_21, %dma_wait3A] : memref<10240x128xf32, #tpu.memory_space<vmem_shared>> -> memref<128x128xf32, #tpu.memory_space<vmem_shared>>
      %dma_wait3A_70 = arith.constant 0 : i32
      %dma_wait3A_71 = tpu.memref_slice %arg9[%add3A_21, %dma_wait3A_70] : memref<10240x128xf32, #tpu.memory_space<vmem_shared>> -> memref<128x128xf32, #tpu.memory_space<vmem_shared>>
      tpu.wait_dma2 semaphore(%run_scoped3A : memref<!tpu.dma_semaphore, #tpu.memory_space<semaphore_mem>>) src(%arg8 : memref<128x128xf32, #tpu.memory_space<vmem>>) dst(%dma_wait3A_71 : memref<128x128xf32, #tpu.memory_space<vmem_shared>>)
      tpu.yield
    }) : () -> ()
    %mul3A_22 = arith.constant 640 : i32
    %mul3A_23 = arith.muli %arg1, %mul3A_22 : i32
    %add3A_24 = arith.constant 128 : i32
    %add3A_25 = arith.addi %mul3A_23, %add3A_24 : i32
    "tpu.region"() ({
      %run_scoped3A = tpu.sem_alloc : memref<!tpu.dma_semaphore, #tpu.memory_space<semaphore_mem>>
      %dma_start3A = arith.constant 0 : i32
      %dma_start3A_66 = tpu.memref_slice %arg9[%add3A_25, %dma_start3A] : memref<10240x128xf32, #tpu.memory_space<vmem_shared>> -> memref<128x128xf32, #tpu.memory_space<vmem_shared>>
      %dma_start3A_67 = arith.constant 0 : i32
      %dma_start3A_68 = tpu.memref_slice %arg9[%add3A_25, %dma_start3A_67] : memref<10240x128xf32, #tpu.memory_space<vmem_shared>> -> memref<128x128xf32, #tpu.memory_space<vmem_shared>>
      tpu.enqueue_dma source(%arg8 : memref<128x128xf32, #tpu.memory_space<vmem>>) target(%dma_start3A_68 : memref<128x128xf32, #tpu.memory_space<vmem_shared>>) target_semaphore(%run_scoped3A : memref<!tpu.dma_semaphore, #tpu.memory_space<semaphore_mem>>)
      %dma_wait3A = arith.constant 0 : i32
      %dma_wait3A_69 = tpu.memref_slice %arg9[%add3A_25, %dma_wait3A] : memref<10240x128xf32, #tpu.memory_space<vmem_shared>> -> memref<128x128xf32, #tpu.memory_space<vmem_shared>>
      %dma_wait3A_70 = arith.constant 0 : i32
      %dma_wait3A_71 = tpu.memref_slice %arg9[%add3A_25, %dma_wait3A_70] : memref<10240x128xf32, #tpu.memory_space<vmem_shared>> -> memref<128x128xf32, #tpu.memory_space<vmem_shared>>
      tpu.wait_dma2 semaphore(%run_scoped3A : memref<!tpu.dma_semaphore, #tpu.memory_space<semaphore_mem>>) src(%arg8 : memref<128x128xf32, #tpu.memory_space<vmem>>) dst(%dma_wait3A_71 : memref<128x128xf32, #tpu.memory_space<vmem_shared>>)
      tpu.yield
    }) : () -> ()
    %mul3A_26 = arith.constant 640 : i32
    %mul3A_27 = arith.muli %arg1, %mul3A_26 : i32
    %add3A_28 = arith.constant 256 : i32
    %add3A_29 = arith.addi %mul3A_27, %add3A_28 : i32
    "tpu.region"() ({
      %run_scoped3A = tpu.sem_alloc : memref<!tpu.dma_semaphore, #tpu.memory_space<semaphore_mem>>
      %dma_start3A = arith.constant 0 : i32
      %dma_start3A_66 = tpu.memref_slice %arg9[%add3A_29, %dma_start3A] : memref<10240x128xf32, #tpu.memory_space<vmem_shared>> -> memref<128x128xf32, #tpu.memory_space<vmem_shared>>
      %dma_start3A_67 = arith.constant 0 : i32
      %dma_start3A_68 = tpu.memref_slice %arg9[%add3A_29, %dma_start3A_67] : memref<10240x128xf32, #tpu.memory_space<vmem_shared>> -> memref<128x128xf32, #tpu.memory_space<vmem_shared>>
      tpu.enqueue_dma source(%arg8 : memref<128x128xf32, #tpu.memory_space<vmem>>) target(%dma_start3A_68 : memref<128x128xf32, #tpu.memory_space<vmem_shared>>) target_semaphore(%run_scoped3A : memref<!tpu.dma_semaphore, #tpu.memory_space<semaphore_mem>>)
      %dma_wait3A = arith.constant 0 : i32
      %dma_wait3A_69 = tpu.memref_slice %arg9[%add3A_29, %dma_wait3A] : memref<10240x128xf32, #tpu.memory_space<vmem_shared>> -> memref<128x128xf32, #tpu.memory_space<vmem_shared>>
      %dma_wait3A_70 = arith.constant 0 : i32
      %dma_wait3A_71 = tpu.memref_slice %arg9[%add3A_29, %dma_wait3A_70] : memref<10240x128xf32, #tpu.memory_space<vmem_shared>> -> memref<128x128xf32, #tpu.memory_space<vmem_shared>>
      tpu.wait_dma2 semaphore(%run_scoped3A : memref<!tpu.dma_semaphore, #tpu.memory_space<semaphore_mem>>) src(%arg8 : memref<128x128xf32, #tpu.memory_space<vmem>>) dst(%dma_wait3A_71 : memref<128x128xf32, #tpu.memory_space<vmem_shared>>)
      tpu.yield
    }) : () -> ()
    %mul3A_30 = arith.constant 640 : i32
    %mul3A_31 = arith.muli %arg1, %mul3A_30 : i32
    %add3A_32 = arith.constant 384 : i32
    %add3A_33 = arith.addi %mul3A_31, %add3A_32 : i32
    "tpu.region"() ({
      %run_scoped3A = tpu.sem_alloc : memref<!tpu.dma_semaphore, #tpu.memory_space<semaphore_mem>>
      %dma_start3A = arith.constant 0 : i32
      %dma_start3A_66 = tpu.memref_slice %arg9[%add3A_33, %dma_start3A] : memref<10240x128xf32, #tpu.memory_space<vmem_shared>> -> memref<128x128xf32, #tpu.memory_space<vmem_shared>>
      %dma_start3A_67 = arith.constant 0 : i32
      %dma_start3A_68 = tpu.memref_slice %arg9[%add3A_33, %dma_start3A_67] : memref<10240x128xf32, #tpu.memory_space<vmem_shared>> -> memref<128x128xf32, #tpu.memory_space<vmem_shared>>
      tpu.enqueue_dma source(%arg8 : memref<128x128xf32, #tpu.memory_space<vmem>>) target(%dma_start3A_68 : memref<128x128xf32, #tpu.memory_space<vmem_shared>>) target_semaphore(%run_scoped3A : memref<!tpu.dma_semaphore, #tpu.memory_space<semaphore_mem>>)
      %dma_wait3A = arith.constant 0 : i32
      %dma_wait3A_69 = tpu.memref_slice %arg9[%add3A_33, %dma_wait3A] : memref<10240x128xf32, #tpu.memory_space<vmem_shared>> -> memref<128x128xf32, #tpu.memory_space<vmem_shared>>
      %dma_wait3A_70 = arith.constant 0 : i32
      %dma_wait3A_71 = tpu.memref_slice %arg9[%add3A_33, %dma_wait3A_70] : memref<10240x128xf32, #tpu.memory_space<vmem_shared>> -> memref<128x128xf32, #tpu.memory_space<vmem_shared>>
      tpu.wait_dma2 semaphore(%run_scoped3A : memref<!tpu.dma_semaphore, #tpu.memory_space<semaphore_mem>>) src(%arg8 : memref<128x128xf32, #tpu.memory_space<vmem>>) dst(%dma_wait3A_71 : memref<128x128xf32, #tpu.memory_space<vmem_shared>>)
      tpu.yield
    }) : () -> ()
    %mul3A_34 = arith.constant 640 : i32
    %mul3A_35 = arith.muli %arg1, %mul3A_34 : i32
    %add3A_36 = arith.constant 512 : i32
    %add3A_37 = arith.addi %mul3A_35, %add3A_36 : i32
    "tpu.region"() ({
      %run_scoped3A = tpu.sem_alloc : memref<!tpu.dma_semaphore, #tpu.memory_space<semaphore_mem>>
      %dma_start3A = arith.constant 0 : i32
      %dma_start3A_66 = tpu.memref_slice %arg9[%add3A_37, %dma_start3A] : memref<10240x128xf32, #tpu.memory_space<vmem_shared>> -> memref<128x128xf32, #tpu.memory_space<vmem_shared>>
      %dma_start3A_67 = arith.constant 0 : i32
      %dma_start3A_68 = tpu.memref_slice %arg9[%add3A_37, %dma_start3A_67] : memref<10240x128xf32, #tpu.memory_space<vmem_shared>> -> memref<128x128xf32, #tpu.memory_space<vmem_shared>>
      tpu.enqueue_dma source(%arg8 : memref<128x128xf32, #tpu.memory_space<vmem>>) target(%dma_start3A_68 : memref<128x128xf32, #tpu.memory_space<vmem_shared>>) target_semaphore(%run_scoped3A : memref<!tpu.dma_semaphore, #tpu.memory_space<semaphore_mem>>)
      %dma_wait3A = arith.constant 0 : i32
      %dma_wait3A_69 = tpu.memref_slice %arg9[%add3A_37, %dma_wait3A] : memref<10240x128xf32, #tpu.memory_space<vmem_shared>> -> memref<128x128xf32, #tpu.memory_space<vmem_shared>>
      %dma_wait3A_70 = arith.constant 0 : i32
      %dma_wait3A_71 = tpu.memref_slice %arg9[%add3A_37, %dma_wait3A_70] : memref<10240x128xf32, #tpu.memory_space<vmem_shared>> -> memref<128x128xf32, #tpu.memory_space<vmem_shared>>
      tpu.wait_dma2 semaphore(%run_scoped3A : memref<!tpu.dma_semaphore, #tpu.memory_space<semaphore_mem>>) src(%arg8 : memref<128x128xf32, #tpu.memory_space<vmem>>) dst(%dma_wait3A_71 : memref<128x128xf32, #tpu.memory_space<vmem_shared>>)
      tpu.yield
    }) : () -> ()
    %barrier3A = arith.constant 0 : index
    tpu.barrier barrier_id(%barrier3A)
    "tpu.region"() ({
      %run_scoped3A = tpu.sem_alloc : memref<!tpu.dma_semaphore, #tpu.memory_space<semaphore_mem>>
      %dma_start3A = arith.constant 0 : i32
      %dma_start3A_66 = arith.constant 0 : i32
      %dma_start3A_67 = tpu.memref_slice %arg3[%add3A, %dma_start3A, %dma_start3A_66] : memref<32x79x128xi32, #tpu.memory_space<hbm>> -> memref<1x79x128xi32, #tpu.memory_space<hbm>>
      %dma_start3A_68 = tpu.memref_squeeze %dma_start3A_67 : memref<1x79x128xi32, #tpu.memory_space<hbm>> -> memref<79x128xi32, #tpu.memory_space<hbm>>
      %dma_start3A_69 = arith.constant 0 : i32
      %dma_start3A_70 = arith.constant 0 : i32
      %dma_start3A_71 = tpu.memref_slice %arg3[%add3A, %dma_start3A_69, %dma_start3A_70] : memref<32x79x128xi32, #tpu.memory_space<hbm>> -> memref<1x79x128xi32, #tpu.memory_space<hbm>>
      %dma_start3A_72 = tpu.memref_squeeze %dma_start3A_71 : memref<1x79x128xi32, #tpu.memory_space<hbm>> -> memref<79x128xi32, #tpu.memory_space<hbm>>
      tpu.enqueue_dma source(%dma_start3A_72 : memref<79x128xi32, #tpu.memory_space<hbm>>) target(%arg6 : memref<79x128xi32, #tpu.memory_space<vmem>>) target_semaphore(%run_scoped3A : memref<!tpu.dma_semaphore, #tpu.memory_space<semaphore_mem>>)
      %dma_wait3A = arith.constant 0 : i32
      %dma_wait3A_73 = arith.constant 0 : i32
      %dma_wait3A_74 = tpu.memref_slice %arg3[%add3A, %dma_wait3A, %dma_wait3A_73] : memref<32x79x128xi32, #tpu.memory_space<hbm>> -> memref<1x79x128xi32, #tpu.memory_space<hbm>>
      %dma_wait3A_75 = tpu.memref_squeeze %dma_wait3A_74 : memref<1x79x128xi32, #tpu.memory_space<hbm>> -> memref<79x128xi32, #tpu.memory_space<hbm>>
      %dma_wait3A_76 = arith.constant 0 : i32
      %dma_wait3A_77 = arith.constant 0 : i32
      %dma_wait3A_78 = tpu.memref_slice %arg3[%add3A, %dma_wait3A_76, %dma_wait3A_77] : memref<32x79x128xi32, #tpu.memory_space<hbm>> -> memref<1x79x128xi32, #tpu.memory_space<hbm>>
      %dma_wait3A_79 = tpu.memref_squeeze %dma_wait3A_78 : memref<1x79x128xi32, #tpu.memory_space<hbm>> -> memref<79x128xi32, #tpu.memory_space<hbm>>
      tpu.wait_dma2 semaphore(%run_scoped3A : memref<!tpu.dma_semaphore, #tpu.memory_space<semaphore_mem>>) src(%dma_wait3A_79 : memref<79x128xi32, #tpu.memory_space<hbm>>) dst(%arg6 : memref<79x128xi32, #tpu.memory_space<vmem>>)
      tpu.yield
    }) : () -> ()
    "tpu.region"() ({
      %run_scoped3A = tpu.sem_alloc : memref<!tpu.dma_semaphore, #tpu.memory_space<semaphore_mem>>
      %dma_start3A = arith.constant 0 : i32
      %dma_start3A_66 = arith.constant 0 : i32
      %dma_start3A_67 = tpu.memref_slice %arg4[%add3A, %dma_start3A, %dma_start3A_66] : memref<32x79x128xi32, #tpu.memory_space<hbm>> -> memref<1x79x128xi32, #tpu.memory_space<hbm>>
      %dma_start3A_68 = tpu.memref_squeeze %dma_start3A_67 : memref<1x79x128xi32, #tpu.memory_space<hbm>> -> memref<79x128xi32, #tpu.memory_space<hbm>>
      %dma_start3A_69 = arith.constant 0 : i32
      %dma_start3A_70 = arith.constant 0 : i32
      %dma_start3A_71 = tpu.memref_slice %arg4[%add3A, %dma_start3A_69, %dma_start3A_70] : memref<32x79x128xi32, #tpu.memory_space<hbm>> -> memref<1x79x128xi32, #tpu.memory_space<hbm>>
      %dma_start3A_72 = tpu.memref_squeeze %dma_start3A_71 : memref<1x79x128xi32, #tpu.memory_space<hbm>> -> memref<79x128xi32, #tpu.memory_space<hbm>>
      tpu.enqueue_dma source(%dma_start3A_72 : memref<79x128xi32, #tpu.memory_space<hbm>>) target(%arg7 : memref<79x128xi32, #tpu.memory_space<vmem>>) target_semaphore(%run_scoped3A : memref<!tpu.dma_semaphore, #tpu.memory_space<semaphore_mem>>)
      %dma_wait3A = arith.constant 0 : i32
      %dma_wait3A_73 = arith.constant 0 : i32
      %dma_wait3A_74 = tpu.memref_slice %arg4[%add3A, %dma_wait3A, %dma_wait3A_73] : memref<32x79x128xi32, #tpu.memory_space<hbm>> -> memref<1x79x128xi32, #tpu.memory_space<hbm>>
      %dma_wait3A_75 = tpu.memref_squeeze %dma_wait3A_74 : memref<1x79x128xi32, #tpu.memory_space<hbm>> -> memref<79x128xi32, #tpu.memory_space<hbm>>
      %dma_wait3A_76 = arith.constant 0 : i32
      %dma_wait3A_77 = arith.constant 0 : i32
      %dma_wait3A_78 = tpu.memref_slice %arg4[%add3A, %dma_wait3A_76, %dma_wait3A_77] : memref<32x79x128xi32, #tpu.memory_space<hbm>> -> memref<1x79x128xi32, #tpu.memory_space<hbm>>
      %dma_wait3A_79 = tpu.memref_squeeze %dma_wait3A_78 : memref<1x79x128xi32, #tpu.memory_space<hbm>> -> memref<79x128xi32, #tpu.memory_space<hbm>>
      tpu.wait_dma2 semaphore(%run_scoped3A : memref<!tpu.dma_semaphore, #tpu.memory_space<semaphore_mem>>) src(%dma_wait3A_79 : memref<79x128xi32, #tpu.memory_space<hbm>>) dst(%arg7 : memref<79x128xi32, #tpu.memory_space<vmem>>)
      tpu.yield
    }) : () -> ()
    %sub3A_38 = arith.constant 79 : i32
    %sub3A_39 = arith.constant 0 : i32
    %sub3A_40 = arith.subi %sub3A_38, %sub3A_39 : i32
    %sub3A_41 = arith.constant 1 : i32
    %sub3A_42 = arith.constant 1 : i32
    %sub3A_43 = arith.subi %sub3A_41, %sub3A_42 : i32
    %add3A_44 = arith.addi %sub3A_40, %sub3A_43 : i32
    %div3A_45 = arith.constant 1 : i32
    %div3A_46 = arith.divsi %add3A_44, %div3A_45 : i32
    %while3A_47 = arith.constant 1 : i32
    %while3A_48 = arith.constant 0 : i32
    %while3A_49 = arith.constant 0 : i32
    %while3A_50 = arith.subi %div3A_46, %while3A_49 : i32
    %while3A_51 = arith.addi %while3A_49, %while3A_50 : i32
    %while3A_52 = arith.constant 1 : i32
    %while3A_53 = arith.divsi %while3A_50, %while3A_52 : i32
    %while3A_54 = arith.muli %while3A_53, %while3A_52 : i32
    %while3A_55 = arith.addi %while3A_49, %while3A_54 : i32
    %while3A_56 = arith.constant 1 : i32
    scf.for %while3A_66 = %while3A_49 to %while3A_55 step %while3A_56  : i32 {
      %mul3A_67 = arith.muli %while3A_66, %while3A_47 : i32
      %add3A_68 = arith.addi %while3A_48, %mul3A_67 : i32
      %dma_start3A = arith.constant 0 : i32
      %dma_start3A_69 = tpu.memref_slice %arg6[%add3A_68, %dma_start3A] : memref<79x128xi32, #tpu.memory_space<vmem>> -> memref<1x128xi32, #tpu.memory_space<vmem>>
      %dma_start3A_70 = tpu.memref_squeeze %dma_start3A_69 : memref<1x128xi32, #tpu.memory_space<vmem>> -> memref<128xi32, #tpu.memory_space<vmem>>
      %dma_start3A_71 = arith.constant 0 : i32
      %dma_start3A_72 = arith.constant 0 : i32
      %dma_start3A_73 = tpu.memref_slice %arg2[%dma_start3A_71, %dma_start3A_72] : memref<10240x128xf32, #tpu.memory_space<hbm>> -> memref<10240x128xf32, #tpu.memory_space<hbm>>
      tpu.enqueue_indirect_dma source(%dma_start3A_73 : memref<10240x128xf32, #tpu.memory_space<hbm>>) target(%arg8 : memref<128x128xf32, #tpu.memory_space<vmem>>) offsets(%dma_start3A_70 : memref<128xi32, #tpu.memory_space<vmem>>) semaphore(%arg10 : memref<!tpu.dma_semaphore, #tpu.memory_space<semaphore_mem>>)
      %dma_wait3A = arith.constant 0 : i32
      %dma_wait3A_74 = tpu.memref_slice %arg6[%add3A_68, %dma_wait3A] : memref<79x128xi32, #tpu.memory_space<vmem>> -> memref<1x128xi32, #tpu.memory_space<vmem>>
      %dma_wait3A_75 = tpu.memref_squeeze %dma_wait3A_74 : memref<1x128xi32, #tpu.memory_space<vmem>> -> memref<128xi32, #tpu.memory_space<vmem>>
      %dma_wait3A_76 = arith.constant 0 : i32
      %dma_wait3A_77 = arith.constant 0 : i32
      %dma_wait3A_78 = tpu.memref_slice %arg2[%dma_wait3A_76, %dma_wait3A_77] : memref<10240x128xf32, #tpu.memory_space<hbm>> -> memref<10240x128xf32, #tpu.memory_space<hbm>>
      tpu.wait_indirect_dma semaphore(%arg10 : memref<!tpu.dma_semaphore, #tpu.memory_space<semaphore_mem>>) src(%dma_wait3A_78 : memref<10240x128xf32, #tpu.memory_space<hbm>>) dst(%arg8 : memref<128x128xf32, #tpu.memory_space<vmem>>)
      "tpu.region"() ({
        %run_scoped3A = tpu.sem_alloc : memref<!tpu.dma_semaphore, #tpu.memory_space<semaphore_mem>>
        %dma_start3A_79 = arith.constant 0 : i32
        %dma_start3A_80 = tpu.memref_slice %arg7[%add3A_68, %dma_start3A_79] : memref<79x128xi32, #tpu.memory_space<vmem>> -> memref<1x128xi32, #tpu.memory_space<vmem>>
        %dma_start3A_81 = tpu.memref_squeeze %dma_start3A_80 : memref<1x128xi32, #tpu.memory_space<vmem>> -> memref<128xi32, #tpu.memory_space<vmem>>
        %dma_start3A_82 = arith.constant 0 : i32
        %dma_start3A_83 = arith.constant 0 : i32
        %dma_start3A_84 = tpu.memref_slice %arg9[%dma_start3A_82, %dma_start3A_83] : memref<10240x128xf32, #tpu.memory_space<vmem_shared>> -> memref<10240x128xf32, #tpu.memory_space<vmem_shared>>
        tpu.enqueue_indirect_dma source(%arg8 : memref<128x128xf32, #tpu.memory_space<vmem>>) target(%dma_start3A_84 : memref<10240x128xf32, #tpu.memory_space<vmem_shared>>) offsets(%dma_start3A_81 : memref<128xi32, #tpu.memory_space<vmem>>) semaphore(%run_scoped3A : memref<!tpu.dma_semaphore, #tpu.memory_space<semaphore_mem>>) {add = true}
        %dma_wait3A_85 = arith.constant 0 : i32
        %dma_wait3A_86 = tpu.memref_slice %arg7[%add3A_68, %dma_wait3A_85] : memref<79x128xi32, #tpu.memory_space<vmem>> -> memref<1x128xi32, #tpu.memory_space<vmem>>
        %dma_wait3A_87 = tpu.memref_squeeze %dma_wait3A_86 : memref<1x128xi32, #tpu.memory_space<vmem>> -> memref<128xi32, #tpu.memory_space<vmem>>
        %dma_wait3A_88 = arith.constant 0 : i32
        %dma_wait3A_89 = arith.constant 0 : i32
        %dma_wait3A_90 = tpu.memref_slice %arg9[%dma_wait3A_88, %dma_wait3A_89] : memref<10240x128xf32, #tpu.memory_space<vmem_shared>> -> memref<10240x128xf32, #tpu.memory_space<vmem_shared>>
        tpu.wait_indirect_dma semaphore(%run_scoped3A : memref<!tpu.dma_semaphore, #tpu.memory_space<semaphore_mem>>) src(%arg8 : memref<128x128xf32, #tpu.memory_space<vmem>>) dst(%dma_wait3A_90 : memref<10240x128xf32, #tpu.memory_space<vmem_shared>>)
        tpu.yield
      }) : () -> ()
    }
    %while3A_57 = arith.constant 1 : i32
    scf.for %while3A_66 = %while3A_55 to %while3A_51 step %while3A_57  : i32 {
      %mul3A_67 = arith.muli %while3A_66, %while3A_47 : i32
      %add3A_68 = arith.addi %while3A_48, %mul3A_67 : i32
      %dma_start3A = arith.constant 0 : i32
      %dma_start3A_69 = tpu.memref_slice %arg6[%add3A_68, %dma_start3A] : memref<79x128xi32, #tpu.memory_space<vmem>> -> memref<1x128xi32, #tpu.memory_space<vmem>>
      %dma_start3A_70 = tpu.memref_squeeze %dma_start3A_69 : memref<1x128xi32, #tpu.memory_space<vmem>> -> memref<128xi32, #tpu.memory_space<vmem>>
      %dma_start3A_71 = arith.constant 0 : i32
      %dma_start3A_72 = arith.constant 0 : i32
      %dma_start3A_73 = tpu.memref_slice %arg2[%dma_start3A_71, %dma_start3A_72] : memref<10240x128xf32, #tpu.memory_space<hbm>> -> memref<10240x128xf32, #tpu.memory_space<hbm>>
      tpu.enqueue_indirect_dma source(%dma_start3A_73 : memref<10240x128xf32, #tpu.memory_space<hbm>>) target(%arg8 : memref<128x128xf32, #tpu.memory_space<vmem>>) offsets(%dma_start3A_70 : memref<128xi32, #tpu.memory_space<vmem>>) semaphore(%arg10 : memref<!tpu.dma_semaphore, #tpu.memory_space<semaphore_mem>>)
      %dma_wait3A = arith.constant 0 : i32
      %dma_wait3A_74 = tpu.memref_slice %arg6[%add3A_68, %dma_wait3A] : memref<79x128xi32, #tpu.memory_space<vmem>> -> memref<1x128xi32, #tpu.memory_space<vmem>>
      %dma_wait3A_75 = tpu.memref_squeeze %dma_wait3A_74 : memref<1x128xi32, #tpu.memory_space<vmem>> -> memref<128xi32, #tpu.memory_space<vmem>>
      %dma_wait3A_76 = arith.constant 0 : i32
      %dma_wait3A_77 = arith.constant 0 : i32
      %dma_wait3A_78 = tpu.memref_slice %arg2[%dma_wait3A_76, %dma_wait3A_77] : memref<10240x128xf32, #tpu.memory_space<hbm>> -> memref<10240x128xf32, #tpu.memory_space<hbm>>
      tpu.wait_indirect_dma semaphore(%arg10 : memref<!tpu.dma_semaphore, #tpu.memory_space<semaphore_mem>>) src(%dma_wait3A_78 : memref<10240x128xf32, #tpu.memory_space<hbm>>) dst(%arg8 : memref<128x128xf32, #tpu.memory_space<vmem>>)
      "tpu.region"() ({
        %run_scoped3A = tpu.sem_alloc : memref<!tpu.dma_semaphore, #tpu.memory_space<semaphore_mem>>
        %dma_start3A_79 = arith.constant 0 : i32
        %dma_start3A_80 = tpu.memref_slice %arg7[%add3A_68, %dma_start3A_79] : memref<79x128xi32, #tpu.memory_space<vmem>> -> memref<1x128xi32, #tpu.memory_space<vmem>>
        %dma_start3A_81 = tpu.memref_squeeze %dma_start3A_80 : memref<1x128xi32, #tpu.memory_space<vmem>> -> memref<128xi32, #tpu.memory_space<vmem>>
        %dma_start3A_82 = arith.constant 0 : i32
        %dma_start3A_83 = arith.constant 0 : i32
        %dma_start3A_84 = tpu.memref_slice %arg9[%dma_start3A_82, %dma_start3A_83] : memref<10240x128xf32, #tpu.memory_space<vmem_shared>> -> memref<10240x128xf32, #tpu.memory_space<vmem_shared>>
        tpu.enqueue_indirect_dma source(%arg8 : memref<128x128xf32, #tpu.memory_space<vmem>>) target(%dma_start3A_84 : memref<10240x128xf32, #tpu.memory_space<vmem_shared>>) offsets(%dma_start3A_81 : memref<128xi32, #tpu.memory_space<vmem>>) semaphore(%run_scoped3A : memref<!tpu.dma_semaphore, #tpu.memory_space<semaphore_mem>>) {add = true}
        %dma_wait3A_85 = arith.constant 0 : i32
        %dma_wait3A_86 = tpu.memref_slice %arg7[%add3A_68, %dma_wait3A_85] : memref<79x128xi32, #tpu.memory_space<vmem>> -> memref<1x128xi32, #tpu.memory_space<vmem>>
        %dma_wait3A_87 = tpu.memref_squeeze %dma_wait3A_86 : memref<1x128xi32, #tpu.memory_space<vmem>> -> memref<128xi32, #tpu.memory_space<vmem>>
        %dma_wait3A_88 = arith.constant 0 : i32
        %dma_wait3A_89 = arith.constant 0 : i32
        %dma_wait3A_90 = tpu.memref_slice %arg9[%dma_wait3A_88, %dma_wait3A_89] : memref<10240x128xf32, #tpu.memory_space<vmem_shared>> -> memref<10240x128xf32, #tpu.memory_space<vmem_shared>>
        tpu.wait_indirect_dma semaphore(%run_scoped3A : memref<!tpu.dma_semaphore, #tpu.memory_space<semaphore_mem>>) src(%arg8 : memref<128x128xf32, #tpu.memory_space<vmem>>) dst(%dma_wait3A_90 : memref<10240x128xf32, #tpu.memory_space<vmem_shared>>)
        tpu.yield
      }) : () -> ()
    }
    %barrier3A_58 = arith.constant 0 : index
    tpu.barrier barrier_id(%barrier3A_58)
    %mul3A_59 = arith.constant 640 : i32
    %mul3A_60 = arith.muli %arg1, %mul3A_59 : i32
    %mul3A_61 = arith.constant 10240 : i32
    %mul3A_62 = arith.muli %arg0, %mul3A_61 : i32
    %mul3A_63 = arith.constant 640 : i32
    %mul3A_64 = arith.muli %arg1, %mul3A_63 : i32
    %add3A_65 = arith.addi %mul3A_62, %mul3A_64 : i32
    "tpu.region"() ({
      %run_scoped3A = tpu.sem_alloc : memref<!tpu.dma_semaphore, #tpu.memory_space<semaphore_mem>>
      %dma_start3A = arith.constant 0 : i32
      %dma_start3A_66 = tpu.memref_slice %arg5[%add3A_65, %dma_start3A] : memref<20480x128xf32, #tpu.memory_space<hbm>> -> memref<640x128xf32, #tpu.memory_space<hbm>>
      %dma_start3A_67 = arith.constant 0 : i32
      %dma_start3A_68 = tpu.memref_slice %arg9[%mul3A_60, %dma_start3A_67] : memref<10240x128xf32, #tpu.memory_space<vmem_shared>> -> memref<640x128xf32, #tpu.memory_space<vmem_shared>>
      tpu.enqueue_dma source(%dma_start3A_68 : memref<640x128xf32, #tpu.memory_space<vmem_shared>>) target(%dma_start3A_66 : memref<640x128xf32, #tpu.memory_space<hbm>>) target_semaphore(%run_scoped3A : memref<!tpu.dma_semaphore, #tpu.memory_space<semaphore_mem>>)
      %dma_wait3A = arith.constant 0 : i32
      %dma_wait3A_69 = tpu.memref_slice %arg5[%add3A_65, %dma_wait3A] : memref<20480x128xf32, #tpu.memory_space<hbm>> -> memref<640x128xf32, #tpu.memory_space<hbm>>
      %dma_wait3A_70 = arith.constant 0 : i32
      %dma_wait3A_71 = tpu.memref_slice %arg9[%mul3A_60, %dma_wait3A_70] : memref<10240x128xf32, #tpu.memory_space<vmem_shared>> -> memref<640x128xf32, #tpu.memory_space<vmem_shared>>
      tpu.wait_dma2 semaphore(%run_scoped3A : memref<!tpu.dma_semaphore, #tpu.memory_space<semaphore_mem>>) src(%dma_wait3A_71 : memref<640x128xf32, #tpu.memory_space<vmem_shared>>) dst(%dma_wait3A_69 : memref<640x128xf32, #tpu.memory_space<hbm>>)
      tpu.yield
    }) : () -> ()
    return
  }
}

module attributes {stable_mosaic.version = 14 : i64} {
  func.func @_tc_first_body(%arg0: i32, %arg1: memref<512x128xf32, #tpu.memory_space<vmem>>, %arg2: memref<128x128xf32, #tpu.memory_space<vmem>>, %arg3: memref<512x16xf32, #tpu.memory_space<vmem>>, %arg4: memref<512x16xf32, #tpu.memory_space<vmem>>, %arg5: memref<512x128xf32, #tpu.memory_space<vmem>>, %arg6: memref<512x128xf32, #tpu.memory_space<vmem>>) attributes {dimension_semantics = [#tpu.dimension_semantics<arbitrary>], iteration_bounds = array<i64: 20>, scalar_prefetch = 0 : i64, scratch_operands = 0 : i64, tpu.core_type = #tpu.core_type<tc>, window_params = [{transform_indices = @transform_0, window_bounds = array<i64: 512, 128>}, {pipeline_mode = #tpu.pipeline_mode<synchronous>, transform_indices = @transform_1, window_bounds = array<i64: 128, 128>}, {transform_indices = @transform_2, window_bounds = array<i64: 512, 16>}, {transform_indices = @transform_3, window_bounds = array<i64: 512, 16>}, {transform_indices = @transform_4, window_bounds = array<i64: 512, 128>}, {transform_indices = @transform_5, window_bounds = array<i64: 512, 128>}]} {
    %get3A = arith.constant 0 : index
    %get3A_0 = arith.constant 0 : index
    %get3A_1 = vector.load %arg3[%get3A, %get3A_0] : memref<512x16xf32, #tpu.memory_space<vmem>>, vector<512x1xf32>
    %add3A = arith.constant 1.000000e+00 : f32
    %add3A_2 = vector.broadcast %add3A : f32 to vector<512x1xf32>
    %add3A_3 = arith.addf %add3A_2, %get3A_1 : vector<512x1xf32>
    %get3A_4 = arith.constant 0 : index
    %get3A_5 = arith.constant 0 : index
    %get3A_6 = vector.load %arg4[%get3A_4, %get3A_5] : memref<512x16xf32, #tpu.memory_space<vmem>>, vector<512x1xf32>
    %add3A_7 = arith.addf %add3A_3, %get3A_6 : vector<512x1xf32>
    %rsqrt3A = math.rsqrt %add3A_7 : vector<512x1xf32>
    %get3A_8 = arith.constant 0 : index
    %get3A_9 = arith.constant 0 : index
    %get3A_10 = vector.load %arg1[%get3A_8, %get3A_9] : memref<512x128xf32, #tpu.memory_space<vmem>>, vector<512x128xf32>
    %get3A_11 = arith.constant 0 : index
    %get3A_12 = arith.constant 0 : index
    %get3A_13 = vector.load %arg2[%get3A_11, %get3A_12] : memref<128x128xf32, #tpu.memory_space<vmem>>, vector<128x128xf32>
    %dot_general3A = arith.constant dense<0.000000e+00> : vector<512x128xf32>
    %dot_general3A_14 = tpu.matmul %get3A_10, %get3A_13, %dot_general3A {dimension_numbers = #tpu.dot_dimension_numbers<[1], [0], [0], [1], [0, 0, 1, 1], [], []>, precision = #tpu.contract_precision<fp32>, transpose_lhs_hint = false} : vector<512x128xf32>, vector<128x128xf32>, vector<512x128xf32> -> vector<512x128xf32>
    %mul3A = vector.broadcast %rsqrt3A : vector<512x1xf32> to vector<512x128xf32>
    %mul3A_15 = arith.mulf %mul3A, %dot_general3A_14 : vector<512x128xf32>
    %swap3A = arith.constant 0 : index
    %swap3A_16 = arith.constant 0 : index
    %swap3A_17 = vector.load %arg5[%swap3A, %swap3A_16] : memref<512x128xf32, #tpu.memory_space<vmem>>, vector<512x128xf32>
    tpu.vector_store %arg5[%swap3A, %swap3A_16], %mul3A_15 {strides = array<i32>} : memref<512x128xf32, #tpu.memory_space<vmem>>, vector<512x128xf32>,
    %broadcast_in_dim3A = vector.shape_cast %rsqrt3A : vector<512x1xf32> to vector<512x1xf32>
    %broadcast_in_dim3A_18 = vector.broadcast %broadcast_in_dim3A : vector<512x1xf32> to vector<512x128xf32>
    %swap3A_19 = arith.constant 0 : index
    %swap3A_20 = arith.constant 0 : index
    %swap3A_21 = vector.load %arg6[%swap3A_19, %swap3A_20] : memref<512x128xf32, #tpu.memory_space<vmem>>, vector<512x128xf32>
    tpu.vector_store %arg6[%swap3A_19, %swap3A_20], %broadcast_in_dim3A_18 {strides = array<i32>} : memref<512x128xf32, #tpu.memory_space<vmem>>, vector<512x128xf32>,
    return
  }
  func.func @transform_0(%arg0: i32) -> (i32, i32) {
    %c0_i32 = arith.constant 0 : i32
    %c0_i32_0 = arith.constant 0 : i32
    return %arg0, %c0_i32 : i32, i32
  }
  func.func @transform_1(%arg0: i32) -> (i32, i32) {
    %c0_i32 = arith.constant 0 : i32
    %c0_i32_0 = arith.constant 0 : i32
    %c0_i32_1 = arith.constant 0 : i32
    return %c0_i32, %c0_i32_0 : i32, i32
  }
  func.func @transform_2(%arg0: i32) -> (i32, i32) {
    %c0_i32 = arith.constant 0 : i32
    %c0_i32_0 = arith.constant 0 : i32
    return %arg0, %c0_i32 : i32, i32
  }
  func.func @transform_3(%arg0: i32) -> (i32, i32) {
    %c0_i32 = arith.constant 0 : i32
    %c0_i32_0 = arith.constant 0 : i32
    return %arg0, %c0_i32 : i32, i32
  }
  func.func @transform_4(%arg0: i32) -> (i32, i32) {
    %c0_i32 = arith.constant 0 : i32
    %c0_i32_0 = arith.constant 0 : i32
    return %arg0, %c0_i32 : i32, i32
  }
  func.func @transform_5(%arg0: i32) -> (i32, i32) {
    %c0_i32 = arith.constant 0 : i32
    %c0_i32_0 = arith.constant 0 : i32
    return %arg0, %c0_i32 : i32, i32
  }
}

module attributes {stable_mosaic.version = 14 : i64} {
  func.func @_tc_mid_body(%arg0: i32, %arg1: memref<512x128xf32, #tpu.memory_space<vmem>>, %arg2: memref<512x128xf32, #tpu.memory_space<vmem>>, %arg3: memref<512x128xf32, #tpu.memory_space<vmem>>, %arg4: memref<512x128xf32, #tpu.memory_space<vmem>>, %arg5: memref<1x128xf32, #tpu.memory_space<vmem>>, %arg6: memref<128x128xf32, #tpu.memory_space<vmem>>, %arg7: memref<512x128xf32, #tpu.memory_space<vmem>>) attributes {dimension_semantics = [#tpu.dimension_semantics<arbitrary>], iteration_bounds = array<i64: 20>, scalar_prefetch = 0 : i64, scratch_operands = 0 : i64, tpu.core_type = #tpu.core_type<tc>, window_params = [{transform_indices = @transform_0, window_bounds = array<i64: 512, 128>}, {transform_indices = @transform_1, window_bounds = array<i64: 512, 128>}, {transform_indices = @transform_2, window_bounds = array<i64: 512, 128>}, {transform_indices = @transform_3, window_bounds = array<i64: 512, 128>}, {pipeline_mode = #tpu.pipeline_mode<synchronous>, transform_indices = @transform_4, window_bounds = array<i64: 1, 128>}, {pipeline_mode = #tpu.pipeline_mode<synchronous>, transform_indices = @transform_5, window_bounds = array<i64: 128, 128>}, {transform_indices = @transform_6, window_bounds = array<i64: 512, 128>}]} {
    %get3A = arith.constant 0 : index
    %get3A_0 = arith.constant 0 : index
    %get3A_1 = vector.load %arg4[%get3A, %get3A_0] : memref<512x128xf32, #tpu.memory_space<vmem>>, vector<512x128xf32>
    %get3A_2 = arith.constant 0 : index
    %get3A_3 = arith.constant 0 : index
    %get3A_4 = vector.load %arg2[%get3A_2, %get3A_3] : memref<512x128xf32, #tpu.memory_space<vmem>>, vector<512x128xf32>
    %get3A_5 = arith.constant 0 : index
    %get3A_6 = arith.constant 0 : index
    %get3A_7 = vector.load %arg3[%get3A_5, %get3A_6] : memref<512x128xf32, #tpu.memory_space<vmem>>, vector<512x128xf32>
    %add3A = arith.addf %get3A_4, %get3A_7 : vector<512x128xf32>
    %get3A_8 = arith.constant 0 : index
    %get3A_9 = arith.constant 0 : index
    %get3A_10 = vector.load %arg1[%get3A_8, %get3A_9] : memref<512x128xf32, #tpu.memory_space<vmem>>, vector<512x128xf32>
    %add3A_11 = arith.addf %add3A, %get3A_10 : vector<512x128xf32>
    %mul3A = arith.mulf %get3A_1, %add3A_11 : vector<512x128xf32>
    %get3A_12 = arith.constant 0 : index
    %get3A_13 = arith.constant 0 : index
    %get3A_14 = vector.load %arg5[%get3A_12, %get3A_13] : memref<1x128xf32, #tpu.memory_space<vmem>>, vector<1x128xf32>
    %add3A_15 = vector.broadcast %get3A_14 : vector<1x128xf32> to vector<512x128xf32>
    %add3A_16 = arith.addf %mul3A, %add3A_15 : vector<512x128xf32>
    %max3A = arith.constant 0.000000e+00 : f32
    %max3A_17 = vector.broadcast %max3A : f32 to vector<512x128xf32>
    %max3A_18 = arith.maximumf %add3A_16, %max3A_17 : vector<512x128xf32>
    %get3A_19 = arith.constant 0 : index
    %get3A_20 = arith.constant 0 : index
    %get3A_21 = vector.load %arg4[%get3A_19, %get3A_20] : memref<512x128xf32, #tpu.memory_space<vmem>>, vector<512x128xf32>
    %get3A_22 = arith.constant 0 : index
    %get3A_23 = arith.constant 0 : index
    %get3A_24 = vector.load %arg6[%get3A_22, %get3A_23] : memref<128x128xf32, #tpu.memory_space<vmem>>, vector<128x128xf32>
    %dot_general3A = arith.constant dense<0.000000e+00> : vector<512x128xf32>
    %dot_general3A_25 = tpu.matmul %max3A_18, %get3A_24, %dot_general3A {dimension_numbers = #tpu.dot_dimension_numbers<[1], [0], [0], [1], [0, 0, 1, 1], [], []>, precision = #tpu.contract_precision<fp32>, transpose_lhs_hint = false} : vector<512x128xf32>, vector<128x128xf32>, vector<512x128xf32> -> vector<512x128xf32>
    %mul3A_26 = arith.mulf %get3A_21, %dot_general3A_25 : vector<512x128xf32>
    %swap3A = arith.constant 0 : index
    %swap3A_27 = arith.constant 0 : index
    %swap3A_28 = vector.load %arg7[%swap3A, %swap3A_27] : memref<512x128xf32, #tpu.memory_space<vmem>>, vector<512x128xf32>
    tpu.vector_store %arg7[%swap3A, %swap3A_27], %mul3A_26 {strides = array<i32>} : memref<512x128xf32, #tpu.memory_space<vmem>>, vector<512x128xf32>,
    return
  }
  func.func @transform_0(%arg0: i32) -> (i32, i32) {
    %c0_i32 = arith.constant 0 : i32
    %c0_i32_0 = arith.constant 0 : i32
    return %arg0, %c0_i32 : i32, i32
  }
  func.func @transform_1(%arg0: i32) -> (i32, i32) {
    %c0_i32 = arith.constant 0 : i32
    %c0_i32_0 = arith.constant 0 : i32
    return %arg0, %c0_i32 : i32, i32
  }
  func.func @transform_2(%arg0: i32) -> (i32, i32) {
    %c0_i32 = arith.constant 0 : i32
    %c0_i32_0 = arith.constant 0 : i32
    return %arg0, %c0_i32 : i32, i32
  }
  func.func @transform_3(%arg0: i32) -> (i32, i32) {
    %c0_i32 = arith.constant 0 : i32
    %c0_i32_0 = arith.constant 0 : i32
    return %arg0, %c0_i32 : i32, i32
  }
  func.func @transform_4(%arg0: i32) -> (i32, i32) {
    %c0_i32 = arith.constant 0 : i32
    %c0_i32_0 = arith.constant 0 : i32
    %c0_i32_1 = arith.constant 0 : i32
    return %c0_i32, %c0_i32_0 : i32, i32
  }
  func.func @transform_5(%arg0: i32) -> (i32, i32) {
    %c0_i32 = arith.constant 0 : i32
    %c0_i32_0 = arith.constant 0 : i32
    %c0_i32_1 = arith.constant 0 : i32
    return %c0_i32, %c0_i32_0 : i32, i32
  }
  func.func @transform_6(%arg0: i32) -> (i32, i32) {
    %c0_i32 = arith.constant 0 : i32
    %c0_i32_0 = arith.constant 0 : i32
    return %arg0, %c0_i32 : i32, i32
  }
}

module attributes {stable_mosaic.version = 14 : i64} {
  func.func @_tc_final_body(%arg0: i32, %arg1: memref<512x128xf32, #tpu.memory_space<vmem>>, %arg2: memref<512x128xf32, #tpu.memory_space<vmem>>, %arg3: memref<512x128xf32, #tpu.memory_space<vmem>>, %arg4: memref<512x128xf32, #tpu.memory_space<vmem>>, %arg5: memref<1x128xf32, #tpu.memory_space<vmem>>, %arg6: memref<512x1xi32, #tpu.memory_space<vmem>>, %arg7: memref<128x128xf32, #tpu.memory_space<vmem>>, %arg8: memref<1x128xf32, #tpu.memory_space<vmem>>, %arg9: memref<128x128xf32, #tpu.memory_space<vmem>>, %arg10: memref<128x128xf32, #tpu.memory_space<vmem>>, %arg11: memref<128x128xf32, #tpu.memory_space<vmem>>) attributes {dimension_semantics = [#tpu.dimension_semantics<arbitrary>], iteration_bounds = array<i64: 20>, scalar_prefetch = 0 : i64, scratch_operands = 2 : i64, tpu.core_type = #tpu.core_type<tc>, window_params = [{transform_indices = @transform_0, window_bounds = array<i64: 512, 128>}, {transform_indices = @transform_1, window_bounds = array<i64: 512, 128>}, {transform_indices = @transform_2, window_bounds = array<i64: 512, 128>}, {transform_indices = @transform_3, window_bounds = array<i64: 512, 128>}, {pipeline_mode = #tpu.pipeline_mode<synchronous>, transform_indices = @transform_4, window_bounds = array<i64: 1, 128>}, {transform_indices = @transform_5, window_bounds = array<i64: 512, 1>}, {pipeline_mode = #tpu.pipeline_mode<synchronous>, transform_indices = @transform_6, window_bounds = array<i64: 128, 128>}, {pipeline_mode = #tpu.pipeline_mode<synchronous>, transform_indices = @transform_7, window_bounds = array<i64: 1, 128>}, {pipeline_mode = #tpu.pipeline_mode<synchronous>, transform_indices = @transform_8, window_bounds = array<i64: 128, 128>}]} {
    %get3A = arith.constant 0 : index
    %get3A_0 = arith.constant 0 : index
    %get3A_1 = vector.load %arg4[%get3A, %get3A_0] : memref<512x128xf32, #tpu.memory_space<vmem>>, vector<512x128xf32>
    %get3A_2 = arith.constant 0 : index
    %get3A_3 = arith.constant 0 : index
    %get3A_4 = vector.load %arg2[%get3A_2, %get3A_3] : memref<512x128xf32, #tpu.memory_space<vmem>>, vector<512x128xf32>
    %get3A_5 = arith.constant 0 : index
    %get3A_6 = arith.constant 0 : index
    %get3A_7 = vector.load %arg3[%get3A_5, %get3A_6] : memref<512x128xf32, #tpu.memory_space<vmem>>, vector<512x128xf32>
    %add3A = arith.addf %get3A_4, %get3A_7 : vector<512x128xf32>
    %get3A_8 = arith.constant 0 : index
    %get3A_9 = arith.constant 0 : index
    %get3A_10 = vector.load %arg1[%get3A_8, %get3A_9] : memref<512x128xf32, #tpu.memory_space<vmem>>, vector<512x128xf32>
    %add3A_11 = arith.addf %add3A, %get3A_10 : vector<512x128xf32>
    %mul3A = arith.mulf %get3A_1, %add3A_11 : vector<512x128xf32>
    %get3A_12 = arith.constant 0 : index
    %get3A_13 = arith.constant 0 : index
    %get3A_14 = vector.load %arg5[%get3A_12, %get3A_13] : memref<1x128xf32, #tpu.memory_space<vmem>>, vector<1x128xf32>
    %add3A_15 = vector.broadcast %get3A_14 : vector<1x128xf32> to vector<512x128xf32>
    %add3A_16 = arith.addf %mul3A, %add3A_15 : vector<512x128xf32>
    %max3A = arith.constant 0.000000e+00 : f32
    %max3A_17 = vector.broadcast %max3A : f32 to vector<512x128xf32>
    %max3A_18 = arith.maximumf %add3A_16, %max3A_17 : vector<512x128xf32>
    %iota3A = tpu.iota {dimensions = array<i32: 1>} : vector<512x128xi32>
    %get3A_19 = arith.constant 0 : index
    %get3A_20 = arith.constant 0 : index
    %get3A_21 = vector.load %arg6[%get3A_19, %get3A_20] : memref<512x1xi32, #tpu.memory_space<vmem>>, vector<512x1xi32>
    %eq3A = vector.broadcast %get3A_21 : vector<512x1xi32> to vector<512x128xi32>
    %eq3A_22 = arith.cmpi eq, %eq3A, %iota3A : vector<512x128xi32>
    %convert_element_type3A = arith.extui %eq3A_22 : vector<512x128xi1> to vector<512x128xi32>
    %convert_element_type3A_23 = arith.sitofp %convert_element_type3A : vector<512x128xi32> to vector<512x128xf32>
    %eq3A_24 = arith.constant 0 : i32
    %eq3A_25 = arith.cmpi eq, %arg0, %eq3A_24 : i32
    %convert_element_type3A_26 = arith.extui %eq3A_25 : i1 to i32
    %cond3A = arith.constant 0 : i32
    %cond3A_27 = arith.cmpi ne, %convert_element_type3A_26, %cond3A : i32
    scf.if %cond3A_27 {
      %broadcast_in_dim3A_50 = arith.constant 0.000000e+00 : f32
      %broadcast_in_dim3A_51 = vector.broadcast %broadcast_in_dim3A_50 : f32 to vector<128x128xf32>
      %swap3A_52 = arith.constant 0 : index
      %swap3A_53 = arith.constant 0 : index
      %swap3A_54 = vector.load %arg10[%swap3A_52, %swap3A_53] : memref<128x128xf32, #tpu.memory_space<vmem>>, vector<128x128xf32>
      tpu.vector_store %arg10[%swap3A_52, %swap3A_53], %broadcast_in_dim3A_51 {strides = array<i32>} : memref<128x128xf32, #tpu.memory_space<vmem>>, vector<128x128xf32>,
      %broadcast_in_dim3A_55 = arith.constant 0.000000e+00 : f32
      %broadcast_in_dim3A_56 = vector.broadcast %broadcast_in_dim3A_55 : f32 to vector<128x128xf32>
      %swap3A_57 = arith.constant 0 : index
      %swap3A_58 = arith.constant 0 : index
      %swap3A_59 = vector.load %arg11[%swap3A_57, %swap3A_58] : memref<128x128xf32, #tpu.memory_space<vmem>>, vector<128x128xf32>
      tpu.vector_store %arg11[%swap3A_57, %swap3A_58], %broadcast_in_dim3A_56 {strides = array<i32>} : memref<128x128xf32, #tpu.memory_space<vmem>>, vector<128x128xf32>,
    } else {
    }
    %get3A_28 = arith.constant 0 : index
    %get3A_29 = arith.constant 0 : index
    %get3A_30 = vector.load %arg10[%get3A_28, %get3A_29] : memref<128x128xf32, #tpu.memory_space<vmem>>, vector<128x128xf32>
    %dot_general3A = arith.constant dense<0.000000e+00> : vector<128x128xf32>
    %dot_general3A_31 = tpu.matmul %convert_element_type3A_23, %max3A_18, %dot_general3A {dimension_numbers = #tpu.dot_dimension_numbers<[0], [0], [1], [1], [0, 1, 1, 1], [], []>, precision = #tpu.contract_precision<fp32>, transpose_lhs_hint = false} : vector<512x128xf32>, vector<512x128xf32>, vector<128x128xf32> -> vector<128x128xf32>
    %add3A_32 = arith.addf %get3A_30, %dot_general3A_31 : vector<128x128xf32>
    %swap3A = arith.constant 0 : index
    %swap3A_33 = arith.constant 0 : index
    %swap3A_34 = vector.load %arg10[%swap3A, %swap3A_33] : memref<128x128xf32, #tpu.memory_space<vmem>>, vector<128x128xf32>
    tpu.vector_store %arg10[%swap3A, %swap3A_33], %add3A_32 {strides = array<i32>} : memref<128x128xf32, #tpu.memory_space<vmem>>, vector<128x128xf32>,
    %get3A_35 = arith.constant 0 : index
    %get3A_36 = arith.constant 0 : index
    %get3A_37 = vector.load %arg11[%get3A_35, %get3A_36] : memref<128x128xf32, #tpu.memory_space<vmem>>, vector<128x128xf32>
    %broadcast_in_dim3A = arith.constant 1.000000e+00 : f32
    %broadcast_in_dim3A_38 = vector.broadcast %broadcast_in_dim3A : f32 to vector<512x128xf32>
    %dot_general3A_39 = arith.constant dense<0.000000e+00> : vector<128x128xf32>
    %dot_general3A_40 = tpu.matmul %convert_element_type3A_23, %broadcast_in_dim3A_38, %dot_general3A_39 {dimension_numbers = #tpu.dot_dimension_numbers<[0], [0], [1], [1], [0, 1, 1, 1], [], []>, precision = #tpu.contract_precision<fp32>, transpose_lhs_hint = false} : vector<512x128xf32>, vector<512x128xf32>, vector<128x128xf32> -> vector<128x128xf32>
    %add3A_41 = arith.addf %get3A_37, %dot_general3A_40 : vector<128x128xf32>
    %swap3A_42 = arith.constant 0 : index
    %swap3A_43 = arith.constant 0 : index
    %swap3A_44 = vector.load %arg11[%swap3A_42, %swap3A_43] : memref<128x128xf32, #tpu.memory_space<vmem>>, vector<128x128xf32>
    tpu.vector_store %arg11[%swap3A_42, %swap3A_43], %add3A_41 {strides = array<i32>} : memref<128x128xf32, #tpu.memory_space<vmem>>, vector<128x128xf32>,
    %eq3A_45 = arith.constant 19 : i32
    %eq3A_46 = arith.cmpi eq, %arg0, %eq3A_45 : i32
    %convert_element_type3A_47 = arith.extui %eq3A_46 : i1 to i32
    %cond3A_48 = arith.constant 0 : i32
    %cond3A_49 = arith.cmpi ne, %convert_element_type3A_47, %cond3A_48 : i32
    scf.if %cond3A_49 {
      %get3A_50 = arith.constant 0 : index
      %get3A_51 = arith.constant 0 : index
      %get3A_52 = vector.load %arg10[%get3A_50, %get3A_51] : memref<128x128xf32, #tpu.memory_space<vmem>>, vector<128x128xf32>
      %get3A_53 = arith.constant 0 : index
      %get3A_54 = arith.constant 0 : index
      %get3A_55 = vector.load %arg11[%get3A_53, %get3A_54] : memref<128x128xf32, #tpu.memory_space<vmem>>, vector<128x128xf32>
      %max3A_56 = arith.constant 1.000000e+00 : f32
      %max3A_57 = vector.broadcast %max3A_56 : f32 to vector<128x128xf32>
      %max3A_58 = arith.maximumf %get3A_55, %max3A_57 : vector<128x128xf32>
      %div3A = arith.divf %get3A_52, %max3A_58 : vector<128x128xf32>
      %get3A_59 = arith.constant 0 : index
      %get3A_60 = arith.constant 0 : index
      %get3A_61 = vector.load %arg7[%get3A_59, %get3A_60] : memref<128x128xf32, #tpu.memory_space<vmem>>, vector<128x128xf32>
      %dot_general3A_62 = arith.constant dense<0.000000e+00> : vector<128x128xf32>
      %dot_general3A_63 = tpu.matmul %div3A, %get3A_61, %dot_general3A_62 {dimension_numbers = #tpu.dot_dimension_numbers<[1], [0], [0], [1], [0, 0, 1, 1], [], []>, precision = #tpu.contract_precision<fp32>, transpose_lhs_hint = false} : vector<128x128xf32>, vector<128x128xf32>, vector<128x128xf32> -> vector<128x128xf32>
      %get3A_64 = arith.constant 0 : index
      %get3A_65 = arith.constant 0 : index
      %get3A_66 = vector.load %arg8[%get3A_64, %get3A_65] : memref<1x128xf32, #tpu.memory_space<vmem>>, vector<1x128xf32>
      %add3A_67 = vector.broadcast %get3A_66 : vector<1x128xf32> to vector<128x128xf32>
      %add3A_68 = arith.addf %dot_general3A_63, %add3A_67 : vector<128x128xf32>
      %swap3A_69 = arith.constant 0 : index
      %swap3A_70 = arith.constant 0 : index
      %swap3A_71 = vector.load %arg9[%swap3A_69, %swap3A_70] : memref<128x128xf32, #tpu.memory_space<vmem>>, vector<128x128xf32>
      tpu.vector_store %arg9[%swap3A_69, %swap3A_70], %add3A_68 {strides = array<i32>} : memref<128x128xf32, #tpu.memory_space<vmem>>, vector<128x128xf32>,
    } else {
    }
    return
  }
  func.func @transform_0(%arg0: i32) -> (i32, i32) {
    %c0_i32 = arith.constant 0 : i32
    %c0_i32_0 = arith.constant 0 : i32
    return %arg0, %c0_i32 : i32, i32
  }
  func.func @transform_1(%arg0: i32) -> (i32, i32) {
    %c0_i32 = arith.constant 0 : i32
    %c0_i32_0 = arith.constant 0 : i32
    return %arg0, %c0_i32 : i32, i32
  }
  func.func @transform_2(%arg0: i32) -> (i32, i32) {
    %c0_i32 = arith.constant 0 : i32
    %c0_i32_0 = arith.constant 0 : i32
    return %arg0, %c0_i32 : i32, i32
  }
  func.func @transform_3(%arg0: i32) -> (i32, i32) {
    %c0_i32 = arith.constant 0 : i32
    %c0_i32_0 = arith.constant 0 : i32
    return %arg0, %c0_i32 : i32, i32
  }
  func.func @transform_4(%arg0: i32) -> (i32, i32) {
    %c0_i32 = arith.constant 0 : i32
    %c0_i32_0 = arith.constant 0 : i32
    %c0_i32_1 = arith.constant 0 : i32
    return %c0_i32, %c0_i32_0 : i32, i32
  }
  func.func @transform_5(%arg0: i32) -> (i32, i32) {
    %c0_i32 = arith.constant 0 : i32
    %c0_i32_0 = arith.constant 0 : i32
    return %arg0, %c0_i32 : i32, i32
  }
  func.func @transform_6(%arg0: i32) -> (i32, i32) {
    %c0_i32 = arith.constant 0 : i32
    %c0_i32_0 = arith.constant 0 : i32
    %c0_i32_1 = arith.constant 0 : i32
    return %c0_i32, %c0_i32_0 : i32, i32
  }
  func.func @transform_7(%arg0: i32) -> (i32, i32) {
    %c0_i32 = arith.constant 0 : i32
    %c0_i32_0 = arith.constant 0 : i32
    %c0_i32_1 = arith.constant 0 : i32
    return %c0_i32, %c0_i32_0 : i32, i32
  }
  func.func @transform_8(%arg0: i32) -> (i32, i32) {
    %c0_i32 = arith.constant 0 : i32
    %c0_i32_0 = arith.constant 0 : i32
    %c0_i32_1 = arith.constant 0 : i32
    return %c0_i32, %c0_i32_0 : i32, i32
  }
}

</mosaic_0001>

<sc_bundles>
// kernel: kernel.10.cloned.1.call-start
scs
__scs_entry_jumppad:
0x0: {  	(pc) =	sbr.rel $0x88, $3  }
0x1: {  	(tag) =	ssettag $0x0;
	lr =	simm.s32 $0x1  }
0x2: {  	[smem:$0x3F96] =	sst lr;
	_ =	strace $0xD0000000  }
0x3: {  	_ = 	snop  }
0x4: {  	_ = 	snop  }
0x5: {  	_ = 	snop  }
0x6: {  	_ = 	snop  }
0x7: {  	_ = 	snop  }
__scs_overlays_trampoline_lowered:
0x8: {  	[smem:$0x3FA5] =	sst s0  }
0x9: {  	[smem:$0x3FA6] =	sst s1  }
0xa: {  	[smem:$0x3FA7] =	sst s2  }
0xb: {  	[smem:$0x3FA8] =	sst s3  }
0xc: {  	[smem:$0x3FA9] =	sst s4  }
0xd: {  	[smem:$0x3FAA] =	sst s5  }
0xe: {  	[smem:$0x3FAB] =	sst s6  }
0xf: {  	[smem:$0x3FAC] =	sst s7  }
0x10: {  	[smem:$0x3FAD] =	sst s8  }
0x11: {  	[smem:$0x3FAE] =	sst s9;
	s0 =	simm.s32 @!p0 $0x0  }
0x12: {  	s1 =	sld [smem:$0x3F94];
	s0 =	simm.s32 @p0 $0x1  }
0x13: {  	[smem:$0x3FAF] =	sst s0;
	s0 =	simm.s32 @!p1 $0x0  }
0x14: {  	s2 =	sld [smem:$0x3F93];
	s0 =	simm.s32 @p1 $0x1  }
0x15: {  	[smem:$0x3FB0] =	sst s0;
	s0 =	simm.s32 @!p2 $0x0  }
0x16: {  	s3 =	sld [smem:$0x3FDB];
	s0 =	simm.s32 @p2 $0x1  }
0x17: {  	s4 =	simm.s32 $0x1BF5;
	[smem:$0x3FB2] =	sst s0  }
0x18: {  	s0 =	sld [smem:$0x3F95];
	_ =	swait.ge [sflag:s4], $0x0  }
0x19: {  	s7 =	sld [smem:$0x3F96]  }
0x1a: {  	s8 =	sadd.s32 $0xFFFFE003, lr  }
0x1b: {  	s9 =	sadd.s32 $0xFFFFFEF7, lr;
	s5 =	simm.s32 $0xFFFFFFFF;
	p2 =	slt.u32 s8, $0xFFFFF086  }
0x1c: {  	p1 =	slt.u32 s9, $0xF7A;
	s5 =	simm.s32 @!p2 $0x0  }
0x1d: {  	s5 =	simm.s32 @p1 $0x1;
	p0 =	seq.s32 s7, s2  }
0x1e: {  	s7 =	smul.u32 @!p0 $0xF7A, s2;
	p2 =	seq.s32 @!p0 s5, $0x0  }
0x1f: {  	s9 =	smul.u32 $0xF7A, s1;
	s8 =	simm.s32 @!p0 $0x1BF5;
	p2 =	por !p2, p0  }
0x20: {  	[sflag:s8] =	ssyncset.s32 @!p0 $0xFFFFF086;
	s6 =	sadd.s32 @!p0 s3, s7;
	s7 =	simm.s32 @!p0 $0x108  }
0x21: {  	s3 =	sadd.s32 s3, s9;
	s6 =	sadd.s32 @!p0 $0x88, s6;
	s7 =	simm.s32 @p2 $0x1082  }
0x22: {  	[simem:s7], [sflag:s8] =	dma.local @!p0 [hbm:s6], $0xF7A  }
0x23: {  	s9 =	sor.u32 $0xD0000000, s2;
	s6 =	simm.s32 $0x108;
	_ =	swait.ge @!p0 [sflag:s8], $0x0  }
0x24: {  	s3 =	sadd.s32 $0x88, s3;
	s6 =	simm.s32 @!p1 $0x1082;
	[sflag:s4] =	ssyncset.s32 $0xFFFFF086  }
0x25: {  	[simem:s6], [sflag:s4] =	dma.local [hbm:s3], $0xF7A  }
0x26: {  	[smem:$0x3F96] =	sst s1;
	(tag) =	ssettag s2;
	_ =	strace s9  }
0x27: {  	s1 =	sld [smem:$0x3FA6]  }
0x28: {  	s2 =	sld [smem:$0x3FA7]  }
0x29: {  	s4 =	sld [smem:$0x3FA9]  }
0x2a: {  	p0 =	seq.s32 s5, $0x0;
	s5 =	sld [smem:$0x3FAA]  }
0x2b: {  	s6 =	sld [smem:$0x3FAB]  }
0x2c: {  	s7 =	sld [smem:$0x3FAC]  }
0x2d: {  	s3 =	simm.s32 $0x108;
	s8 =	sld [smem:$0x3FAD]  }
0x2e: {  	s3 =	simm.s32 @!p0 $0x1082;
	s9 =	sld [smem:$0x3FAE]  }
0x2f: {  	lr =	sadd.s32 s0, s3;
	s0 =	sld [smem:$0x3FA5]  }
0x30: {  	s3 =	sld [smem:$0x3FA8]  }
0x31: {  	[smem:$0x3FB1] =	sst s10  }
0x32: {  	s10 =	sld [smem:$0x3FAF];
	_ =	sdelay $0x3  }
0x33: {  	p0 =	seq.s32 s10, $0x1;
	s10 =	sld [smem:$0x3FB1];
	_ =	sdelay $0x3  }
0x34: {  	[smem:$0x3FB1] =	sst s10  }
0x35: {  	s10 =	sld [smem:$0x3FB0];
	_ =	sdelay $0x3  }
0x36: {  	p1 =	seq.s32 s10, $0x1;
	s10 =	sld [smem:$0x3FB1];
	_ =	sdelay $0x3  }
0x37: {  	[smem:$0x3FB1] =	sst s10  }
0x38: {  	s10 =	sld [smem:$0x3FB2]  }
0x39: {  	_ = 	snop;
	(pc) =	sbr.ind lr, $3  }
0x3a: {  	_ = 	snop  }
0x3b: {  	_ = 	snop  }
0x3c: {  	p2 =	seq.s32 s10, $0x1;
	s10 =	sld [smem:$0x3FB1]  }
0x3d: {  	_ =	shalt  }
0x3e: {  	_ =	shalt  }
0x3f: {  	_ =	shalt  }
0x40: {  	_ =	shalt  }
0x41: {  	_ =	shalt  }
0x42: {  	_ =	shalt  }
0x43: {  	_ =	shalt  }
0x44: {  	_ =	shalt  }
0x45: {  	_ =	shalt  }
0x46: {  	_ =	shalt  }
0x47: {  	_ =	shalt  }
0x48: {  	_ =	shalt  }
0x49: {  	_ =	shalt  }
0x4a: {  	_ =	shalt  }
0x4b: {  	_ =	shalt  }
0x4c: {  	_ =	shalt  }
0x4d: {  	_ =	shalt  }
0x4e: {  	_ =	shalt  }
0x4f: {  	_ =	shalt  }
0x50: {  	_ =	shalt  }
0x51: {  	_ =	shalt  }
0x52: {  	_ =	shalt  }
0x53: {  	_ =	shalt  }
0x54: {  	_ =	shalt  }
0x55: {  	_ =	shalt  }
0x56: {  	_ =	shalt  }
0x57: {  	_ =	shalt  }
0x58: {  	_ =	shalt  }
0x59: {  	_ =	shalt  }
0x5a: {  	_ =	shalt  }
0x5b: {  	_ =	shalt  }
0x5c: {  	_ =	shalt  }
0x5d: {  	_ =	shalt  }
0x5e: {  	_ =	shalt  }
0x5f: {  	_ =	shalt  }
0x60: {  	_ =	shalt  }
0x61: {  	_ =	shalt  }
0x62: {  	_ =	shalt  }
0x63: {  	_ =	shalt  }
0x64: {  	_ =	shalt  }
0x65: {  	_ =	shalt  }
0x66: {  	_ =	shalt  }
0x67: {  	_ =	shalt  }
0x68: {  	_ =	shalt  }
0x69: {  	_ =	shalt  }
0x6a: {  	_ =	shalt  }
0x6b: {  	_ =	shalt  }
0x6c: {  	_ =	shalt  }
0x6d: {  	_ =	shalt  }
0x6e: {  	_ =	shalt  }
0x6f: {  	_ =	shalt  }
0x70: {  	_ =	shalt  }
0x71: {  	_ =	shalt  }
0x72: {  	_ =	shalt  }
0x73: {  	_ =	shalt  }
0x74: {  	_ =	shalt  }
0x75: {  	_ =	shalt  }
0x76: {  	_ =	shalt  }
0x77: {  	_ =	shalt  }
0x78: {  	_ =	shalt  }
0x79: {  	_ =	shalt  }
0x7a: {  	_ =	shalt  }
0x7b: {  	_ =	shalt  }
0x7c: {  	_ =	shalt  }
0x7d: {  	_ =	shalt  }
0x7e: {  	_ =	shalt  }
0x7f: {  	_ =	shalt  }
0x80: {  	_ =	shalt  }
0x81: {  	_ =	shalt  }
0x82: {  	_ =	shalt  }
0x83: {  	_ =	shalt  }
0x84: {  	_ =	shalt  }
0x85: {  	_ =	shalt  }
0x86: {  	_ =	shalt  }
0x87: {  	_ =	shalt  }
.Lfunc_end0:
.L_simem_size_0:
called_computation_lowered:
.L_overlay_start_0:
0x88: {  	s2 =	sld [smem:$0x3FD9]  }
0x89: {  	s3 =	sld [smem:$0x3FFE];
	_ =	sdelay $0x1  }
0x8a: {  	s1 =	srdreg.scid  }
0x8b: {  	s0 =	sand.u32 $0x1, s1  }
0x8c: {  	s16 =	sshll.u32 s0, $0xA;
	s2 =	sadd.s32 s3, s2  }
0x8d: {  	s2 =	sadd.s32 s2, s16  }
0x8e: {  	[smem:$0x3FBD] =	sst s2  }
0x8f: {  	_ = 	snop  }
0x90: {  	(tm) =	ssettm $0x1  }
0x91: {  	s17 =	sld [smem:$0x3FFB];
	_ =	sdelay $0x3  }
0x92: {  	_ =	strace s17  }
0x93: {  	s2 =	sld [smem:$0x3FFC];
	_ =	sdelay $0x3  }
0x94: {  	_ =	strace s2  }
0x95: {  	s2 =	sld [smem:$0x3FFD];
	_ =	sdelay $0x3  }
0x96: {  	_ =	strace s2  }
0x97: {  	_ =	strace $0x8FFFFFFF  }
0x98: {  	s18 =	sld [smem:$0x3FDB];
	_ =	sdelay $0x1  }
0x99: {  	s19 =	simm.s32 $_scs_section_size  }
0x9a: {  	s4 =	simm.s32 $_size__tile_overlayer_lowered;
	s5 =	simm.s32 $_tile_overlayer_lowered  }
0x9b: {  	s22 =	simm.s32 $0x1BFF;
	s21 =	sshll.u32 s5, $0x1;
	s2 =	sadd.s32 s19, s18  }
0x9c: {  	s6 =	simm.s32 $0x0;
	s20 =	sshll.u32 s4, $0x1;
	s4 =	sadd.s32 s21, s2  }
0x9d: {  	[timem:s6], [sflag:s22] =	dma.local [hbm:s4], s20  }
0x9e: {  	_ =	swait.ge [sflag:s22], s20  }
0x9f: {  	s3 =	ssub.s32 $0x0, s20;
	[sflag:s22] =	ssyncset.done $0x0  }
0xa0: {  	[sflag:s22] =	ssyncadd.s32 s3;
	_ =	sdelay $0x1  }
0xa1: {  	s23 =	simm.s32 $0x1B8B  }
0xa2: {  	_ =	swait.ge [sflag:s23], $0x1  }
0xa3: {  	[sflag:s23] =	ssyncset.done $0x0  }
0xa4: {  	s25 =	simm.s32 $0x1B8E;
	s24 =	sld [smem:$0x3FFE];
	[sflag:s23] =	ssyncadd.s32 $0xFFFFFFFF  }
0xa5: {  	s26 =	simm.s32 $execute0_lowered;
	[smem:$0x3FD2] =	sst s25  }
0xa6: {  	s4 =	sshll.u32 s26, $0x1;
	_ =	strace $0x80000046;
	[dreg:$0x1] =	wrdreg $0xFFFFFFFF  }
0xa7: {  	s28 =	simm.s32 $_size_execute0_lowered;
	s2 =	sadd.s32 s2, s4;
	[dreg:$0x0] =	wrdreg $0x0  }
0xa8: {  	s4 =	sshll.u32 s28, $0x1;
	[dreg:$0x2] =	wrdreg s2  }
0xa9: {  	[dreg:$0x3] =	wrdreg s4  }
0xaa: {  	[dreg:$0x4] =	wrdreg $0xC0  }
0xab: {  	_ =	task [dreg:s6], $0x5FFFF  }
0xac: {  	[dreg:$0x1] =	wrdreg $0xFFFFFFFF  }
0xad: {  	[dreg:$0x0] =	wrdreg $0x60  }
0xae: {  	[dreg:$0x2] =	wrdreg s24  }
0xaf: {  	[dreg:$0x3] =	wrdreg $0x68000  }
0xb0: {  	[dreg:$0x4] =	wrdreg $0x9  }
0xb1: {  	_ =	task.clear_ibuf [dreg:s6], $0x5FFFF;
	_ =	strace $0x90000046  }
0xb2: {  	s29 =	simm.s32 $0x9;
	_ =	strace $0x80000048  }
0xb3: {  	_ =	swait.ge [sflag:s29], $0x1  }
0xb4: {  	[sflag:s29] =	ssyncadd.s32 $0xFFFFFFFF  }
0xb5: {  	_ =	strace $0x90000048  }
0xb6: {  	_ =	sfence  }
0xb7: {  	s30 =	sld [smem:$0x0];
	_ =	sdelay $0x2  }
0xb8: {  	s31 =	sshll.u32 s1, $0xD;
	s1 =	sshrl.u32 s1, $0x2  }
0xb9: {  	s3 =	sand.u32 $0x4000, s31;
	s1 =	sadd.s32 s1, s30  }
0xba: {  	s0 =	sor.u32 s3, s0;
	s1 =	sshll.u32 s1, $0x11  }
0xbb: {  	s0 =	sor.u32 s1, s0  }
0xbc: {  	s0 =	sadd.s32 $0x8F2B, s0  }
0xbd: {  	[sflag:s0] =	ssyncadd.remote.s32 $0x1  }
0xbe: {  	_ =	sfence.sel $0xFFFF  }
0xbf: {  	[dreg:$0x0] =	wrdreg $0xFFFFFFFF;
	(pc) =	sbr.abs _section_cstart, $3  }
0xc0: {  	[dreg:$0x1] =	wrdreg $0xFFFFFFFF  }
0xc1: {  	_ =	task.clear_ibuf [dreg:s6], $0x2FFFF;
	_ =	strace $0x9FFFFFFF  }
0xc2: {  	(tm) =	ssettm $0x7FFFFFFF  }
0xc3: {  	_ =	shalt  }
tec
execute0_lowered:
.L_overlay_start_1:
0x0: {  	(tag) =	ssettag $0x1  }
0x1: {  	s1 =	srdreg.scid  }
0x2: {  	s0 =	stileid.u32;
	s5 =	rddreg [dreg:$0x0]  }
0x3: {  	s2 =	rddreg [dreg:$0x1];
	s3 =	simm.s32 $0x0;
	s13 =	simm.s32 $0x1  }
0x4: {  	s14 =	simm.s32 $0x80;
	s4 =	sand.u32 $0x1, s1;
	s7 =	smul.u32 $0x2800, s0  }
0x5: {  	s28 =	sshll.u32 s0, $0x1;
	[smem:$0x7FF] =	sst s3;
	s8 =	smul.u32 $0x50000, s0  }
0x6: {  	s15 =	sshll.u32 s0, $0x6;
	s1 =	sor.u32 s4, s28;
	s9 =	smul.u32 $0x28000, s4  }
0x7: {  	s29 =	ssub.s32 $0x2, s4;
	s15 =	sor.u32 $0x1C01, s15;
	s6 =	smul.u32 $0x500, s1  }
0x8: {  	s1 =	rddreg [dreg:$0x2];
	_ =	strace $0x80000047;
	s30 =	sshrl.u32 s8, $0x2  }
0x9: {  	s31 =	sshrl.u32 s29, $0x1;
	s7 =	sadd.s32 s7, s9;
	s4 =	sadd.s32 s30, s2  }
0xa: {  	s12 =	ssub.s32 s29, s31;
	s10 =	sadd.s32 s6, s5;
	s11 =	sadd.s32 s7, s5  }
0xb: {  	s5 =	sadd.s32 $0x4000, s4;
	s6 =	sadd.s32 $0x8000, s4;
	s7 =	sadd.s32 $0xC000, s4  }
0xc: {  	s8 =	sadd.s32 $0x10000, s4;
	s16 =	sshrl.u32 s4, $0x3;
	s9 =	sadd.s32 $0x4C00, s10  }
0xd: {  	v0 =	vimm.f32 $0.0e+00;
	v1 =	vimm.f32 $1.000000000e+00;
	s10 =	sadd.s32 $0xEC00, s11;
	s11 =	smax.u32 s12, $0x1;
	s12 =	simm.s32 $0x2800  }
.LBB2_1:
0xe: {  	s17 =	simm.s32 $0x200;
	s18 =	simm.s32 $0x0  }
.LBB2_2:
0xf: {  	p0 =	sne.s32 s17, $0xFE00;
	[tilespmem:s18+$0x2800] =	vst v0;
	s18 =	smov.u32 s17;
	s17 =	sadd.s32 $0x200, s17  }
.Ltmp0:
0x10: {  	(pc) =	sbr.rel @p0 .LBB2_2-.Ltmp0, $2  }
0x11: {  	_ =	sdelay $0x2  }
0x12: {  	s18 =	sshra.s32 s18, $0x2  }
0x13: {  	[tilespmem:s18+$0x2800] =	vst v0  }
0x14: {  	[spmem:s4] =	stream.linear.scatter [tilespmem:s12], [sflag:$0x1], $0x4000, $0x38;
	[tilespmem:$0x9000] =	vst v63  }
0x15: {  	_ =	swait.ge [sflag:s13], $0x4000  }
0x16: {  	[sflag:s13] =	ssyncset.done $0x0  }
0x17: {  	[sflag:s13] =	ssyncadd.s32 $0xFFFFC000  }
0x18: {  	[spmem:s5] =	stream.linear.scatter [tilespmem:s12], [sflag:$0x1], $0x4000, $0x38;
	[tilespmem:$0x9000] =	vst v63  }
0x19: {  	_ =	swait.ge [sflag:s13], $0x4000  }
0x1a: {  	[sflag:s13] =	ssyncset.done $0x0  }
0x1b: {  	[sflag:s13] =	ssyncadd.s32 $0xFFFFC000  }
0x1c: {  	[spmem:s6] =	stream.linear.scatter [tilespmem:s12], [sflag:$0x1], $0x4000, $0x38;
	[tilespmem:$0x9000] =	vst v63  }
0x1d: {  	_ =	swait.ge [sflag:s13], $0x4000  }
0x1e: {  	[sflag:s13] =	ssyncset.done $0x0  }
0x1f: {  	[sflag:s13] =	ssyncadd.s32 $0xFFFFC000  }
0x20: {  	[spmem:s7] =	stream.linear.scatter [tilespmem:s12], [sflag:$0x1], $0x4000, $0x38;
	[tilespmem:$0x9000] =	vst v63  }
0x21: {  	_ =	swait.ge [sflag:s13], $0x4000  }
0x22: {  	[sflag:s13] =	ssyncset.done $0x0  }
0x23: {  	[sflag:s13] =	ssyncadd.s32 $0xFFFFC000  }
0x24: {  	[spmem:s8] =	stream.linear.scatter [tilespmem:s12], [sflag:$0x1], $0x4000, $0x38;
	[tilespmem:$0x9000] =	vst v63  }
0x25: {  	_ =	swait.ge [sflag:s13], $0x4000  }
0x26: {  	[sflag:s13] =	ssyncset.done $0x0  }
0x27: {  	s17 =	simm.s32 $0x200;
	s18 =	simm.s32 $0x0;
	[sflag:s13] =	ssyncadd.s32 $0xFFFFC000  }
.LBB2_4:
0x28: {  	p0 =	sne.s32 s17, $0xFE00;
	[tilespmem:s18+$0x2800] =	vst v1;
	s18 =	smov.u32 s17;
	s17 =	sadd.s32 $0x200, s17  }
.Ltmp1:
0x29: {  	(pc) =	sbr.rel @p0 .LBB2_4-.Ltmp1, $2  }
0x2a: {  	_ =	sdelay $0x2  }
0x2b: {  	s18 =	sshra.s32 s18, $0x2  }
0x2c: {  	[tilespmem:s18+$0x2800] =	vst v1  }
0x2d: {  	s17 =	simm.s32 $0x0;
	[bflag:$0x0] =	sbarrier.arrive $0xFFFF  }
0x2e: {  	[tilespmem:s17], [sflag:$0x1] =	stream.linear.gather [hbm4b:s9+s17], $0x2780, $0x38;
	[tilespmem:$0x9000] =	vst v63  }
0x2f: {  	_ =	swait.ge [sflag:s13], $0x2780  }
0x30: {  	[sflag:s13] =	ssyncset.done $0x0  }
0x31: {  	s31 =	simm.s32 $0x0;
	[sflag:s13] =	ssyncadd.s32 $0xFFFFD880  }
0x32: {  	[spmem:s2] =	stream.indirect.scatter.add.f32 [tilespmem:s12], [sflag:$0x1], $0x10, s31, s14, $0xb8;
	[tilespmem:$0x9000] =	vst v63  }
0x33: {  	_ =	swait.ge [sflag:s13], $0x800  }
0x34: {  	s17 =	simm.s32 $0x200;
	[sflag:s13] =	ssyncset.done $0x0  }
.LBB2_6:
0x35: {  	s18 =	sshra.s32 s17, $0x2;
	[sflag:s13] =	ssyncadd.s32 $0xFFFFF800;
	p0 =	sne.s32 s17, $0x9C00  }
0x36: {  	[spmem:s2] =	stream.indirect.scatter.add.f32 [tilespmem:s12], [sflag:$0x1], $0x10, s18, s14, $0xb8;
	[tilespmem:$0x9000] =	vst v63  }
.Ltmp2:
0x37: {  	_ = 	snop;
	(pc) =	sbr.rel @p0 .LBB2_6-.Ltmp2, $4  }
0x38: {  	_ = 	snop  }
0x39: {  	s17 =	sadd.s32 $0x200, s17  }
0x3a: {  	_ =	swait.ge [sflag:s13], $0x800  }
0x3b: {  	[sflag:s13] =	ssyncset.done $0x0  }
0x3c: {  	s3 =	sadd.s32 $0x1, s3  }
0x3d: {  	[sflag:s13] =	ssyncadd.s32 $0xFFFFF800;
	p0 =	sne.s32 s3, s11  }
.Ltmp3:
0x3e: {  	[bflag:$0x0] =	sbarrier.arrive $0xFFFF;
	(pc) =	sbr.rel @p0 .LBB2_1-.Ltmp3, $4  }
0x3f: {  	[hbm:s10], [sflag:s15] =	dma.local [spmem:s16], $0x2800  }
0x40: {  	_ =	swait.ge [sflag:s13], $0x2800  }
0x41: {  	[sflag:s13] =	ssyncset.done $0x0  }
0x42: {  	[sflag:s13] =	ssyncadd.s32 $0xFFFFD800  }
0x43: {  	_ =	sfence.sel $0x180000  }
0x44: {  	[bflag:$0x0] =	sbarrier.arrive $0xFFFF  }
0x45: {  	p0 =	sne.s32 s0, $0x0;
	_ =	strace $0x90000047  }
0x46: {  	s0 =	sadd.s32 @!p0 $0x100000, s1;
	[bflag:$0x2] =	sbarrier.arrive $0xFFFF  }
0x47: {  	[sflag:s0] =	ssyncadd.tile.s32 @!p0 $0x1;
	_ =	shalt  }
.Lfunc_end2:
_tile_overlayer_lowered:
.L_overlay_start_2:
0x48: {  	(tag) =	ssettag $0x2  }
0x49: {  	s0 =	rddreg [dreg:$0x0];
	s2 =	stileid.u32  }
0x4a: {  	s1 =	rddreg [dreg:$0x1];
	p0 =	sne.s32 s2, $0x0  }
0x4b: {  	s3 =	rddreg [dreg:$0x2];
	[bflag:$0x3] =	sbarrier.arrive $0xFFFF;
	s2 =	simm.s32 @!p0 $0x1C01  }
0x4c: {  	[timem:s3], [sflag:s2] =	dma.local @!p0 [hbm:s0], s1  }
0x4d: {  	s0 =	simm.s32 @!p0 $0x1  }
0x4e: {  	_ =	swait.ge @!p0 [sflag:s0], s1  }
0x4f: {  	s1 =	ssub.s32 @!p0 $0x0, s1;
	[sflag:s0] =	ssyncset.done @!p0 $0x0  }
0x50: {  	[sflag:s0] =	ssyncadd.s32 @!p0 s1  }
0x51: {  	[bflag:$0x3] =	sbarrier.arrive $0xFFFF  }
0x52: {  	_ =	shalt  }

// kernel: kernel.13.cloned.1.call-start
scs
__scs_entry_jumppad:
0x0: {  	(pc) =	sbr.rel $0x88, $3  }
0x1: {  	(tag) =	ssettag $0x0;
	lr =	simm.s32 $0x1  }
0x2: {  	[smem:$0x3F96] =	sst lr;
	_ =	strace $0xD0000000  }
0x3: {  	_ = 	snop  }
0x4: {  	_ = 	snop  }
0x5: {  	_ = 	snop  }
0x6: {  	_ = 	snop  }
0x7: {  	_ = 	snop  }
__scs_overlays_trampoline_lowered:
0x8: {  	[smem:$0x3FA5] =	sst s0  }
0x9: {  	[smem:$0x3FA6] =	sst s1  }
0xa: {  	[smem:$0x3FA7] =	sst s2  }
0xb: {  	[smem:$0x3FA8] =	sst s3  }
0xc: {  	[smem:$0x3FA9] =	sst s4  }
0xd: {  	[smem:$0x3FAA] =	sst s5  }
0xe: {  	[smem:$0x3FAB] =	sst s6  }
0xf: {  	[smem:$0x3FAC] =	sst s7  }
0x10: {  	[smem:$0x3FAD] =	sst s8  }
0x11: {  	[smem:$0x3FAE] =	sst s9;
	s0 =	simm.s32 @!p0 $0x0  }
0x12: {  	s1 =	sld [smem:$0x3F94];
	s0 =	simm.s32 @p0 $0x1  }
0x13: {  	[smem:$0x3FAF] =	sst s0;
	s0 =	simm.s32 @!p1 $0x0  }
0x14: {  	s2 =	sld [smem:$0x3F93];
	s0 =	simm.s32 @p1 $0x1  }
0x15: {  	[smem:$0x3FB0] =	sst s0;
	s0 =	simm.s32 @!p2 $0x0  }
0x16: {  	s3 =	sld [smem:$0x3FDB];
	s0 =	simm.s32 @p2 $0x1  }
0x17: {  	s4 =	simm.s32 $0x1BF5;
	[smem:$0x3FB2] =	sst s0  }
0x18: {  	s0 =	sld [smem:$0x3F95];
	_ =	swait.ge [sflag:s4], $0x0  }
0x19: {  	s7 =	sld [smem:$0x3F96]  }
0x1a: {  	s8 =	sadd.s32 $0xFFFFE003, lr  }
0x1b: {  	s9 =	sadd.s32 $0xFFFFFEF7, lr;
	s5 =	simm.s32 $0xFFFFFFFF;
	p2 =	slt.u32 s8, $0xFFFFF086  }
0x1c: {  	p1 =	slt.u32 s9, $0xF7A;
	s5 =	simm.s32 @!p2 $0x0  }
0x1d: {  	s5 =	simm.s32 @p1 $0x1;
	p0 =	seq.s32 s7, s2  }
0x1e: {  	s7 =	smul.u32 @!p0 $0xF7A, s2;
	p2 =	seq.s32 @!p0 s5, $0x0  }
0x1f: {  	s9 =	smul.u32 $0xF7A, s1;
	s8 =	simm.s32 @!p0 $0x1BF5;
	p2 =	por !p2, p0  }
0x20: {  	[sflag:s8] =	ssyncset.s32 @!p0 $0xFFFFF086;
	s6 =	sadd.s32 @!p0 s3, s7;
	s7 =	simm.s32 @!p0 $0x108  }
0x21: {  	s3 =	sadd.s32 s3, s9;
	s6 =	sadd.s32 @!p0 $0x88, s6;
	s7 =	simm.s32 @p2 $0x1082  }
0x22: {  	[simem:s7], [sflag:s8] =	dma.local @!p0 [hbm:s6], $0xF7A  }
0x23: {  	s9 =	sor.u32 $0xD0000000, s2;
	s6 =	simm.s32 $0x108;
	_ =	swait.ge @!p0 [sflag:s8], $0x0  }
0x24: {  	s3 =	sadd.s32 $0x88, s3;
	s6 =	simm.s32 @!p1 $0x1082;
	[sflag:s4] =	ssyncset.s32 $0xFFFFF086  }
0x25: {  	[simem:s6], [sflag:s4] =	dma.local [hbm:s3], $0xF7A  }
0x26: {  	[smem:$0x3F96] =	sst s1;
	(tag) =	ssettag s2;
	_ =	strace s9  }
0x27: {  	s1 =	sld [smem:$0x3FA6]  }
0x28: {  	s2 =	sld [smem:$0x3FA7]  }
0x29: {  	s4 =	sld [smem:$0x3FA9]  }
0x2a: {  	p0 =	seq.s32 s5, $0x0;
	s5 =	sld [smem:$0x3FAA]  }
0x2b: {  	s6 =	sld [smem:$0x3FAB]  }
0x2c: {  	s7 =	sld [smem:$0x3FAC]  }
0x2d: {  	s3 =	simm.s32 $0x108;
	s8 =	sld [smem:$0x3FAD]  }
0x2e: {  	s3 =	simm.s32 @!p0 $0x1082;
	s9 =	sld [smem:$0x3FAE]  }
0x2f: {  	lr =	sadd.s32 s0, s3;
	s0 =	sld [smem:$0x3FA5]  }
0x30: {  	s3 =	sld [smem:$0x3FA8]  }
0x31: {  	[smem:$0x3FB1] =	sst s10  }
0x32: {  	s10 =	sld [smem:$0x3FAF];
	_ =	sdelay $0x3  }
0x33: {  	p0 =	seq.s32 s10, $0x1;
	s10 =	sld [smem:$0x3FB1];
	_ =	sdelay $0x3  }
0x34: {  	[smem:$0x3FB1] =	sst s10  }
0x35: {  	s10 =	sld [smem:$0x3FB0];
	_ =	sdelay $0x3  }
0x36: {  	p1 =	seq.s32 s10, $0x1;
	s10 =	sld [smem:$0x3FB1];
	_ =	sdelay $0x3  }
0x37: {  	[smem:$0x3FB1] =	sst s10  }
0x38: {  	s10 =	sld [smem:$0x3FB2]  }
0x39: {  	_ = 	snop;
	(pc) =	sbr.ind lr, $3  }
0x3a: {  	_ = 	snop  }
0x3b: {  	_ = 	snop  }
0x3c: {  	p2 =	seq.s32 s10, $0x1;
	s10 =	sld [smem:$0x3FB1]  }
0x3d: {  	_ =	shalt  }
0x3e: {  	_ =	shalt  }
0x3f: {  	_ =	shalt  }
0x40: {  	_ =	shalt  }
0x41: {  	_ =	shalt  }
0x42: {  	_ =	shalt  }
0x43: {  	_ =	shalt  }
0x44: {  	_ =	shalt  }
0x45: {  	_ =	shalt  }
0x46: {  	_ =	shalt  }
0x47: {  	_ =	shalt  }
0x48: {  	_ =	shalt  }
0x49: {  	_ =	shalt  }
0x4a: {  	_ =	shalt  }
0x4b: {  	_ =	shalt  }
0x4c: {  	_ =	shalt  }
0x4d: {  	_ =	shalt  }
0x4e: {  	_ =	shalt  }
0x4f: {  	_ =	shalt  }
0x50: {  	_ =	shalt  }
0x51: {  	_ =	shalt  }
0x52: {  	_ =	shalt  }
0x53: {  	_ =	shalt  }
0x54: {  	_ =	shalt  }
0x55: {  	_ =	shalt  }
0x56: {  	_ =	shalt  }
0x57: {  	_ =	shalt  }
0x58: {  	_ =	shalt  }
0x59: {  	_ =	shalt  }
0x5a: {  	_ =	shalt  }
0x5b: {  	_ =	shalt  }
0x5c: {  	_ =	shalt  }
0x5d: {  	_ =	shalt  }
0x5e: {  	_ =	shalt  }
0x5f: {  	_ =	shalt  }
0x60: {  	_ =	shalt  }
0x61: {  	_ =	shalt  }
0x62: {  	_ =	shalt  }
0x63: {  	_ =	shalt  }
0x64: {  	_ =	shalt  }
0x65: {  	_ =	shalt  }
0x66: {  	_ =	shalt  }
0x67: {  	_ =	shalt  }
0x68: {  	_ =	shalt  }
0x69: {  	_ =	shalt  }
0x6a: {  	_ =	shalt  }
0x6b: {  	_ =	shalt  }
0x6c: {  	_ =	shalt  }
0x6d: {  	_ =	shalt  }
0x6e: {  	_ =	shalt  }
0x6f: {  	_ =	shalt  }
0x70: {  	_ =	shalt  }
0x71: {  	_ =	shalt  }
0x72: {  	_ =	shalt  }
0x73: {  	_ =	shalt  }
0x74: {  	_ =	shalt  }
0x75: {  	_ =	shalt  }
0x76: {  	_ =	shalt  }
0x77: {  	_ =	shalt  }
0x78: {  	_ =	shalt  }
0x79: {  	_ =	shalt  }
0x7a: {  	_ =	shalt  }
0x7b: {  	_ =	shalt  }
0x7c: {  	_ =	shalt  }
0x7d: {  	_ =	shalt  }
0x7e: {  	_ =	shalt  }
0x7f: {  	_ =	shalt  }
0x80: {  	_ =	shalt  }
0x81: {  	_ =	shalt  }
0x82: {  	_ =	shalt  }
0x83: {  	_ =	shalt  }
0x84: {  	_ =	shalt  }
0x85: {  	_ =	shalt  }
0x86: {  	_ =	shalt  }
0x87: {  	_ =	shalt  }
.Lfunc_end0:
.L_simem_size_0:
called_computation.1_lowered:
.L_overlay_start_0:
0x88: {  	s2 =	sld [smem:$0x3FD9]  }
0x89: {  	s3 =	sld [smem:$0x3FFE];
	_ =	sdelay $0x1  }
0x8a: {  	s1 =	srdreg.scid  }
0x8b: {  	s0 =	sand.u32 $0x1, s1  }
0x8c: {  	s16 =	sshll.u32 s0, $0xA;
	s2 =	sadd.s32 s3, s2  }
0x8d: {  	s2 =	sadd.s32 s2, s16  }
0x8e: {  	[smem:$0x3FBD] =	sst s2  }
0x8f: {  	_ = 	snop  }
0x90: {  	(tm) =	ssettm $0x1  }
0x91: {  	s17 =	sld [smem:$0x3FFB];
	_ =	sdelay $0x3  }
0x92: {  	_ =	strace s17  }
0x93: {  	s2 =	sld [smem:$0x3FFC];
	_ =	sdelay $0x3  }
0x94: {  	_ =	strace s2  }
0x95: {  	s2 =	sld [smem:$0x3FFD];
	_ =	sdelay $0x3  }
0x96: {  	_ =	strace s2  }
0x97: {  	_ =	strace $0x8FFFFFFF  }
0x98: {  	s18 =	sld [smem:$0x3FDB];
	_ =	sdelay $0x1  }
0x99: {  	s19 =	simm.s32 $_scs_section_size  }
0x9a: {  	s4 =	simm.s32 $_size__tile_overlayer_lowered;
	s5 =	simm.s32 $_tile_overlayer_lowered  }
0x9b: {  	s22 =	simm.s32 $0x1BFF;
	s21 =	sshll.u32 s5, $0x1;
	s2 =	sadd.s32 s19, s18  }
0x9c: {  	s6 =	simm.s32 $0x0;
	s20 =	sshll.u32 s4, $0x1;
	s4 =	sadd.s32 s21, s2  }
0x9d: {  	[timem:s6], [sflag:s22] =	dma.local [hbm:s4], s20  }
0x9e: {  	_ =	swait.ge [sflag:s22], s20  }
0x9f: {  	s3 =	ssub.s32 $0x0, s20;
	[sflag:s22] =	ssyncset.done $0x0  }
0xa0: {  	[sflag:s22] =	ssyncadd.s32 s3;
	_ =	sdelay $0x1  }
0xa1: {  	s23 =	simm.s32 $0x1B8B  }
0xa2: {  	_ =	swait.ge [sflag:s23], $0x1  }
0xa3: {  	[sflag:s23] =	ssyncset.done $0x0  }
0xa4: {  	s25 =	simm.s32 $0x1B8E;
	s24 =	sld [smem:$0x3FFE];
	[sflag:s23] =	ssyncadd.s32 $0xFFFFFFFF  }
0xa5: {  	s26 =	simm.s32 $execute0_lowered;
	[smem:$0x3FD2] =	sst s25  }
0xa6: {  	s4 =	sshll.u32 s26, $0x1;
	_ =	strace $0x80000049;
	[dreg:$0x1] =	wrdreg $0xFFFFFFFF  }
0xa7: {  	s28 =	simm.s32 $_size_execute0_lowered;
	s2 =	sadd.s32 s2, s4;
	[dreg:$0x0] =	wrdreg $0x0  }
0xa8: {  	s4 =	sshll.u32 s28, $0x1;
	[dreg:$0x2] =	wrdreg s2  }
0xa9: {  	[dreg:$0x3] =	wrdreg s4  }
0xaa: {  	[dreg:$0x4] =	wrdreg $0xC0  }
0xab: {  	_ =	task [dreg:s6], $0x5FFFF  }
0xac: {  	[dreg:$0x1] =	wrdreg $0xFFFFFFFF  }
0xad: {  	[dreg:$0x0] =	wrdreg $0x60  }
0xae: {  	[dreg:$0x2] =	wrdreg s24  }
0xaf: {  	[dreg:$0x3] =	wrdreg $0x90000  }
0xb0: {  	[dreg:$0x4] =	wrdreg $0x9  }
0xb1: {  	_ =	task.clear_ibuf [dreg:s6], $0x5FFFF;
	_ =	strace $0x90000049  }
0xb2: {  	s29 =	simm.s32 $0x9;
	_ =	strace $0x8000004B  }
0xb3: {  	_ =	swait.ge [sflag:s29], $0x1  }
0xb4: {  	[sflag:s29] =	ssyncadd.s32 $0xFFFFFFFF  }
0xb5: {  	_ =	strace $0x9000004B  }
0xb6: {  	_ =	sfence  }
0xb7: {  	s30 =	sld [smem:$0x0];
	_ =	sdelay $0x2  }
0xb8: {  	s31 =	sshll.u32 s1, $0xD;
	s1 =	sshrl.u32 s1, $0x2  }
0xb9: {  	s3 =	sand.u32 $0x4000, s31;
	s1 =	sadd.s32 s1, s30  }
0xba: {  	s0 =	sor.u32 s3, s0;
	s1 =	sshll.u32 s1, $0x11  }
0xbb: {  	s0 =	sor.u32 s1, s0  }
0xbc: {  	s0 =	sadd.s32 $0x8F2B, s0  }
0xbd: {  	[sflag:s0] =	ssyncadd.remote.s32 $0x1  }
0xbe: {  	_ =	sfence.sel $0xFFFF  }
0xbf: {  	[dreg:$0x0] =	wrdreg $0xFFFFFFFF;
	(pc) =	sbr.abs _section_cstart, $3  }
0xc0: {  	[dreg:$0x1] =	wrdreg $0xFFFFFFFF  }
0xc1: {  	_ =	task.clear_ibuf [dreg:s6], $0x2FFFF;
	_ =	strace $0x9FFFFFFF  }
0xc2: {  	(tm) =	ssettm $0x7FFFFFFF  }
0xc3: {  	_ =	shalt  }
tec
execute0_lowered:
.L_overlay_start_1:
0x0: {  	(tag) =	ssettag $0x1  }
0x1: {  	s1 =	srdreg.scid;
	s6 =	rddreg [dreg:$0x0]  }
0x2: {  	s0 =	stileid.u32;
	s2 =	rddreg [dreg:$0x1]  }
0x3: {  	s3 =	simm.s32 $0x0;
	s14 =	simm.s32 $0x5000;
	s15 =	simm.s32 $0x2  }
0x4: {  	s16 =	simm.s32 $0x2800;
	s17 =	simm.s32 $0x80;
	s18 =	simm.s32 $0x1  }
0x5: {  	s5 =	sand.u32 $0x1, s1;
	s28 =	sshll.u32 s0, $0x1;
	s8 =	smul.u32 $0x2800, s0  }
0x6: {  	[smem:$0x7FF] =	sst s3;
	s9 =	smul.u32 $0x50000, s0;
	s4 =	sadd.s32 $0xEC00, s6  }
0x7: {  	s19 =	sshll.u32 s0, $0x6;
	s1 =	sor.u32 s5, s28;
	s10 =	smul.u32 $0x28000, s5  }
0x8: {  	s29 =	ssub.s32 $0x2, s5;
	s19 =	sor.u32 $0x1C02, s19;
	s7 =	smul.u32 $0x500, s1  }
0x9: {  	s1 =	rddreg [dreg:$0x2];
	_ =	strace $0x8000004A;
	s30 =	sshrl.u32 s9, $0x2  }
0xa: {  	s31 =	sshrl.u32 s29, $0x1;
	s8 =	sadd.s32 s8, s10;
	s5 =	sadd.s32 s30, s2  }
0xb: {  	s13 =	ssub.s32 s29, s31;
	s11 =	sadd.s32 s7, s6;
	s12 =	sadd.s32 s8, s6  }
0xc: {  	s6 =	sadd.s32 $0x4000, s5;
	s7 =	sadd.s32 $0x8000, s5;
	s8 =	sadd.s32 $0xC000, s5  }
0xd: {  	s9 =	sadd.s32 $0x10000, s5;
	s13 =	smax.u32 s13, $0x1;
	s20 =	sshrl.u32 s5, $0x3  }
0xe: {  	v0 =	vimm.f32 $0.0e+00;
	s10 =	sadd.s32 $0x5EC00, s11;
	s11 =	sadd.s32 $0x4C00, s11;
	s12 =	sadd.s32 $0x68C00, s12  }
.LBB2_1:
0xf: {  	s21 =	simm.s32 $0x0;
	s22 =	simm.s32 $0x200  }
.LBB2_2:
0x10: {  	p0 =	sne.s32 s22, $0xFE00;
	[tilespmem:s21+$0x5070] =	vst v0  }
0x11: {  	[tilespmem:s21+$0x5000] =	vst v0  }
0x12: {  	[tilespmem:s21+$0x5010] =	vst v0  }
.Ltmp0:
0x13: {  	[tilespmem:s21+$0x5020] =	vst v0;
	(pc) =	sbr.rel @p0 .LBB2_2-.Ltmp0, $4  }
0x14: {  	[tilespmem:s21+$0x5030] =	vst v0  }
0x15: {  	[tilespmem:s21+$0x5040] =	vst v0  }
0x16: {  	[tilespmem:s21+$0x5050] =	vst v0  }
0x17: {  	[tilespmem:s21+$0x5060] =	vst v0;
	s21 =	sshra.s32 s22, $0x2;
	s22 =	sadd.s32 $0x200, s22  }
0x18: {  	[tilespmem:s21+$0x5070] =	vst v0  }
0x19: {  	[tilespmem:s21+$0x5000] =	vst v0  }
0x1a: {  	[tilespmem:s21+$0x5010] =	vst v0  }
0x1b: {  	[tilespmem:s21+$0x5020] =	vst v0  }
0x1c: {  	[tilespmem:s21+$0x5030] =	vst v0  }
0x1d: {  	[tilespmem:s21+$0x5040] =	vst v0  }
0x1e: {  	[tilespmem:s21+$0x5050] =	vst v0  }
0x1f: {  	[tilespmem:s21+$0x5060] =	vst v0  }
0x20: {  	[spmem:s5] =	stream.linear.scatter [tilespmem:s14], [sflag:$0x2], $0x4000, $0x38;
	[tilespmem:$0x1D000] =	vst v63  }
0x21: {  	_ =	swait.ge [sflag:s15], $0x4000  }
0x22: {  	[sflag:s15] =	ssyncset.done $0x0  }
0x23: {  	[sflag:s15] =	ssyncadd.s32 $0xFFFFC000  }
0x24: {  	[spmem:s6] =	stream.linear.scatter [tilespmem:s14], [sflag:$0x2], $0x4000, $0x38;
	[tilespmem:$0x1D000] =	vst v63  }
0x25: {  	_ =	swait.ge [sflag:s15], $0x4000  }
0x26: {  	[sflag:s15] =	ssyncset.done $0x0  }
0x27: {  	[sflag:s15] =	ssyncadd.s32 $0xFFFFC000  }
0x28: {  	[spmem:s7] =	stream.linear.scatter [tilespmem:s14], [sflag:$0x2], $0x4000, $0x38;
	[tilespmem:$0x1D000] =	vst v63  }
0x29: {  	_ =	swait.ge [sflag:s15], $0x4000  }
0x2a: {  	[sflag:s15] =	ssyncset.done $0x0  }
0x2b: {  	[sflag:s15] =	ssyncadd.s32 $0xFFFFC000  }
0x2c: {  	[spmem:s8] =	stream.linear.scatter [tilespmem:s14], [sflag:$0x2], $0x4000, $0x38;
	[tilespmem:$0x1D000] =	vst v63  }
0x2d: {  	_ =	swait.ge [sflag:s15], $0x4000  }
0x2e: {  	[sflag:s15] =	ssyncset.done $0x0  }
0x2f: {  	[sflag:s15] =	ssyncadd.s32 $0xFFFFC000  }
0x30: {  	[spmem:s9] =	stream.linear.scatter [tilespmem:s14], [sflag:$0x2], $0x4000, $0x38;
	[tilespmem:$0x1D000] =	vst v63  }
0x31: {  	_ =	swait.ge [sflag:s15], $0x4000  }
0x32: {  	[sflag:s15] =	ssyncset.done $0x0  }
0x33: {  	[sflag:s15] =	ssyncadd.s32 $0xFFFFC000  }
0x34: {  	s29 =	simm.s32 $0x0;
	[bflag:$0x0] =	sbarrier.arrive $0xFFFF  }
0x35: {  	[tilespmem:s29], [sflag:$0x2] =	stream.linear.gather [hbm4b:s10+s29], $0x2780, $0x38;
	[tilespmem:$0x1D000] =	vst v63  }
0x36: {  	_ =	swait.ge [sflag:s15], $0x2780  }
0x37: {  	[sflag:s15] =	ssyncset.done $0x0  }
0x38: {  	[sflag:s15] =	ssyncadd.s32 $0xFFFFD880  }
0x39: {  	[tilespmem:s16], [sflag:$0x2] =	stream.linear.gather [hbm4b:s11+s29], $0x2780, $0x38;
	[tilespmem:$0x1D000] =	vst v63  }
0x3a: {  	_ =	swait.ge [sflag:s15], $0x2780  }
0x3b: {  	[sflag:s15] =	ssyncset.done $0x0  }
0x3c: {  	s30 =	simm.s32 $0x0;
	[sflag:s15] =	ssyncadd.s32 $0xFFFFD880  }
0x3d: {  	[tilespmem:s14], [sflag:$0x1] =	stream.indirect.gather [hbm4b:s4+s17], $0x80, s30, s17, $0xb8;
	[tilespmem:$0x1D000] =	vst v63  }
0x3e: {  	_ =	swait.ge [sflag:s18], $0x4000  }
0x3f: {  	[sflag:s18] =	ssyncset.done $0x0  }
0x40: {  	s31 =	simm.s32 $0x2800;
	[sflag:s18] =	ssyncadd.s32 $0xFFFFC000  }
0x41: {  	[spmem:s2] =	stream.indirect.scatter.add.f32 [tilespmem:s14], [sflag:$0x2], $0x80, s31, s17, $0xb8;
	[tilespmem:$0x1D000] =	vst v63  }
0x42: {  	_ =	swait.ge [sflag:s15], $0x4000  }
0x43: {  	s21 =	simm.s32 $0x200;
	s22 =	simm.s32 $0x400;
	[sflag:s15] =	ssyncset.done $0x0  }
.LBB2_4:
0x44: {  	s23 =	sshra.s32 s21, $0x2  }
0x45: {  	[sflag:s15] =	ssyncadd.s32 $0xFFFFC000;
	s21 =	smov.u32 s22;
	s24 =	sadd.s32 $0x200, s22  }
0x46: {  	[tilespmem:s14], [sflag:$0x1] =	stream.indirect.gather [hbm4b:s4+s17], $0x80, s23, s17, $0xb8;
	[tilespmem:$0x1D000] =	vst v63  }
0x47: {  	p0 =	sne.s32 s22, $0x9C00;
	_ =	swait.ge [sflag:s18], $0x4000  }
.Ltmp1:
0x48: {  	[sflag:s18] =	ssyncset.done $0x0;
	(pc) =	sbr.rel @p0 .LBB2_4-.Ltmp1, $4  }
0x49: {  	s22 =	sadd.s32 $0x2800, s23;
	[sflag:s18] =	ssyncadd.s32 $0xFFFFC000  }
0x4a: {  	[spmem:s2] =	stream.indirect.scatter.add.f32 [tilespmem:s14], [sflag:$0x2], $0x80, s22, s17, $0xb8;
	[tilespmem:$0x1D000] =	vst v63  }
0x4b: {  	_ =	swait.ge [sflag:s15], $0x4000  }
0x4c: {  	s22 =	smov.u32 s24;
	[sflag:s15] =	ssyncset.done $0x0  }
0x4d: {  	s21 =	sshra.s32 s21, $0x2;
	[sflag:s15] =	ssyncadd.s32 $0xFFFFC000  }
0x4e: {  	[tilespmem:s14], [sflag:$0x1] =	stream.indirect.gather [hbm4b:s4+s17], $0x80, s21, s17, $0xb8;
	[tilespmem:$0x1D000] =	vst v63  }
0x4f: {  	_ =	swait.ge [sflag:s18], $0x4000  }
0x50: {  	[sflag:s18] =	ssyncset.done $0x0  }
0x51: {  	s21 =	sadd.s32 $0x2800, s21;
	[sflag:s18] =	ssyncadd.s32 $0xFFFFC000  }
0x52: {  	[spmem:s2] =	stream.indirect.scatter.add.f32 [tilespmem:s14], [sflag:$0x2], $0x80, s21, s17, $0xb8;
	[tilespmem:$0x1D000] =	vst v63  }
0x53: {  	_ =	swait.ge [sflag:s15], $0x4000  }
0x54: {  	s3 =	sadd.s32 $0x1, s3;
	[sflag:s15] =	ssyncset.done $0x0  }
0x55: {  	p0 =	sne.s32 s3, s13;
	[sflag:s15] =	ssyncadd.s32 $0xFFFFC000  }
.Ltmp2:
0x56: {  	[bflag:$0x0] =	sbarrier.arrive $0xFFFF;
	(pc) =	sbr.rel @p0 .LBB2_1-.Ltmp2, $4  }
0x57: {  	[hbm:s12], [sflag:s19] =	dma.local [spmem:s20], $0x2800  }
0x58: {  	_ =	swait.ge [sflag:s15], $0x2800  }
0x59: {  	[sflag:s15] =	ssyncset.done $0x0  }
0x5a: {  	[sflag:s15] =	ssyncadd.s32 $0xFFFFD800  }
0x5b: {  	_ =	sfence.sel $0x180000  }
0x5c: {  	[bflag:$0x0] =	sbarrier.arrive $0xFFFF  }
0x5d: {  	p0 =	sne.s32 s0, $0x0;
	_ =	strace $0x9000004A  }
0x5e: {  	s0 =	sadd.s32 @!p0 $0x100000, s1;
	[bflag:$0x2] =	sbarrier.arrive $0xFFFF  }
0x5f: {  	[sflag:s0] =	ssyncadd.tile.s32 @!p0 $0x1;
	_ =	shalt  }
.Lfunc_end2:
_tile_overlayer_lowered:
.L_overlay_start_2:
0x60: {  	(tag) =	ssettag $0x2  }
0x61: {  	s0 =	rddreg [dreg:$0x0];
	s2 =	stileid.u32  }
0x62: {  	s1 =	rddreg [dreg:$0x1];
	p0 =	sne.s32 s2, $0x0  }
0x63: {  	s3 =	rddreg [dreg:$0x2];
	[bflag:$0x3] =	sbarrier.arrive $0xFFFF;
	s2 =	simm.s32 @!p0 $0x1C02  }
0x64: {  	[timem:s3], [sflag:s2] =	dma.local @!p0 [hbm:s0], s1  }
0x65: {  	s0 =	simm.s32 @!p0 $0x2  }
0x66: {  	_ =	swait.ge @!p0 [sflag:s0], s1  }
0x67: {  	s1 =	ssub.s32 @!p0 $0x0, s1;
	[sflag:s0] =	ssyncset.done @!p0 $0x0  }
0x68: {  	[sflag:s0] =	ssyncadd.s32 @!p0 s1  }
0x69: {  	[bflag:$0x3] =	sbarrier.arrive $0xFFFF  }
0x6a: {  	_ =	shalt  }

// kernel: kernel.16.cloned.1.call-start
scs
__scs_entry_jumppad:
0x0: {  	(pc) =	sbr.rel $0x88, $3  }
0x1: {  	(tag) =	ssettag $0x0;
	lr =	simm.s32 $0x1  }
0x2: {  	[smem:$0x3F96] =	sst lr;
	_ =	strace $0xD0000000  }
0x3: {  	_ = 	snop  }
0x4: {  	_ = 	snop  }
0x5: {  	_ = 	snop  }
0x6: {  	_ = 	snop  }
0x7: {  	_ = 	snop  }
__scs_overlays_trampoline_lowered:
0x8: {  	[smem:$0x3FA5] =	sst s0  }
0x9: {  	[smem:$0x3FA6] =	sst s1  }
0xa: {  	[smem:$0x3FA7] =	sst s2  }
0xb: {  	[smem:$0x3FA8] =	sst s3  }
0xc: {  	[smem:$0x3FA9] =	sst s4  }
0xd: {  	[smem:$0x3FAA] =	sst s5  }
0xe: {  	[smem:$0x3FAB] =	sst s6  }
0xf: {  	[smem:$0x3FAC] =	sst s7  }
0x10: {  	[smem:$0x3FAD] =	sst s8  }
0x11: {  	[smem:$0x3FAE] =	sst s9;
	s0 =	simm.s32 @!p0 $0x0  }
0x12: {  	s1 =	sld [smem:$0x3F94];
	s0 =	simm.s32 @p0 $0x1  }
0x13: {  	[smem:$0x3FAF] =	sst s0;
	s0 =	simm.s32 @!p1 $0x0  }
0x14: {  	s2 =	sld [smem:$0x3F93];
	s0 =	simm.s32 @p1 $0x1  }
0x15: {  	[smem:$0x3FB0] =	sst s0;
	s0 =	simm.s32 @!p2 $0x0  }
0x16: {  	s3 =	sld [smem:$0x3FDB];
	s0 =	simm.s32 @p2 $0x1  }
0x17: {  	s4 =	simm.s32 $0x1BF5;
	[smem:$0x3FB2] =	sst s0  }
0x18: {  	s0 =	sld [smem:$0x3F95];
	_ =	swait.ge [sflag:s4], $0x0  }
0x19: {  	s7 =	sld [smem:$0x3F96]  }
0x1a: {  	s8 =	sadd.s32 $0xFFFFE003, lr  }
0x1b: {  	s9 =	sadd.s32 $0xFFFFFEF7, lr;
	s5 =	simm.s32 $0xFFFFFFFF;
	p2 =	slt.u32 s8, $0xFFFFF086  }
0x1c: {  	p1 =	slt.u32 s9, $0xF7A;
	s5 =	simm.s32 @!p2 $0x0  }
0x1d: {  	s5 =	simm.s32 @p1 $0x1;
	p0 =	seq.s32 s7, s2  }
0x1e: {  	s7 =	smul.u32 @!p0 $0xF7A, s2;
	p2 =	seq.s32 @!p0 s5, $0x0  }
0x1f: {  	s9 =	smul.u32 $0xF7A, s1;
	s8 =	simm.s32 @!p0 $0x1BF5;
	p2 =	por !p2, p0  }
0x20: {  	[sflag:s8] =	ssyncset.s32 @!p0 $0xFFFFF086;
	s6 =	sadd.s32 @!p0 s3, s7;
	s7 =	simm.s32 @!p0 $0x108  }
0x21: {  	s3 =	sadd.s32 s3, s9;
	s6 =	sadd.s32 @!p0 $0x88, s6;
	s7 =	simm.s32 @p2 $0x1082  }
0x22: {  	[simem:s7], [sflag:s8] =	dma.local @!p0 [hbm:s6], $0xF7A  }
0x23: {  	s9 =	sor.u32 $0xD0000000, s2;
	s6 =	simm.s32 $0x108;
	_ =	swait.ge @!p0 [sflag:s8], $0x0  }
0x24: {  	s3 =	sadd.s32 $0x88, s3;
	s6 =	simm.s32 @!p1 $0x1082;
	[sflag:s4] =	ssyncset.s32 $0xFFFFF086  }
0x25: {  	[simem:s6], [sflag:s4] =	dma.local [hbm:s3], $0xF7A  }
0x26: {  	[smem:$0x3F96] =	sst s1;
	(tag) =	ssettag s2;
	_ =	strace s9  }
0x27: {  	s1 =	sld [smem:$0x3FA6]  }
0x28: {  	s2 =	sld [smem:$0x3FA7]  }
0x29: {  	s4 =	sld [smem:$0x3FA9]  }
0x2a: {  	p0 =	seq.s32 s5, $0x0;
	s5 =	sld [smem:$0x3FAA]  }
0x2b: {  	s6 =	sld [smem:$0x3FAB]  }
0x2c: {  	s7 =	sld [smem:$0x3FAC]  }
0x2d: {  	s3 =	simm.s32 $0x108;
	s8 =	sld [smem:$0x3FAD]  }
0x2e: {  	s3 =	simm.s32 @!p0 $0x1082;
	s9 =	sld [smem:$0x3FAE]  }
0x2f: {  	lr =	sadd.s32 s0, s3;
	s0 =	sld [smem:$0x3FA5]  }
0x30: {  	s3 =	sld [smem:$0x3FA8]  }
0x31: {  	[smem:$0x3FB1] =	sst s10  }
0x32: {  	s10 =	sld [smem:$0x3FAF];
	_ =	sdelay $0x3  }
0x33: {  	p0 =	seq.s32 s10, $0x1;
	s10 =	sld [smem:$0x3FB1];
	_ =	sdelay $0x3  }
0x34: {  	[smem:$0x3FB1] =	sst s10  }
0x35: {  	s10 =	sld [smem:$0x3FB0];
	_ =	sdelay $0x3  }
0x36: {  	p1 =	seq.s32 s10, $0x1;
	s10 =	sld [smem:$0x3FB1];
	_ =	sdelay $0x3  }
0x37: {  	[smem:$0x3FB1] =	sst s10  }
0x38: {  	s10 =	sld [smem:$0x3FB2]  }
0x39: {  	_ = 	snop;
	(pc) =	sbr.ind lr, $3  }
0x3a: {  	_ = 	snop  }
0x3b: {  	_ = 	snop  }
0x3c: {  	p2 =	seq.s32 s10, $0x1;
	s10 =	sld [smem:$0x3FB1]  }
0x3d: {  	_ =	shalt  }
0x3e: {  	_ =	shalt  }
0x3f: {  	_ =	shalt  }
0x40: {  	_ =	shalt  }
0x41: {  	_ =	shalt  }
0x42: {  	_ =	shalt  }
0x43: {  	_ =	shalt  }
0x44: {  	_ =	shalt  }
0x45: {  	_ =	shalt  }
0x46: {  	_ =	shalt  }
0x47: {  	_ =	shalt  }
0x48: {  	_ =	shalt  }
0x49: {  	_ =	shalt  }
0x4a: {  	_ =	shalt  }
0x4b: {  	_ =	shalt  }
0x4c: {  	_ =	shalt  }
0x4d: {  	_ =	shalt  }
0x4e: {  	_ =	shalt  }
0x4f: {  	_ =	shalt  }
0x50: {  	_ =	shalt  }
0x51: {  	_ =	shalt  }
0x52: {  	_ =	shalt  }
0x53: {  	_ =	shalt  }
0x54: {  	_ =	shalt  }
0x55: {  	_ =	shalt  }
0x56: {  	_ =	shalt  }
0x57: {  	_ =	shalt  }
0x58: {  	_ =	shalt  }
0x59: {  	_ =	shalt  }
0x5a: {  	_ =	shalt  }
0x5b: {  	_ =	shalt  }
0x5c: {  	_ =	shalt  }
0x5d: {  	_ =	shalt  }
0x5e: {  	_ =	shalt  }
0x5f: {  	_ =	shalt  }
0x60: {  	_ =	shalt  }
0x61: {  	_ =	shalt  }
0x62: {  	_ =	shalt  }
0x63: {  	_ =	shalt  }
0x64: {  	_ =	shalt  }
0x65: {  	_ =	shalt  }
0x66: {  	_ =	shalt  }
0x67: {  	_ =	shalt  }
0x68: {  	_ =	shalt  }
0x69: {  	_ =	shalt  }
0x6a: {  	_ =	shalt  }
0x6b: {  	_ =	shalt  }
0x6c: {  	_ =	shalt  }
0x6d: {  	_ =	shalt  }
0x6e: {  	_ =	shalt  }
0x6f: {  	_ =	shalt  }
0x70: {  	_ =	shalt  }
0x71: {  	_ =	shalt  }
0x72: {  	_ =	shalt  }
0x73: {  	_ =	shalt  }
0x74: {  	_ =	shalt  }
0x75: {  	_ =	shalt  }
0x76: {  	_ =	shalt  }
0x77: {  	_ =	shalt  }
0x78: {  	_ =	shalt  }
0x79: {  	_ =	shalt  }
0x7a: {  	_ =	shalt  }
0x7b: {  	_ =	shalt  }
0x7c: {  	_ =	shalt  }
0x7d: {  	_ =	shalt  }
0x7e: {  	_ =	shalt  }
0x7f: {  	_ =	shalt  }
0x80: {  	_ =	shalt  }
0x81: {  	_ =	shalt  }
0x82: {  	_ =	shalt  }
0x83: {  	_ =	shalt  }
0x84: {  	_ =	shalt  }
0x85: {  	_ =	shalt  }
0x86: {  	_ =	shalt  }
0x87: {  	_ =	shalt  }
.Lfunc_end0:
.L_simem_size_0:
called_computation.2_lowered:
.L_overlay_start_0:
0x88: {  	s2 =	sld [smem:$0x3FD9]  }
0x89: {  	s3 =	sld [smem:$0x3FFE];
	_ =	sdelay $0x1  }
0x8a: {  	s1 =	srdreg.scid  }
0x8b: {  	s0 =	sand.u32 $0x1, s1  }
0x8c: {  	s16 =	sshll.u32 s0, $0xA;
	s2 =	sadd.s32 s3, s2  }
0x8d: {  	s2 =	sadd.s32 s2, s16  }
0x8e: {  	[smem:$0x3FBD] =	sst s2  }
0x8f: {  	_ = 	snop  }
0x90: {  	(tm) =	ssettm $0x1  }
0x91: {  	s17 =	sld [smem:$0x3FFB];
	_ =	sdelay $0x3  }
0x92: {  	_ =	strace s17  }
0x93: {  	s2 =	sld [smem:$0x3FFC];
	_ =	sdelay $0x3  }
0x94: {  	_ =	strace s2  }
0x95: {  	s2 =	sld [smem:$0x3FFD];
	_ =	sdelay $0x3  }
0x96: {  	_ =	strace s2  }
0x97: {  	_ =	strace $0x8FFFFFFF  }
0x98: {  	s18 =	sld [smem:$0x3FDB];
	_ =	sdelay $0x1  }
0x99: {  	s19 =	simm.s32 $_scs_section_size  }
0x9a: {  	s4 =	simm.s32 $_size__tile_overlayer_lowered;
	s5 =	simm.s32 $_tile_overlayer_lowered  }
0x9b: {  	s22 =	simm.s32 $0x1BFF;
	s21 =	sshll.u32 s5, $0x1;
	s2 =	sadd.s32 s19, s18  }
0x9c: {  	s6 =	simm.s32 $0x0;
	s20 =	sshll.u32 s4, $0x1;
	s4 =	sadd.s32 s21, s2  }
0x9d: {  	[timem:s6], [sflag:s22] =	dma.local [hbm:s4], s20  }
0x9e: {  	_ =	swait.ge [sflag:s22], s20  }
0x9f: {  	s3 =	ssub.s32 $0x0, s20;
	[sflag:s22] =	ssyncset.done $0x0  }
0xa0: {  	[sflag:s22] =	ssyncadd.s32 s3;
	_ =	sdelay $0x1  }
0xa1: {  	s23 =	simm.s32 $0x1B8B  }
0xa2: {  	_ =	swait.ge [sflag:s23], $0x1  }
0xa3: {  	[sflag:s23] =	ssyncset.done $0x0  }
0xa4: {  	s25 =	simm.s32 $0x1B8E;
	s24 =	sld [smem:$0x3FFE];
	[sflag:s23] =	ssyncadd.s32 $0xFFFFFFFF  }
0xa5: {  	s26 =	simm.s32 $execute0_lowered;
	[smem:$0x3FD2] =	sst s25  }
0xa6: {  	s4 =	sshll.u32 s26, $0x1;
	_ =	strace $0x8000004C;
	[dreg:$0x1] =	wrdreg $0xFFFFFFFF  }
0xa7: {  	s28 =	simm.s32 $_size_execute0_lowered;
	s2 =	sadd.s32 s2, s4;
	[dreg:$0x0] =	wrdreg $0x0  }
0xa8: {  	s4 =	sshll.u32 s28, $0x1;
	[dreg:$0x2] =	wrdreg s2  }
0xa9: {  	[dreg:$0x3] =	wrdreg s4  }
0xaa: {  	[dreg:$0x4] =	wrdreg $0xC0  }
0xab: {  	_ =	task [dreg:s6], $0x5FFFF  }
0xac: {  	[dreg:$0x1] =	wrdreg $0xFFFFFFFF  }
0xad: {  	[dreg:$0x0] =	wrdreg $0x60  }
0xae: {  	[dreg:$0x2] =	wrdreg s24  }
0xaf: {  	[dreg:$0x3] =	wrdreg $0x90000  }
0xb0: {  	[dreg:$0x4] =	wrdreg $0x9  }
0xb1: {  	_ =	task.clear_ibuf [dreg:s6], $0x5FFFF;
	_ =	strace $0x9000004C  }
0xb2: {  	s29 =	simm.s32 $0x9;
	_ =	strace $0x8000004E  }
0xb3: {  	_ =	swait.ge [sflag:s29], $0x1  }
0xb4: {  	[sflag:s29] =	ssyncadd.s32 $0xFFFFFFFF  }
0xb5: {  	_ =	strace $0x9000004E  }
0xb6: {  	_ =	sfence  }
0xb7: {  	s30 =	sld [smem:$0x0];
	_ =	sdelay $0x2  }
0xb8: {  	s31 =	sshll.u32 s1, $0xD;
	s1 =	sshrl.u32 s1, $0x2  }
0xb9: {  	s3 =	sand.u32 $0x4000, s31;
	s1 =	sadd.s32 s1, s30  }
0xba: {  	s0 =	sor.u32 s3, s0;
	s1 =	sshll.u32 s1, $0x11  }
0xbb: {  	s0 =	sor.u32 s1, s0  }
0xbc: {  	s0 =	sadd.s32 $0x8F2B, s0  }
0xbd: {  	[sflag:s0] =	ssyncadd.remote.s32 $0x1  }
0xbe: {  	_ =	sfence.sel $0xFFFF  }
0xbf: {  	[dreg:$0x0] =	wrdreg $0xFFFFFFFF;
	(pc) =	sbr.abs _section_cstart, $3  }
0xc0: {  	[dreg:$0x1] =	wrdreg $0xFFFFFFFF  }
0xc1: {  	_ =	task.clear_ibuf [dreg:s6], $0x2FFFF;
	_ =	strace $0x9FFFFFFF  }
0xc2: {  	(tm) =	ssettm $0x7FFFFFFF  }
0xc3: {  	_ =	shalt  }
tec
execute0_lowered:
.L_overlay_start_1:
0x0: {  	(tag) =	ssettag $0x1  }
0x1: {  	s1 =	srdreg.scid;
	s6 =	rddreg [dreg:$0x0]  }
0x2: {  	s0 =	stileid.u32;
	s2 =	rddreg [dreg:$0x1]  }
0x3: {  	s3 =	simm.s32 $0x0;
	s14 =	simm.s32 $0x5000;
	s15 =	simm.s32 $0x2  }
0x4: {  	s16 =	simm.s32 $0x2800;
	s17 =	simm.s32 $0x80;
	s18 =	simm.s32 $0x1  }
0x5: {  	s5 =	sand.u32 $0x1, s1;
	s28 =	sshll.u32 s0, $0x1;
	s8 =	smul.u32 $0x2800, s0  }
0x6: {  	[smem:$0x7FF] =	sst s3;
	s9 =	smul.u32 $0x50000, s0;
	s4 =	sadd.s32 $0xEC00, s6  }
0x7: {  	s19 =	sshll.u32 s0, $0x6;
	s1 =	sor.u32 s5, s28;
	s10 =	smul.u32 $0x28000, s5  }
0x8: {  	s29 =	ssub.s32 $0x2, s5;
	s19 =	sor.u32 $0x1C02, s19;
	s7 =	smul.u32 $0x500, s1  }
0x9: {  	s1 =	rddreg [dreg:$0x2];
	_ =	strace $0x8000004D;
	s30 =	sshrl.u32 s9, $0x2  }
0xa: {  	s31 =	sshrl.u32 s29, $0x1;
	s8 =	sadd.s32 s8, s10;
	s5 =	sadd.s32 s30, s2  }
0xb: {  	s13 =	ssub.s32 s29, s31;
	s11 =	sadd.s32 s7, s6;
	s12 =	sadd.s32 s8, s6  }
0xc: {  	s6 =	sadd.s32 $0x4000, s5;
	s7 =	sadd.s32 $0x8000, s5;
	s8 =	sadd.s32 $0xC000, s5  }
0xd: {  	s9 =	sadd.s32 $0x10000, s5;
	s13 =	smax.u32 s13, $0x1;
	s20 =	sshrl.u32 s5, $0x3  }
0xe: {  	v0 =	vimm.f32 $0.0e+00;
	s10 =	sadd.s32 $0x5EC00, s11;
	s11 =	sadd.s32 $0x4C00, s11;
	s12 =	sadd.s32 $0x68C00, s12  }
.LBB2_1:
0xf: {  	s21 =	simm.s32 $0x0;
	s22 =	simm.s32 $0x200  }
.LBB2_2:
0x10: {  	p0 =	sne.s32 s22, $0xFE00;
	[tilespmem:s21+$0x5070] =	vst v0  }
0x11: {  	[tilespmem:s21+$0x5000] =	vst v0  }
0x12: {  	[tilespmem:s21+$0x5010] =	vst v0  }
.Ltmp0:
0x13: {  	[tilespmem:s21+$0x5020] =	vst v0;
	(pc) =	sbr.rel @p0 .LBB2_2-.Ltmp0, $4  }
0x14: {  	[tilespmem:s21+$0x5030] =	vst v0  }
0x15: {  	[tilespmem:s21+$0x5040] =	vst v0  }
0x16: {  	[tilespmem:s21+$0x5050] =	vst v0  }
0x17: {  	[tilespmem:s21+$0x5060] =	vst v0;
	s21 =	sshra.s32 s22, $0x2;
	s22 =	sadd.s32 $0x200, s22  }
0x18: {  	[tilespmem:s21+$0x5070] =	vst v0  }
0x19: {  	[tilespmem:s21+$0x5000] =	vst v0  }
0x1a: {  	[tilespmem:s21+$0x5010] =	vst v0  }
0x1b: {  	[tilespmem:s21+$0x5020] =	vst v0  }
0x1c: {  	[tilespmem:s21+$0x5030] =	vst v0  }
0x1d: {  	[tilespmem:s21+$0x5040] =	vst v0  }
0x1e: {  	[tilespmem:s21+$0x5050] =	vst v0  }
0x1f: {  	[tilespmem:s21+$0x5060] =	vst v0  }
0x20: {  	[spmem:s5] =	stream.linear.scatter [tilespmem:s14], [sflag:$0x2], $0x4000, $0x38;
	[tilespmem:$0x1D000] =	vst v63  }
0x21: {  	_ =	swait.ge [sflag:s15], $0x4000  }
0x22: {  	[sflag:s15] =	ssyncset.done $0x0  }
0x23: {  	[sflag:s15] =	ssyncadd.s32 $0xFFFFC000  }
0x24: {  	[spmem:s6] =	stream.linear.scatter [tilespmem:s14], [sflag:$0x2], $0x4000, $0x38;
	[tilespmem:$0x1D000] =	vst v63  }
0x25: {  	_ =	swait.ge [sflag:s15], $0x4000  }
0x26: {  	[sflag:s15] =	ssyncset.done $0x0  }
0x27: {  	[sflag:s15] =	ssyncadd.s32 $0xFFFFC000  }
0x28: {  	[spmem:s7] =	stream.linear.scatter [tilespmem:s14], [sflag:$0x2], $0x4000, $0x38;
	[tilespmem:$0x1D000] =	vst v63  }
0x29: {  	_ =	swait.ge [sflag:s15], $0x4000  }
0x2a: {  	[sflag:s15] =	ssyncset.done $0x0  }
0x2b: {  	[sflag:s15] =	ssyncadd.s32 $0xFFFFC000  }
0x2c: {  	[spmem:s8] =	stream.linear.scatter [tilespmem:s14], [sflag:$0x2], $0x4000, $0x38;
	[tilespmem:$0x1D000] =	vst v63  }
0x2d: {  	_ =	swait.ge [sflag:s15], $0x4000  }
0x2e: {  	[sflag:s15] =	ssyncset.done $0x0  }
0x2f: {  	[sflag:s15] =	ssyncadd.s32 $0xFFFFC000  }
0x30: {  	[spmem:s9] =	stream.linear.scatter [tilespmem:s14], [sflag:$0x2], $0x4000, $0x38;
	[tilespmem:$0x1D000] =	vst v63  }
0x31: {  	_ =	swait.ge [sflag:s15], $0x4000  }
0x32: {  	[sflag:s15] =	ssyncset.done $0x0  }
0x33: {  	[sflag:s15] =	ssyncadd.s32 $0xFFFFC000  }
0x34: {  	s29 =	simm.s32 $0x0;
	[bflag:$0x0] =	sbarrier.arrive $0xFFFF  }
0x35: {  	[tilespmem:s29], [sflag:$0x2] =	stream.linear.gather [hbm4b:s10+s29], $0x2780, $0x38;
	[tilespmem:$0x1D000] =	vst v63  }
0x36: {  	_ =	swait.ge [sflag:s15], $0x2780  }
0x37: {  	[sflag:s15] =	ssyncset.done $0x0  }
0x38: {  	[sflag:s15] =	ssyncadd.s32 $0xFFFFD880  }
0x39: {  	[tilespmem:s16], [sflag:$0x2] =	stream.linear.gather [hbm4b:s11+s29], $0x2780, $0x38;
	[tilespmem:$0x1D000] =	vst v63  }
0x3a: {  	_ =	swait.ge [sflag:s15], $0x2780  }
0x3b: {  	[sflag:s15] =	ssyncset.done $0x0  }
0x3c: {  	s30 =	simm.s32 $0x0;
	[sflag:s15] =	ssyncadd.s32 $0xFFFFD880  }
0x3d: {  	[tilespmem:s14], [sflag:$0x1] =	stream.indirect.gather [hbm4b:s4+s17], $0x80, s30, s17, $0xb8;
	[tilespmem:$0x1D000] =	vst v63  }
0x3e: {  	_ =	swait.ge [sflag:s18], $0x4000  }
0x3f: {  	[sflag:s18] =	ssyncset.done $0x0  }
0x40: {  	s31 =	simm.s32 $0x2800;
	[sflag:s18] =	ssyncadd.s32 $0xFFFFC000  }
0x41: {  	[spmem:s2] =	stream.indirect.scatter.add.f32 [tilespmem:s14], [sflag:$0x2], $0x80, s31, s17, $0xb8;
	[tilespmem:$0x1D000] =	vst v63  }
0x42: {  	_ =	swait.ge [sflag:s15], $0x4000  }
0x43: {  	s21 =	simm.s32 $0x200;
	s22 =	simm.s32 $0x400;
	[sflag:s15] =	ssyncset.done $0x0  }
.LBB2_4:
0x44: {  	s23 =	sshra.s32 s21, $0x2  }
0x45: {  	[sflag:s15] =	ssyncadd.s32 $0xFFFFC000;
	s21 =	smov.u32 s22;
	s24 =	sadd.s32 $0x200, s22  }
0x46: {  	[tilespmem:s14], [sflag:$0x1] =	stream.indirect.gather [hbm4b:s4+s17], $0x80, s23, s17, $0xb8;
	[tilespmem:$0x1D000] =	vst v63  }
0x47: {  	p0 =	sne.s32 s22, $0x9C00;
	_ =	swait.ge [sflag:s18], $0x4000  }
.Ltmp1:
0x48: {  	[sflag:s18] =	ssyncset.done $0x0;
	(pc) =	sbr.rel @p0 .LBB2_4-.Ltmp1, $4  }
0x49: {  	s22 =	sadd.s32 $0x2800, s23;
	[sflag:s18] =	ssyncadd.s32 $0xFFFFC000  }
0x4a: {  	[spmem:s2] =	stream.indirect.scatter.add.f32 [tilespmem:s14], [sflag:$0x2], $0x80, s22, s17, $0xb8;
	[tilespmem:$0x1D000] =	vst v63  }
0x4b: {  	_ =	swait.ge [sflag:s15], $0x4000  }
0x4c: {  	s22 =	smov.u32 s24;
	[sflag:s15] =	ssyncset.done $0x0  }
0x4d: {  	s21 =	sshra.s32 s21, $0x2;
	[sflag:s15] =	ssyncadd.s32 $0xFFFFC000  }
0x4e: {  	[tilespmem:s14], [sflag:$0x1] =	stream.indirect.gather [hbm4b:s4+s17], $0x80, s21, s17, $0xb8;
	[tilespmem:$0x1D000] =	vst v63  }
0x4f: {  	_ =	swait.ge [sflag:s18], $0x4000  }
0x50: {  	[sflag:s18] =	ssyncset.done $0x0  }
0x51: {  	s21 =	sadd.s32 $0x2800, s21;
	[sflag:s18] =	ssyncadd.s32 $0xFFFFC000  }
0x52: {  	[spmem:s2] =	stream.indirect.scatter.add.f32 [tilespmem:s14], [sflag:$0x2], $0x80, s21, s17, $0xb8;
	[tilespmem:$0x1D000] =	vst v63  }
0x53: {  	_ =	swait.ge [sflag:s15], $0x4000  }
0x54: {  	s3 =	sadd.s32 $0x1, s3;
	[sflag:s15] =	ssyncset.done $0x0  }
0x55: {  	p0 =	sne.s32 s3, s13;
	[sflag:s15] =	ssyncadd.s32 $0xFFFFC000  }
.Ltmp2:
0x56: {  	[bflag:$0x0] =	sbarrier.arrive $0xFFFF;
	(pc) =	sbr.rel @p0 .LBB2_1-.Ltmp2, $4  }
0x57: {  	[hbm:s12], [sflag:s19] =	dma.local [spmem:s20], $0x2800  }
0x58: {  	_ =	swait.ge [sflag:s15], $0x2800  }
0x59: {  	[sflag:s15] =	ssyncset.done $0x0  }
0x5a: {  	[sflag:s15] =	ssyncadd.s32 $0xFFFFD800  }
0x5b: {  	_ =	sfence.sel $0x180000  }
0x5c: {  	[bflag:$0x0] =	sbarrier.arrive $0xFFFF  }
0x5d: {  	p0 =	sne.s32 s0, $0x0;
	_ =	strace $0x9000004D  }
0x5e: {  	s0 =	sadd.s32 @!p0 $0x100000, s1;
	[bflag:$0x2] =	sbarrier.arrive $0xFFFF  }
0x5f: {  	[sflag:s0] =	ssyncadd.tile.s32 @!p0 $0x1;
	_ =	shalt  }
.Lfunc_end2:
_tile_overlayer_lowered:
.L_overlay_start_2:
0x60: {  	(tag) =	ssettag $0x2  }
0x61: {  	s0 =	rddreg [dreg:$0x0];
	s2 =	stileid.u32  }
0x62: {  	s1 =	rddreg [dreg:$0x1];
	p0 =	sne.s32 s2, $0x0  }
0x63: {  	s3 =	rddreg [dreg:$0x2];
	[bflag:$0x3] =	sbarrier.arrive $0xFFFF;
	s2 =	simm.s32 @!p0 $0x1C02  }
0x64: {  	[timem:s3], [sflag:s2] =	dma.local @!p0 [hbm:s0], s1  }
0x65: {  	s0 =	simm.s32 @!p0 $0x2  }
0x66: {  	_ =	swait.ge @!p0 [sflag:s0], s1  }
0x67: {  	s1 =	ssub.s32 @!p0 $0x0, s1;
	[sflag:s0] =	ssyncset.done @!p0 $0x0  }
0x68: {  	[sflag:s0] =	ssyncadd.s32 @!p0 s1  }
0x69: {  	[bflag:$0x3] =	sbarrier.arrive $0xFFFF  }
0x6a: {  	_ =	shalt  }

// kernel: kernel.19.cloned.1.call-start
scs
__scs_entry_jumppad:
0x0: {  	(pc) =	sbr.rel $0x88, $3  }
0x1: {  	(tag) =	ssettag $0x0;
	lr =	simm.s32 $0x1  }
0x2: {  	[smem:$0x3F96] =	sst lr;
	_ =	strace $0xD0000000  }
0x3: {  	_ = 	snop  }
0x4: {  	_ = 	snop  }
0x5: {  	_ = 	snop  }
0x6: {  	_ = 	snop  }
0x7: {  	_ = 	snop  }
__scs_overlays_trampoline_lowered:
0x8: {  	[smem:$0x3FA5] =	sst s0  }
0x9: {  	[smem:$0x3FA6] =	sst s1  }
0xa: {  	[smem:$0x3FA7] =	sst s2  }
0xb: {  	[smem:$0x3FA8] =	sst s3  }
0xc: {  	[smem:$0x3FA9] =	sst s4  }
0xd: {  	[smem:$0x3FAA] =	sst s5  }
0xe: {  	[smem:$0x3FAB] =	sst s6  }
0xf: {  	[smem:$0x3FAC] =	sst s7  }
0x10: {  	[smem:$0x3FAD] =	sst s8  }
0x11: {  	[smem:$0x3FAE] =	sst s9;
	s0 =	simm.s32 @!p0 $0x0  }
0x12: {  	s1 =	sld [smem:$0x3F94];
	s0 =	simm.s32 @p0 $0x1  }
0x13: {  	[smem:$0x3FAF] =	sst s0;
	s0 =	simm.s32 @!p1 $0x0  }
0x14: {  	s2 =	sld [smem:$0x3F93];
	s0 =	simm.s32 @p1 $0x1  }
0x15: {  	[smem:$0x3FB0] =	sst s0;
	s0 =	simm.s32 @!p2 $0x0  }
0x16: {  	s3 =	sld [smem:$0x3FDB];
	s0 =	simm.s32 @p2 $0x1  }
0x17: {  	s4 =	simm.s32 $0x1BF5;
	[smem:$0x3FB2] =	sst s0  }
0x18: {  	s0 =	sld [smem:$0x3F95];
	_ =	swait.ge [sflag:s4], $0x0  }
0x19: {  	s7 =	sld [smem:$0x3F96]  }
0x1a: {  	s8 =	sadd.s32 $0xFFFFE003, lr  }
0x1b: {  	s9 =	sadd.s32 $0xFFFFFEF7, lr;
	s5 =	simm.s32 $0xFFFFFFFF;
	p2 =	slt.u32 s8, $0xFFFFF086  }
0x1c: {  	p1 =	slt.u32 s9, $0xF7A;
	s5 =	simm.s32 @!p2 $0x0  }
0x1d: {  	s5 =	simm.s32 @p1 $0x1;
	p0 =	seq.s32 s7, s2  }
0x1e: {  	s7 =	smul.u32 @!p0 $0xF7A, s2;
	p2 =	seq.s32 @!p0 s5, $0x0  }
0x1f: {  	s9 =	smul.u32 $0xF7A, s1;
	s8 =	simm.s32 @!p0 $0x1BF5;
	p2 =	por !p2, p0  }
0x20: {  	[sflag:s8] =	ssyncset.s32 @!p0 $0xFFFFF086;
	s6 =	sadd.s32 @!p0 s3, s7;
	s7 =	simm.s32 @!p0 $0x108  }
0x21: {  	s3 =	sadd.s32 s3, s9;
	s6 =	sadd.s32 @!p0 $0x88, s6;
	s7 =	simm.s32 @p2 $0x1082  }
0x22: {  	[simem:s7], [sflag:s8] =	dma.local @!p0 [hbm:s6], $0xF7A  }
0x23: {  	s9 =	sor.u32 $0xD0000000, s2;
	s6 =	simm.s32 $0x108;
	_ =	swait.ge @!p0 [sflag:s8], $0x0  }
0x24: {  	s3 =	sadd.s32 $0x88, s3;
	s6 =	simm.s32 @!p1 $0x1082;
	[sflag:s4] =	ssyncset.s32 $0xFFFFF086  }
0x25: {  	[simem:s6], [sflag:s4] =	dma.local [hbm:s3], $0xF7A  }
0x26: {  	[smem:$0x3F96] =	sst s1;
	(tag) =	ssettag s2;
	_ =	strace s9  }
0x27: {  	s1 =	sld [smem:$0x3FA6]  }
0x28: {  	s2 =	sld [smem:$0x3FA7]  }
0x29: {  	s4 =	sld [smem:$0x3FA9]  }
0x2a: {  	p0 =	seq.s32 s5, $0x0;
	s5 =	sld [smem:$0x3FAA]  }
0x2b: {  	s6 =	sld [smem:$0x3FAB]  }
0x2c: {  	s7 =	sld [smem:$0x3FAC]  }
0x2d: {  	s3 =	simm.s32 $0x108;
	s8 =	sld [smem:$0x3FAD]  }
0x2e: {  	s3 =	simm.s32 @!p0 $0x1082;
	s9 =	sld [smem:$0x3FAE]  }
0x2f: {  	lr =	sadd.s32 s0, s3;
	s0 =	sld [smem:$0x3FA5]  }
0x30: {  	s3 =	sld [smem:$0x3FA8]  }
0x31: {  	[smem:$0x3FB1] =	sst s10  }
0x32: {  	s10 =	sld [smem:$0x3FAF];
	_ =	sdelay $0x3  }
0x33: {  	p0 =	seq.s32 s10, $0x1;
	s10 =	sld [smem:$0x3FB1];
	_ =	sdelay $0x3  }
0x34: {  	[smem:$0x3FB1] =	sst s10  }
0x35: {  	s10 =	sld [smem:$0x3FB0];
	_ =	sdelay $0x3  }
0x36: {  	p1 =	seq.s32 s10, $0x1;
	s10 =	sld [smem:$0x3FB1];
	_ =	sdelay $0x3  }
0x37: {  	[smem:$0x3FB1] =	sst s10  }
0x38: {  	s10 =	sld [smem:$0x3FB2]  }
0x39: {  	_ = 	snop;
	(pc) =	sbr.ind lr, $3  }
0x3a: {  	_ = 	snop  }
0x3b: {  	_ = 	snop  }
0x3c: {  	p2 =	seq.s32 s10, $0x1;
	s10 =	sld [smem:$0x3FB1]  }
0x3d: {  	_ =	shalt  }
0x3e: {  	_ =	shalt  }
0x3f: {  	_ =	shalt  }
0x40: {  	_ =	shalt  }
0x41: {  	_ =	shalt  }
0x42: {  	_ =	shalt  }
0x43: {  	_ =	shalt  }
0x44: {  	_ =	shalt  }
0x45: {  	_ =	shalt  }
0x46: {  	_ =	shalt  }
0x47: {  	_ =	shalt  }
0x48: {  	_ =	shalt  }
0x49: {  	_ =	shalt  }
0x4a: {  	_ =	shalt  }
0x4b: {  	_ =	shalt  }
0x4c: {  	_ =	shalt  }
0x4d: {  	_ =	shalt  }
0x4e: {  	_ =	shalt  }
0x4f: {  	_ =	shalt  }
0x50: {  	_ =	shalt  }
0x51: {  	_ =	shalt  }
0x52: {  	_ =	shalt  }
0x53: {  	_ =	shalt  }
0x54: {  	_ =	shalt  }
0x55: {  	_ =	shalt  }
0x56: {  	_ =	shalt  }
0x57: {  	_ =	shalt  }
0x58: {  	_ =	shalt  }
0x59: {  	_ =	shalt  }
0x5a: {  	_ =	shalt  }
0x5b: {  	_ =	shalt  }
0x5c: {  	_ =	shalt  }
0x5d: {  	_ =	shalt  }
0x5e: {  	_ =	shalt  }
0x5f: {  	_ =	shalt  }
0x60: {  	_ =	shalt  }
0x61: {  	_ =	shalt  }
0x62: {  	_ =	shalt  }
0x63: {  	_ =	shalt  }
0x64: {  	_ =	shalt  }
0x65: {  	_ =	shalt  }
0x66: {  	_ =	shalt  }
0x67: {  	_ =	shalt  }
0x68: {  	_ =	shalt  }
0x69: {  	_ =	shalt  }
0x6a: {  	_ =	shalt  }
0x6b: {  	_ =	shalt  }
0x6c: {  	_ =	shalt  }
0x6d: {  	_ =	shalt  }
0x6e: {  	_ =	shalt  }
0x6f: {  	_ =	shalt  }
0x70: {  	_ =	shalt  }
0x71: {  	_ =	shalt  }
0x72: {  	_ =	shalt  }
0x73: {  	_ =	shalt  }
0x74: {  	_ =	shalt  }
0x75: {  	_ =	shalt  }
0x76: {  	_ =	shalt  }
0x77: {  	_ =	shalt  }
0x78: {  	_ =	shalt  }
0x79: {  	_ =	shalt  }
0x7a: {  	_ =	shalt  }
0x7b: {  	_ =	shalt  }
0x7c: {  	_ =	shalt  }
0x7d: {  	_ =	shalt  }
0x7e: {  	_ =	shalt  }
0x7f: {  	_ =	shalt  }
0x80: {  	_ =	shalt  }
0x81: {  	_ =	shalt  }
0x82: {  	_ =	shalt  }
0x83: {  	_ =	shalt  }
0x84: {  	_ =	shalt  }
0x85: {  	_ =	shalt  }
0x86: {  	_ =	shalt  }
0x87: {  	_ =	shalt  }
.Lfunc_end0:
.L_simem_size_0:
called_computation.3_lowered:
.L_overlay_start_0:
0x88: {  	s2 =	sld [smem:$0x3FD9]  }
0x89: {  	s3 =	sld [smem:$0x3FFE];
	_ =	sdelay $0x1  }
0x8a: {  	s1 =	srdreg.scid  }
0x8b: {  	s0 =	sand.u32 $0x1, s1  }
0x8c: {  	s16 =	sshll.u32 s0, $0xA;
	s2 =	sadd.s32 s3, s2  }
0x8d: {  	s2 =	sadd.s32 s2, s16  }
0x8e: {  	[smem:$0x3FBD] =	sst s2  }
0x8f: {  	_ = 	snop  }
0x90: {  	(tm) =	ssettm $0x1  }
0x91: {  	s17 =	sld [smem:$0x3FFB];
	_ =	sdelay $0x3  }
0x92: {  	_ =	strace s17  }
0x93: {  	s2 =	sld [smem:$0x3FFC];
	_ =	sdelay $0x3  }
0x94: {  	_ =	strace s2  }
0x95: {  	s2 =	sld [smem:$0x3FFD];
	_ =	sdelay $0x3  }
0x96: {  	_ =	strace s2  }
0x97: {  	_ =	strace $0x8FFFFFFF  }
0x98: {  	s18 =	sld [smem:$0x3FDB];
	_ =	sdelay $0x1  }
0x99: {  	s19 =	simm.s32 $_scs_section_size  }
0x9a: {  	s4 =	simm.s32 $_size__tile_overlayer_lowered;
	s5 =	simm.s32 $_tile_overlayer_lowered  }
0x9b: {  	s22 =	simm.s32 $0x1BFF;
	s21 =	sshll.u32 s5, $0x1;
	s2 =	sadd.s32 s19, s18  }
0x9c: {  	s6 =	simm.s32 $0x0;
	s20 =	sshll.u32 s4, $0x1;
	s4 =	sadd.s32 s21, s2  }
0x9d: {  	[timem:s6], [sflag:s22] =	dma.local [hbm:s4], s20  }
0x9e: {  	_ =	swait.ge [sflag:s22], s20  }
0x9f: {  	s3 =	ssub.s32 $0x0, s20;
	[sflag:s22] =	ssyncset.done $0x0  }
0xa0: {  	[sflag:s22] =	ssyncadd.s32 s3;
	_ =	sdelay $0x1  }
0xa1: {  	s23 =	simm.s32 $0x1B8B  }
0xa2: {  	_ =	swait.ge [sflag:s23], $0x1  }
0xa3: {  	[sflag:s23] =	ssyncset.done $0x0  }
0xa4: {  	s25 =	simm.s32 $0x1B8E;
	s24 =	sld [smem:$0x3FFE];
	[sflag:s23] =	ssyncadd.s32 $0xFFFFFFFF  }
0xa5: {  	s26 =	simm.s32 $execute0_lowered;
	[smem:$0x3FD2] =	sst s25  }
0xa6: {  	s4 =	sshll.u32 s26, $0x1;
	_ =	strace $0x8000004F;
	[dreg:$0x1] =	wrdreg $0xFFFFFFFF  }
0xa7: {  	s28 =	simm.s32 $_size_execute0_lowered;
	s2 =	sadd.s32 s2, s4;
	[dreg:$0x0] =	wrdreg $0x0  }
0xa8: {  	s4 =	sshll.u32 s28, $0x1;
	[dreg:$0x2] =	wrdreg s2  }
0xa9: {  	[dreg:$0x3] =	wrdreg s4  }
0xaa: {  	[dreg:$0x4] =	wrdreg $0xC0  }
0xab: {  	_ =	task [dreg:s6], $0x5FFFF  }
0xac: {  	[dreg:$0x1] =	wrdreg $0xFFFFFFFF  }
0xad: {  	[dreg:$0x0] =	wrdreg $0x60  }
0xae: {  	[dreg:$0x2] =	wrdreg s24  }
0xaf: {  	[dreg:$0x3] =	wrdreg $0x90000  }
0xb0: {  	[dreg:$0x4] =	wrdreg $0x9  }
0xb1: {  	_ =	task.clear_ibuf [dreg:s6], $0x5FFFF;
	_ =	strace $0x9000004F  }
0xb2: {  	s29 =	simm.s32 $0x9;
	_ =	strace $0x80000051  }
0xb3: {  	_ =	swait.ge [sflag:s29], $0x1  }
0xb4: {  	[sflag:s29] =	ssyncadd.s32 $0xFFFFFFFF  }
0xb5: {  	_ =	strace $0x90000051  }
0xb6: {  	_ =	sfence  }
0xb7: {  	s30 =	sld [smem:$0x0];
	_ =	sdelay $0x2  }
0xb8: {  	s31 =	sshll.u32 s1, $0xD;
	s1 =	sshrl.u32 s1, $0x2  }
0xb9: {  	s3 =	sand.u32 $0x4000, s31;
	s1 =	sadd.s32 s1, s30  }
0xba: {  	s0 =	sor.u32 s3, s0;
	s1 =	sshll.u32 s1, $0x11  }
0xbb: {  	s0 =	sor.u32 s1, s0  }
0xbc: {  	s0 =	sadd.s32 $0x8F2B, s0  }
0xbd: {  	[sflag:s0] =	ssyncadd.remote.s32 $0x1  }
0xbe: {  	_ =	sfence.sel $0xFFFF  }
0xbf: {  	[dreg:$0x0] =	wrdreg $0xFFFFFFFF;
	(pc) =	sbr.abs _section_cstart, $3  }
0xc0: {  	[dreg:$0x1] =	wrdreg $0xFFFFFFFF  }
0xc1: {  	_ =	task.clear_ibuf [dreg:s6], $0x2FFFF;
	_ =	strace $0x9FFFFFFF  }
0xc2: {  	(tm) =	ssettm $0x7FFFFFFF  }
0xc3: {  	_ =	shalt  }
tec
execute0_lowered:
.L_overlay_start_1:
0x0: {  	(tag) =	ssettag $0x1  }
0x1: {  	s1 =	srdreg.scid;
	s6 =	rddreg [dreg:$0x0]  }
0x2: {  	s0 =	stileid.u32;
	s2 =	rddreg [dreg:$0x1]  }
0x3: {  	s3 =	simm.s32 $0x0;
	s14 =	simm.s32 $0x5000;
	s15 =	simm.s32 $0x2  }
0x4: {  	s16 =	simm.s32 $0x2800;
	s17 =	simm.s32 $0x80;
	s18 =	simm.s32 $0x1  }
0x5: {  	s5 =	sand.u32 $0x1, s1;
	s28 =	sshll.u32 s0, $0x1;
	s8 =	smul.u32 $0x2800, s0  }
0x6: {  	[smem:$0x7FF] =	sst s3;
	s9 =	smul.u32 $0x50000, s0;
	s4 =	sadd.s32 $0xEC00, s6  }
0x7: {  	s19 =	sshll.u32 s0, $0x6;
	s1 =	sor.u32 s5, s28;
	s10 =	smul.u32 $0x28000, s5  }
0x8: {  	s29 =	ssub.s32 $0x2, s5;
	s19 =	sor.u32 $0x1C02, s19;
	s7 =	smul.u32 $0x500, s1  }
0x9: {  	s1 =	rddreg [dreg:$0x2];
	_ =	strace $0x80000050;
	s30 =	sshrl.u32 s9, $0x2  }
0xa: {  	s31 =	sshrl.u32 s29, $0x1;
	s8 =	sadd.s32 s8, s10;
	s5 =	sadd.s32 s30, s2  }
0xb: {  	s13 =	ssub.s32 s29, s31;
	s11 =	sadd.s32 s7, s6;
	s12 =	sadd.s32 s8, s6  }
0xc: {  	s6 =	sadd.s32 $0x4000, s5;
	s7 =	sadd.s32 $0x8000, s5;
	s8 =	sadd.s32 $0xC000, s5  }
0xd: {  	s9 =	sadd.s32 $0x10000, s5;
	s13 =	smax.u32 s13, $0x1;
	s20 =	sshrl.u32 s5, $0x3  }
0xe: {  	v0 =	vimm.f32 $0.0e+00;
	s10 =	sadd.s32 $0x5EC00, s11;
	s11 =	sadd.s32 $0x4C00, s11;
	s12 =	sadd.s32 $0x68C00, s12  }
.LBB2_1:
0xf: {  	s21 =	simm.s32 $0x0;
	s22 =	simm.s32 $0x200  }
.LBB2_2:
0x10: {  	p0 =	sne.s32 s22, $0xFE00;
	[tilespmem:s21+$0x5070] =	vst v0  }
0x11: {  	[tilespmem:s21+$0x5000] =	vst v0  }
0x12: {  	[tilespmem:s21+$0x5010] =	vst v0  }
.Ltmp0:
0x13: {  	[tilespmem:s21+$0x5020] =	vst v0;
	(pc) =	sbr.rel @p0 .LBB2_2-.Ltmp0, $4  }
0x14: {  	[tilespmem:s21+$0x5030] =	vst v0  }
0x15: {  	[tilespmem:s21+$0x5040] =	vst v0  }
0x16: {  	[tilespmem:s21+$0x5050] =	vst v0  }
0x17: {  	[tilespmem:s21+$0x5060] =	vst v0;
	s21 =	sshra.s32 s22, $0x2;
	s22 =	sadd.s32 $0x200, s22  }
0x18: {  	[tilespmem:s21+$0x5070] =	vst v0  }
0x19: {  	[tilespmem:s21+$0x5000] =	vst v0  }
0x1a: {  	[tilespmem:s21+$0x5010] =	vst v0  }
0x1b: {  	[tilespmem:s21+$0x5020] =	vst v0  }
0x1c: {  	[tilespmem:s21+$0x5030] =	vst v0  }
0x1d: {  	[tilespmem:s21+$0x5040] =	vst v0  }
0x1e: {  	[tilespmem:s21+$0x5050] =	vst v0  }
0x1f: {  	[tilespmem:s21+$0x5060] =	vst v0  }
0x20: {  	[spmem:s5] =	stream.linear.scatter [tilespmem:s14], [sflag:$0x2], $0x4000, $0x38;
	[tilespmem:$0x1D000] =	vst v63  }
0x21: {  	_ =	swait.ge [sflag:s15], $0x4000  }
0x22: {  	[sflag:s15] =	ssyncset.done $0x0  }
0x23: {  	[sflag:s15] =	ssyncadd.s32 $0xFFFFC000  }
0x24: {  	[spmem:s6] =	stream.linear.scatter [tilespmem:s14], [sflag:$0x2], $0x4000, $0x38;
	[tilespmem:$0x1D000] =	vst v63  }
0x25: {  	_ =	swait.ge [sflag:s15], $0x4000  }
0x26: {  	[sflag:s15] =	ssyncset.done $0x0  }
0x27: {  	[sflag:s15] =	ssyncadd.s32 $0xFFFFC000  }
0x28: {  	[spmem:s7] =	stream.linear.scatter [tilespmem:s14], [sflag:$0x2], $0x4000, $0x38;
	[tilespmem:$0x1D000] =	vst v63  }
0x29: {  	_ =	swait.ge [sflag:s15], $0x4000  }
0x2a: {  	[sflag:s15] =	ssyncset.done $0x0  }
0x2b: {  	[sflag:s15] =	ssyncadd.s32 $0xFFFFC000  }
0x2c: {  	[spmem:s8] =	stream.linear.scatter [tilespmem:s14], [sflag:$0x2], $0x4000, $0x38;
	[tilespmem:$0x1D000] =	vst v63  }
0x2d: {  	_ =	swait.ge [sflag:s15], $0x4000  }
0x2e: {  	[sflag:s15] =	ssyncset.done $0x0  }
0x2f: {  	[sflag:s15] =	ssyncadd.s32 $0xFFFFC000  }
0x30: {  	[spmem:s9] =	stream.linear.scatter [tilespmem:s14], [sflag:$0x2], $0x4000, $0x38;
	[tilespmem:$0x1D000] =	vst v63  }
0x31: {  	_ =	swait.ge [sflag:s15], $0x4000  }
0x32: {  	[sflag:s15] =	ssyncset.done $0x0  }
0x33: {  	[sflag:s15] =	ssyncadd.s32 $0xFFFFC000  }
0x34: {  	s29 =	simm.s32 $0x0;
	[bflag:$0x0] =	sbarrier.arrive $0xFFFF  }
0x35: {  	[tilespmem:s29], [sflag:$0x2] =	stream.linear.gather [hbm4b:s10+s29], $0x2780, $0x38;
	[tilespmem:$0x1D000] =	vst v63  }
0x36: {  	_ =	swait.ge [sflag:s15], $0x2780  }
0x37: {  	[sflag:s15] =	ssyncset.done $0x0  }
0x38: {  	[sflag:s15] =	ssyncadd.s32 $0xFFFFD880  }
0x39: {  	[tilespmem:s16], [sflag:$0x2] =	stream.linear.gather [hbm4b:s11+s29], $0x2780, $0x38;
	[tilespmem:$0x1D000] =	vst v63  }
0x3a: {  	_ =	swait.ge [sflag:s15], $0x2780  }
0x3b: {  	[sflag:s15] =	ssyncset.done $0x0  }
0x3c: {  	s30 =	simm.s32 $0x0;
	[sflag:s15] =	ssyncadd.s32 $0xFFFFD880  }
0x3d: {  	[tilespmem:s14], [sflag:$0x1] =	stream.indirect.gather [hbm4b:s4+s17], $0x80, s30, s17, $0xb8;
	[tilespmem:$0x1D000] =	vst v63  }
0x3e: {  	_ =	swait.ge [sflag:s18], $0x4000  }
0x3f: {  	[sflag:s18] =	ssyncset.done $0x0  }
0x40: {  	s31 =	simm.s32 $0x2800;
	[sflag:s18] =	ssyncadd.s32 $0xFFFFC000  }
0x41: {  	[spmem:s2] =	stream.indirect.scatter.add.f32 [tilespmem:s14], [sflag:$0x2], $0x80, s31, s17, $0xb8;
	[tilespmem:$0x1D000] =	vst v63  }
0x42: {  	_ =	swait.ge [sflag:s15], $0x4000  }
0x43: {  	s21 =	simm.s32 $0x200;
	s22 =	simm.s32 $0x400;
	[sflag:s15] =	ssyncset.done $0x0  }
.LBB2_4:
0x44: {  	s23 =	sshra.s32 s21, $0x2  }
0x45: {  	[sflag:s15] =	ssyncadd.s32 $0xFFFFC000;
	s21 =	smov.u32 s22;
	s24 =	sadd.s32 $0x200, s22  }
0x46: {  	[tilespmem:s14], [sflag:$0x1] =	stream.indirect.gather [hbm4b:s4+s17], $0x80, s23, s17, $0xb8;
	[tilespmem:$0x1D000] =	vst v63  }
0x47: {  	p0 =	sne.s32 s22, $0x9C00;
	_ =	swait.ge [sflag:s18], $0x4000  }
.Ltmp1:
0x48: {  	[sflag:s18] =	ssyncset.done $0x0;
	(pc) =	sbr.rel @p0 .LBB2_4-.Ltmp1, $4  }
0x49: {  	s22 =	sadd.s32 $0x2800, s23;
	[sflag:s18] =	ssyncadd.s32 $0xFFFFC000  }
0x4a: {  	[spmem:s2] =	stream.indirect.scatter.add.f32 [tilespmem:s14], [sflag:$0x2], $0x80, s22, s17, $0xb8;
	[tilespmem:$0x1D000] =	vst v63  }
0x4b: {  	_ =	swait.ge [sflag:s15], $0x4000  }
0x4c: {  	s22 =	smov.u32 s24;
	[sflag:s15] =	ssyncset.done $0x0  }
0x4d: {  	s21 =	sshra.s32 s21, $0x2;
	[sflag:s15] =	ssyncadd.s32 $0xFFFFC000  }
0x4e: {  	[tilespmem:s14], [sflag:$0x1] =	stream.indirect.gather [hbm4b:s4+s17], $0x80, s21, s17, $0xb8;
	[tilespmem:$0x1D000] =	vst v63  }
0x4f: {  	_ =	swait.ge [sflag:s18], $0x4000  }
0x50: {  	[sflag:s18] =	ssyncset.done $0x0  }
0x51: {  	s21 =	sadd.s32 $0x2800, s21;
	[sflag:s18] =	ssyncadd.s32 $0xFFFFC000  }
0x52: {  	[spmem:s2] =	stream.indirect.scatter.add.f32 [tilespmem:s14], [sflag:$0x2], $0x80, s21, s17, $0xb8;
	[tilespmem:$0x1D000] =	vst v63  }
0x53: {  	_ =	swait.ge [sflag:s15], $0x4000  }
0x54: {  	s3 =	sadd.s32 $0x1, s3;
	[sflag:s15] =	ssyncset.done $0x0  }
0x55: {  	p0 =	sne.s32 s3, s13;
	[sflag:s15] =	ssyncadd.s32 $0xFFFFC000  }
.Ltmp2:
0x56: {  	[bflag:$0x0] =	sbarrier.arrive $0xFFFF;
	(pc) =	sbr.rel @p0 .LBB2_1-.Ltmp2, $4  }
0x57: {  	[hbm:s12], [sflag:s19] =	dma.local [spmem:s20], $0x2800  }
0x58: {  	_ =	swait.ge [sflag:s15], $0x2800  }
0x59: {  	[sflag:s15] =	ssyncset.done $0x0  }
0x5a: {  	[sflag:s15] =	ssyncadd.s32 $0xFFFFD800  }
0x5b: {  	_ =	sfence.sel $0x180000  }
0x5c: {  	[bflag:$0x0] =	sbarrier.arrive $0xFFFF  }
0x5d: {  	p0 =	sne.s32 s0, $0x0;
	_ =	strace $0x90000050  }
0x5e: {  	s0 =	sadd.s32 @!p0 $0x100000, s1;
	[bflag:$0x2] =	sbarrier.arrive $0xFFFF  }
0x5f: {  	[sflag:s0] =	ssyncadd.tile.s32 @!p0 $0x1;
	_ =	shalt  }
.Lfunc_end2:
_tile_overlayer_lowered:
.L_overlay_start_2:
0x60: {  	(tag) =	ssettag $0x2  }
0x61: {  	s0 =	rddreg [dreg:$0x0];
	s2 =	stileid.u32  }
0x62: {  	s1 =	rddreg [dreg:$0x1];
	p0 =	sne.s32 s2, $0x0  }
0x63: {  	s3 =	rddreg [dreg:$0x2];
	[bflag:$0x3] =	sbarrier.arrive $0xFFFF;
	s2 =	simm.s32 @!p0 $0x1C02  }
0x64: {  	[timem:s3], [sflag:s2] =	dma.local @!p0 [hbm:s0], s1  }
0x65: {  	s0 =	simm.s32 @!p0 $0x2  }
0x66: {  	_ =	swait.ge @!p0 [sflag:s0], s1  }
0x67: {  	s1 =	ssub.s32 @!p0 $0x0, s1;
	[sflag:s0] =	ssyncset.done @!p0 $0x0  }
0x68: {  	[sflag:s0] =	ssyncadd.s32 @!p0 s1  }
0x69: {  	[bflag:$0x3] =	sbarrier.arrive $0xFFFF  }
0x6a: {  	_ =	shalt  }

</sc_bundles>
